<compile_context>
chip_gen: v7x
topology: tpu7x:2x2x1
jax: 0.10.2.dev20260603
libtpu: 0.0.44.dev20260713+nightly
codegen_flags: <defaults>
</compile_context>

<pallas_src>
import functools

import jax
import jax.numpy as jnp
import numpy as np
from jax import lax
from jax.experimental import pallas as pl
from jax.experimental.pallas import tpu as pltpu
from jax.experimental.pallas import tpu_sc as plsc

_DIM = 256
_NH = 8
_M = 128
_TOPK = 8
_DPOS = 3
_N = 4096
_NB = _N // _M
_EH = _DIM // _NH
_NEG = np.float32(-1e5)
_SCALE = np.float32(1.0 / np.sqrt(_EH))
_TS = 512
_BQ = 256
_PROJ_CHUNK = 512
_AUG = _EH + _NB
_bf = jnp.bfloat16
_f32 = jnp.float32


def _dot_t(a, b):
    return jax.lax.dot_general(a, b, (((1,), (1,)), ((), ())),
                               preferred_element_type=_f32)


def _qprep_kernel(x_ref, pos_ref, wpet_ref, bpe_ref, wq_ref, bq_ref,
                  wk_ref, bk_ref, kbar_ref, kb_ref):
    i = pl.program_id(0)
    p = pos_ref[...]
    rel = (p - jnp.mean(p, axis=0, keepdims=True)).astype(_bf)
    pe = rel[:, 0:1].astype(_f32) * wpet_ref[0:1, :].astype(_f32)
    for d in range(1, _DPOS):
        pe = pe + rel[:, d:d + 1].astype(_f32) * wpet_ref[d:d + 1, :].astype(_f32)
    xp = (x_ref[...] + pe) + bpe_ref[...]
    xb = xp.astype(_bf)
    ind = (jax.lax.broadcasted_iota(jnp.int32, (_M, _NB), 1) == i).astype(_bf)
    for h in range(_NH):
        q = _dot_t(xb, wq_ref[h]) + bq_ref[h]
        kb_ref[h, :, :] = jnp.concatenate([q.astype(_bf), ind], axis=1)
    k = _dot_t(xb, wk_ref[...]) + bk_ref[...]
    kbar_ref[0, :, :] = jnp.mean(k, axis=0, keepdims=True)


def _sim_kernel(c_ref, kb_ref, sim_ref):
    centers = c_ref[0].astype(_bf)
    q = kb_ref[0][:, :_EH]
    sim_ref[0, :, :] = _dot_t(centers, q)


_SC_CHUNK = _N // 4
_SC_L = 16


def _sc_select_body(sim_hbm, bias_hbm, sim_v, bias_v):
    wid = lax.axis_index("s") * 2 + lax.axis_index("c")
    pltpu.sync_copy(sim_hbm.at[wid], sim_v)

    def group(g, carry):
        one, zero = np.float32(1.0), np.float32(0.0)
        sl = pl.ds(g * _SC_L, _SC_L)
        vs = [sim_v[b, sl] for b in range(_NB)]
        t = [jnp.full((_SC_L,), -np.inf, _f32) for _ in range(_TOPK)]
        for b in range(_NB):
            cur = vs[b]
            for j in range(_TOPK):
                hi = jnp.maximum(t[j], cur)
                cur = jnp.minimum(t[j], cur)
                t[j] = hi
        t8 = t[_TOPK - 1]
        ngt = jnp.zeros((_SC_L,), _f32)
        for b in range(_NB):
            ngt = ngt + jnp.where(vs[b] > t8, one, zero)
        rem = np.float32(_TOPK) - ngt
        for b in range(_NB):
            takeeq = jnp.logical_and(vs[b] == t8, rem > 0)
            take = jnp.logical_or(vs[b] > t8, takeeq)
            rem = rem - jnp.where(takeeq, one, zero)
            bias_v[b, sl] = jnp.where(take, zero, _NEG)
        return carry

    lax.fori_loop(0, _SC_CHUNK // _SC_L, group, 0)
    pltpu.sync_copy(bias_v, bias_hbm.at[wid])


_sc_select = functools.partial(
    pl.kernel,
    mesh=plsc.VectorSubcoreMesh(core_axis_name="c", subcore_axis_name="s"),
    out_type=jax.ShapeDtypeStruct((32, _NB, _SC_CHUNK), _f32),
    scratch_types=[
        pltpu.VMEM((_NB, _SC_CHUNK), _f32),
        pltpu.VMEM((_NB, _SC_CHUNK), _f32),
    ],
)(_sc_select_body)


def _attn_kernel(bias_ref, kb_ref, o_ref):
    ib = pl.program_id(1)
    kb = kb_ref[0]
    qrows = kb_ref[0, pl.ds(ib * _BQ, _BQ), 0:_EH]
    qs = (qrows.astype(_f32) * _SCALE).astype(_bf)
    qa = jnp.concatenate([qs, bias_ref[0]], axis=1)
    s = _dot_t(qa, kb)
    p = jnp.exp(s).astype(_bf)
    o = jax.lax.dot_general(
        p, kb, (((1,), (0,)), ((), ())), preferred_element_type=_f32)
    l = jnp.sum(o[:, _EH:], axis=1, keepdims=True)
    o_ref[0, :, :] = o[:, :_EH] / l


def _proj_kernel(a_ref, wp_ref, bp_ref, o_ref):
    acc = jnp.zeros((_PROJ_CHUNK, _DIM), _f32) + bp_ref[...]
    for h in range(_NH):
        acc = acc + jax.lax.dot_general(
            a_ref[h].astype(_bf), wp_ref[h], (((1,), (0,)), ((), ())),
            preferred_element_type=_f32)
    o_ref[...] = acc


def kernel(x, pos, W_qkv, b_qkv, W_proj, b_proj, W_pe, b_pe):
    Wq = W_qkv[0::3].reshape(_NH, _EH, _DIM).astype(_bf)
    bq = b_qkv[0::3].reshape(_NH, 1, _EH)
    Wk = W_qkv[1::3].astype(_bf)
    bk = b_qkv[1::3].reshape(1, _DIM)
    WpeT = W_pe.T.astype(_bf)
    bpe = b_pe.reshape(1, _DIM)
    Wp = W_proj.T.reshape(_NH, _EH, _DIM).astype(_bf)
    bp = b_proj.reshape(1, _DIM)

    kbar, kb = pl.pallas_call(
        _qprep_kernel,
        grid=(_NB,),
        in_specs=[
            pl.BlockSpec((_M, _DIM), lambda i: (i, 0)),
            pl.BlockSpec((_M, _DPOS), lambda i: (i, 0)),
            pl.BlockSpec((_DPOS, _DIM), lambda i: (0, 0)),
            pl.BlockSpec((1, _DIM), lambda i: (0, 0)),
            pl.BlockSpec((_NH, _EH, _DIM), lambda i: (0, 0, 0)),
            pl.BlockSpec((_NH, 1, _EH), lambda i: (0, 0, 0)),
            pl.BlockSpec((_DIM, _DIM), lambda i: (0, 0)),
            pl.BlockSpec((1, _DIM), lambda i: (0, 0)),
        ],
        out_specs=[
            pl.BlockSpec((1, 1, _DIM), lambda i: (i, 0, 0)),
            pl.BlockSpec((_NH, _M, _AUG), lambda i: (0, i, 0)),
        ],
        out_shape=[
            jax.ShapeDtypeStruct((_NB, 1, _DIM), _f32),
            jax.ShapeDtypeStruct((_NH, _N, _AUG), _bf),
        ],
    )(x, pos, WpeT, bpe, Wq, bq, Wk, bk)

    centers = jnp.transpose(kbar.reshape(_NB, _NH, _EH), (1, 0, 2))

    _TPW = _SC_CHUNK // _TS
    sim4 = pl.pallas_call(
        _sim_kernel,
        grid=(_NH, _N // _TS),
        in_specs=[
            pl.BlockSpec((1, _NB, _EH), lambda h, c: (h, 0, 0)),
            pl.BlockSpec((1, _TS, _AUG), lambda h, c: (h, c, 0)),
        ],
        out_specs=pl.BlockSpec((1, _NB, _TS),
                               lambda h, c: (h * 4 + c // _TPW, 0, c % _TPW)),
        out_shape=jax.ShapeDtypeStruct((32, _NB, _SC_CHUNK), _f32),
    )(centers, kb)

    bias4 = _sc_select(sim4)
    bias_tok = (bias4.reshape(_NH, 4, _NB, _SC_CHUNK)
                .transpose(0, 1, 3, 2)
                .reshape(_NH, _N, _NB).astype(_bf))

    attn = pl.pallas_call(
        _attn_kernel,
        grid=(_NH, _N // _BQ),
        in_specs=[
            pl.BlockSpec((1, _BQ, _NB), lambda h, i: (h, i, 0)),
            pl.BlockSpec((1, _N, _AUG), lambda h, i: (h, 0, 0)),
        ],
        out_specs=pl.BlockSpec((1, _BQ, _EH), lambda h, i: (h, i, 0)),
        out_shape=jax.ShapeDtypeStruct((_NH, _N, _EH), _f32),
    )(bias_tok, kb)

    out = pl.pallas_call(
        _proj_kernel,
        grid=(_N // _PROJ_CHUNK,),
        in_specs=[
            pl.BlockSpec((_NH, _PROJ_CHUNK, _EH), lambda r: (0, r, 0)),
            pl.BlockSpec((_NH, _EH, _DIM), lambda r: (0, 0, 0)),
            pl.BlockSpec((1, _DIM), lambda r: (0, 0)),
        ],
        out_specs=pl.BlockSpec((_PROJ_CHUNK, _DIM), lambda r: (r, 0)),
        out_shape=jax.ShapeDtypeStruct((_N, _DIM), _f32),
    )(attn, Wp, bp)

    return out

# --- scband reference (transcript-rebuilt; emitter-appended) ---
"""Pipeline reference for scband-natively-sparse-ball-attention-33870112096810 (READ-ONLY COPY).

The authoritative reference and input builder live on the scoring server;
editing this copy changes nothing except your own understanding.
"""

import jax, jax.numpy as jnp
import numpy as np

DIM = 256; NH = 8; M = 128; TOPK = 8; DPOS = 3
N = 4096; NB = N // M; EH = DIM // NH


def setup_inputs(seed: int = 0):
    key = jax.random.key(seed)
    ks = jax.random.split(key, 8)

    def lin(k, fan_out, fan_in):
        b = 1.0 / np.sqrt(fan_in)
        kw, kb = jax.random.split(k)
        W = jax.random.uniform(kw, (fan_out, fan_in), jnp.float32, -b, b)
        bias = jax.random.uniform(kb, (fan_out,), jnp.float32, -b, b)
        return W, bias

    x = jax.random.normal(ks[0], (N, DIM), dtype=jnp.float32)
    pos = jax.random.normal(ks[1], (N, DPOS), dtype=jnp.float32)
    W_qkv, b_qkv = lin(ks[2], 3 * DIM, DIM)
    W_proj, b_proj = lin(ks[3], DIM, DIM)
    W_pe, b_pe = lin(ks[4], DIM, DPOS)
    return {"x": x, "pos": pos, "W_qkv": W_qkv, "b_qkv": b_qkv,
            "W_proj": W_proj, "b_proj": b_proj, "W_pe": W_pe, "b_pe": b_pe}


def _forward(x, pos, W_qkv, b_qkv, W_proj, b_proj, W_pe, b_pe):
    # compute_rel_pos (torch.no_grad in reference -> stop_gradient)
    p = jax.lax.stop_gradient(pos).reshape(NB, M, DPOS)
    rel = (p - p.mean(axis=1, keepdims=True)).reshape(N, DPOS)
    x = x + rel @ W_pe.T + b_pe
    # qkv: rearrange '(n m) (H E K) -> K n H m E'
    qkv = (x @ W_qkv.T + b_qkv).reshape(NB, M, NH, EH, 3)
    q = jnp.transpose(qkv[..., 0], (0, 2, 1, 3))  # n H m E
    k = jnp.transpose(qkv[..., 1], (0, 2, 1, 3))  # n H m E
    # get_topk_idx (torch.no_grad in reference)
    queries = jax.lax.stop_gradient(jnp.transpose(q, (1, 0, 2, 3)).reshape(NH, N, EH))  # H (n m) E
    keys_center = jax.lax.stop_gradient(jnp.transpose(k.mean(axis=2), (1, 2, 0)))  # H E n
    similarity = queries @ keys_center  # H N n
    topk_idx = jax.lax.top_k(similarity, TOPK)[1]  # H N topk
    topk_idx = jnp.transpose(topk_idx, (1, 0, 2))  # N H topk
    # create_selection_block_mask: one-hot scatter of selected balls, then
    # nsa_mask_mod(b,h,q_idx,kv_idx) = one_hot[q_idx, h, kv_idx // ball_size]
    selected = jnp.sum(jax.nn.one_hot(topk_idx, NB, dtype=jnp.float32), axis=2) > 0  # N H n
    kv_ball = jnp.arange(N) // M
    mask = jnp.transpose(selected[:, :, kv_ball], (1, 0, 2))  # H N N
    # flex_attn_reshape 'n H m E -> 1 H (n m) E'. NOTE: the original code assigns
    # k = v = reshape(q) (a bug in the reference), reproduced faithfully here.
    qf = jnp.transpose(q, (1, 0, 2, 3)).reshape(NH, N, EH)
    kf = qf
    vf = qf
    scores = (qf @ jnp.transpose(kf, (0, 2, 1))) * (1.0 / np.sqrt(EH))  # H N N
    scores = jnp.where(mask, scores, -1e30)
    probs = jax.nn.softmax(scores, axis=-1)
    attn = probs @ vf  # H N E
    attn = jnp.transpose(attn, (1, 0, 2)).reshape(N, NH * EH)  # nm (H E)
    return attn @ W_proj.T + b_proj


def reference(x, pos, W_qkv, b_qkv, W_proj, b_proj, W_pe, b_pe):
    return _forward(x, pos, W_qkv, b_qkv, W_proj, b_proj, W_pe, b_pe)

if __name__ == "__main__":
    import jax
    _d = setup_inputs()
    print(jax.jit(kernel)(*tuple(_d.values())))

</pallas_src>

<mosaic_0001>
#map = affine_map<(d0, d1) -> (0, 0, 0)>
module attributes {stable_mosaic.version = 14 : i64} {
  func.func @_sc_select_body(%arg0: i32, %arg1: i32, %arg2: memref<32x32x1024xf32, #tpu.memory_space<hbm>>, %arg3: memref<32x32x1024xf32, #tpu.memory_space<hbm>>, %arg4: memref<32x1024xf32, #tpu.memory_space<vmem>>, %arg5: memref<32x1024xf32, #tpu.memory_space<vmem>>) attributes {dimension_semantics = [#tpu.dimension_semantics<core_parallel>, #tpu.dimension_semantics<subcore_parallel>], iteration_bounds = array<i64: 2, 16>, scalar_prefetch = 0 : i64, scratch_operands = 2 : i64, tpu.core_type = #tpu.core_type<sc_vector_subcore>, window_params = [{transform_indices = #map}, {transform_indices = #map}]} {
    %mul3A = arith.constant 2 : i32
    %mul3A_0 = arith.muli %arg1, %mul3A : i32
    %add3A = arith.addi %mul3A_0, %arg0 : i32
    "tpu.region"() ({
      %run_scoped3A = tpu.sem_alloc : memref<!tpu.dma_semaphore, #tpu.memory_space<semaphore_mem>>
      %dma_start3A = arith.constant 0 : i32
      %dma_start3A_6 = arith.constant 0 : i32
      %dma_start3A_7 = tpu.memref_slice %arg2[%add3A, %dma_start3A, %dma_start3A_6] : memref<32x32x1024xf32, #tpu.memory_space<hbm>> -> memref<1x32x1024xf32, #tpu.memory_space<hbm>>
      %dma_start3A_8 = tpu.memref_squeeze %dma_start3A_7 : memref<1x32x1024xf32, #tpu.memory_space<hbm>> -> memref<32x1024xf32, #tpu.memory_space<hbm>>
      %dma_start3A_9 = arith.constant 0 : i32
      %dma_start3A_10 = arith.constant 0 : i32
      %dma_start3A_11 = tpu.memref_slice %arg2[%add3A, %dma_start3A_9, %dma_start3A_10] : memref<32x32x1024xf32, #tpu.memory_space<hbm>> -> memref<1x32x1024xf32, #tpu.memory_space<hbm>>
      %dma_start3A_12 = tpu.memref_squeeze %dma_start3A_11 : memref<1x32x1024xf32, #tpu.memory_space<hbm>> -> memref<32x1024xf32, #tpu.memory_space<hbm>>
      tpu.enqueue_dma source(%dma_start3A_12 : memref<32x1024xf32, #tpu.memory_space<hbm>>) target(%arg4 : memref<32x1024xf32, #tpu.memory_space<vmem>>) target_semaphore(%run_scoped3A : memref<!tpu.dma_semaphore, #tpu.memory_space<semaphore_mem>>)
      %dma_wait3A = arith.constant 0 : i32
      %dma_wait3A_13 = arith.constant 0 : i32
      %dma_wait3A_14 = tpu.memref_slice %arg2[%add3A, %dma_wait3A, %dma_wait3A_13] : memref<32x32x1024xf32, #tpu.memory_space<hbm>> -> memref<1x32x1024xf32, #tpu.memory_space<hbm>>
      %dma_wait3A_15 = tpu.memref_squeeze %dma_wait3A_14 : memref<1x32x1024xf32, #tpu.memory_space<hbm>> -> memref<32x1024xf32, #tpu.memory_space<hbm>>
      %dma_wait3A_16 = arith.constant 0 : i32
      %dma_wait3A_17 = arith.constant 0 : i32
      %dma_wait3A_18 = tpu.memref_slice %arg2[%add3A, %dma_wait3A_16, %dma_wait3A_17] : memref<32x32x1024xf32, #tpu.memory_space<hbm>> -> memref<1x32x1024xf32, #tpu.memory_space<hbm>>
      %dma_wait3A_19 = tpu.memref_squeeze %dma_wait3A_18 : memref<1x32x1024xf32, #tpu.memory_space<hbm>> -> memref<32x1024xf32, #tpu.memory_space<hbm>>
      tpu.wait_dma2 semaphore(%run_scoped3A : memref<!tpu.dma_semaphore, #tpu.memory_space<semaphore_mem>>) src(%dma_wait3A_19 : memref<32x1024xf32, #tpu.memory_space<hbm>>) dst(%arg4 : memref<32x1024xf32, #tpu.memory_space<vmem>>)
      tpu.yield
    }) : () -> ()
    %scan3A = arith.constant 0 : i32
    %scan3A_1 = arith.constant 0 : i32
    %scan3A_2 = arith.constant 64 : i32
    %scan3A_3 = arith.addi %scan3A_1, %scan3A_2 : i32
    %scan3A_4 = arith.constant 1 : i32
    scf.for %scan3A_6 = %scan3A_1 to %scan3A_3 step %scan3A_4  : i32 {
      %mul3A_7 = arith.constant 16 : i32
      %mul3A_8 = arith.muli %scan3A_6, %mul3A_7 : i32
      %get3A = arith.constant 0 : i32
      %get3A_9 = arith.index_cast %get3A : i32 to index
      %get3A_10 = arith.index_cast %mul3A_8 : i32 to index
      %get3A_11 = tpu.vector_load %arg4[%get3A_9, %get3A_10] {strides = array<i32>} : memref<32x1024xf32, #tpu.memory_space<vmem>>, vector<1x16xf32>,
      %get3A_12 = vector.shape_cast %get3A_11 : vector<1x16xf32> to vector<16xf32>
      %get3A_13 = arith.constant 1 : i32
      %get3A_14 = arith.index_cast %get3A_13 : i32 to index
      %get3A_15 = arith.index_cast %mul3A_8 : i32 to index
      %get3A_16 = tpu.vector_load %arg4[%get3A_14, %get3A_15] {strides = array<i32>} : memref<32x1024xf32, #tpu.memory_space<vmem>>, vector<1x16xf32>,
      %get3A_17 = vector.shape_cast %get3A_16 : vector<1x16xf32> to vector<16xf32>
      %get3A_18 = arith.constant 2 : i32
      %get3A_19 = arith.index_cast %get3A_18 : i32 to index
      %get3A_20 = arith.index_cast %mul3A_8 : i32 to index
      %get3A_21 = tpu.vector_load %arg4[%get3A_19, %get3A_20] {strides = array<i32>} : memref<32x1024xf32, #tpu.memory_space<vmem>>, vector<1x16xf32>,
      %get3A_22 = vector.shape_cast %get3A_21 : vector<1x16xf32> to vector<16xf32>
      %get3A_23 = arith.constant 3 : i32
      %get3A_24 = arith.index_cast %get3A_23 : i32 to index
      %get3A_25 = arith.index_cast %mul3A_8 : i32 to index
      %get3A_26 = tpu.vector_load %arg4[%get3A_24, %get3A_25] {strides = array<i32>} : memref<32x1024xf32, #tpu.memory_space<vmem>>, vector<1x16xf32>,
      %get3A_27 = vector.shape_cast %get3A_26 : vector<1x16xf32> to vector<16xf32>
      %get3A_28 = arith.constant 4 : i32
      %get3A_29 = arith.index_cast %get3A_28 : i32 to index
      %get3A_30 = arith.index_cast %mul3A_8 : i32 to index
      %get3A_31 = tpu.vector_load %arg4[%get3A_29, %get3A_30] {strides = array<i32>} : memref<32x1024xf32, #tpu.memory_space<vmem>>, vector<1x16xf32>,
      %get3A_32 = vector.shape_cast %get3A_31 : vector<1x16xf32> to vector<16xf32>
      %get3A_33 = arith.constant 5 : i32
      %get3A_34 = arith.index_cast %get3A_33 : i32 to index
      %get3A_35 = arith.index_cast %mul3A_8 : i32 to index
      %get3A_36 = tpu.vector_load %arg4[%get3A_34, %get3A_35] {strides = array<i32>} : memref<32x1024xf32, #tpu.memory_space<vmem>>, vector<1x16xf32>,
      %get3A_37 = vector.shape_cast %get3A_36 : vector<1x16xf32> to vector<16xf32>
      %get3A_38 = arith.constant 6 : i32
      %get3A_39 = arith.index_cast %get3A_38 : i32 to index
      %get3A_40 = arith.index_cast %mul3A_8 : i32 to index
      %get3A_41 = tpu.vector_load %arg4[%get3A_39, %get3A_40] {strides = array<i32>} : memref<32x1024xf32, #tpu.memory_space<vmem>>, vector<1x16xf32>,
      %get3A_42 = vector.shape_cast %get3A_41 : vector<1x16xf32> to vector<16xf32>
      %get3A_43 = arith.constant 7 : i32
      %get3A_44 = arith.index_cast %get3A_43 : i32 to index
      %get3A_45 = arith.index_cast %mul3A_8 : i32 to index
      %get3A_46 = tpu.vector_load %arg4[%get3A_44, %get3A_45] {strides = array<i32>} : memref<32x1024xf32, #tpu.memory_space<vmem>>, vector<1x16xf32>,
      %get3A_47 = vector.shape_cast %get3A_46 : vector<1x16xf32> to vector<16xf32>
      %get3A_48 = arith.constant 8 : i32
      %get3A_49 = arith.index_cast %get3A_48 : i32 to index
      %get3A_50 = arith.index_cast %mul3A_8 : i32 to index
      %get3A_51 = tpu.vector_load %arg4[%get3A_49, %get3A_50] {strides = array<i32>} : memref<32x1024xf32, #tpu.memory_space<vmem>>, vector<1x16xf32>,
      %get3A_52 = vector.shape_cast %get3A_51 : vector<1x16xf32> to vector<16xf32>
      %get3A_53 = arith.constant 9 : i32
      %get3A_54 = arith.index_cast %get3A_53 : i32 to index
      %get3A_55 = arith.index_cast %mul3A_8 : i32 to index
      %get3A_56 = tpu.vector_load %arg4[%get3A_54, %get3A_55] {strides = array<i32>} : memref<32x1024xf32, #tpu.memory_space<vmem>>, vector<1x16xf32>,
      %get3A_57 = vector.shape_cast %get3A_56 : vector<1x16xf32> to vector<16xf32>
      %get3A_58 = arith.constant 10 : i32
      %get3A_59 = arith.index_cast %get3A_58 : i32 to index
      %get3A_60 = arith.index_cast %mul3A_8 : i32 to index
      %get3A_61 = tpu.vector_load %arg4[%get3A_59, %get3A_60] {strides = array<i32>} : memref<32x1024xf32, #tpu.memory_space<vmem>>, vector<1x16xf32>,
      %get3A_62 = vector.shape_cast %get3A_61 : vector<1x16xf32> to vector<16xf32>
      %get3A_63 = arith.constant 11 : i32
      %get3A_64 = arith.index_cast %get3A_63 : i32 to index
      %get3A_65 = arith.index_cast %mul3A_8 : i32 to index
      %get3A_66 = tpu.vector_load %arg4[%get3A_64, %get3A_65] {strides = array<i32>} : memref<32x1024xf32, #tpu.memory_space<vmem>>, vector<1x16xf32>,
      %get3A_67 = vector.shape_cast %get3A_66 : vector<1x16xf32> to vector<16xf32>
      %get3A_68 = arith.constant 12 : i32
      %get3A_69 = arith.index_cast %get3A_68 : i32 to index
      %get3A_70 = arith.index_cast %mul3A_8 : i32 to index
      %get3A_71 = tpu.vector_load %arg4[%get3A_69, %get3A_70] {strides = array<i32>} : memref<32x1024xf32, #tpu.memory_space<vmem>>, vector<1x16xf32>,
      %get3A_72 = vector.shape_cast %get3A_71 : vector<1x16xf32> to vector<16xf32>
      %get3A_73 = arith.constant 13 : i32
      %get3A_74 = arith.index_cast %get3A_73 : i32 to index
      %get3A_75 = arith.index_cast %mul3A_8 : i32 to index
      %get3A_76 = tpu.vector_load %arg4[%get3A_74, %get3A_75] {strides = array<i32>} : memref<32x1024xf32, #tpu.memory_space<vmem>>, vector<1x16xf32>,
      %get3A_77 = vector.shape_cast %get3A_76 : vector<1x16xf32> to vector<16xf32>
      %get3A_78 = arith.constant 14 : i32
      %get3A_79 = arith.index_cast %get3A_78 : i32 to index
      %get3A_80 = arith.index_cast %mul3A_8 : i32 to index
      %get3A_81 = tpu.vector_load %arg4[%get3A_79, %get3A_80] {strides = array<i32>} : memref<32x1024xf32, #tpu.memory_space<vmem>>, vector<1x16xf32>,
      %get3A_82 = vector.shape_cast %get3A_81 : vector<1x16xf32> to vector<16xf32>
      %get3A_83 = arith.constant 15 : i32
      %get3A_84 = arith.index_cast %get3A_83 : i32 to index
      %get3A_85 = arith.index_cast %mul3A_8 : i32 to index
      %get3A_86 = tpu.vector_load %arg4[%get3A_84, %get3A_85] {strides = array<i32>} : memref<32x1024xf32, #tpu.memory_space<vmem>>, vector<1x16xf32>,
      %get3A_87 = vector.shape_cast %get3A_86 : vector<1x16xf32> to vector<16xf32>
      %get3A_88 = arith.constant 16 : i32
      %get3A_89 = arith.index_cast %get3A_88 : i32 to index
      %get3A_90 = arith.index_cast %mul3A_8 : i32 to index
      %get3A_91 = tpu.vector_load %arg4[%get3A_89, %get3A_90] {strides = array<i32>} : memref<32x1024xf32, #tpu.memory_space<vmem>>, vector<1x16xf32>,
      %get3A_92 = vector.shape_cast %get3A_91 : vector<1x16xf32> to vector<16xf32>
      %get3A_93 = arith.constant 17 : i32
      %get3A_94 = arith.index_cast %get3A_93 : i32 to index
      %get3A_95 = arith.index_cast %mul3A_8 : i32 to index
      %get3A_96 = tpu.vector_load %arg4[%get3A_94, %get3A_95] {strides = array<i32>} : memref<32x1024xf32, #tpu.memory_space<vmem>>, vector<1x16xf32>,
      %get3A_97 = vector.shape_cast %get3A_96 : vector<1x16xf32> to vector<16xf32>
      %get3A_98 = arith.constant 18 : i32
      %get3A_99 = arith.index_cast %get3A_98 : i32 to index
      %get3A_100 = arith.index_cast %mul3A_8 : i32 to index
      %get3A_101 = tpu.vector_load %arg4[%get3A_99, %get3A_100] {strides = array<i32>} : memref<32x1024xf32, #tpu.memory_space<vmem>>, vector<1x16xf32>,
      %get3A_102 = vector.shape_cast %get3A_101 : vector<1x16xf32> to vector<16xf32>
      %get3A_103 = arith.constant 19 : i32
      %get3A_104 = arith.index_cast %get3A_103 : i32 to index
      %get3A_105 = arith.index_cast %mul3A_8 : i32 to index
      %get3A_106 = tpu.vector_load %arg4[%get3A_104, %get3A_105] {strides = array<i32>} : memref<32x1024xf32, #tpu.memory_space<vmem>>, vector<1x16xf32>,
      %get3A_107 = vector.shape_cast %get3A_106 : vector<1x16xf32> to vector<16xf32>
      %get3A_108 = arith.constant 20 : i32
      %get3A_109 = arith.index_cast %get3A_108 : i32 to index
      %get3A_110 = arith.index_cast %mul3A_8 : i32 to index
      %get3A_111 = tpu.vector_load %arg4[%get3A_109, %get3A_110] {strides = array<i32>} : memref<32x1024xf32, #tpu.memory_space<vmem>>, vector<1x16xf32>,
      %get3A_112 = vector.shape_cast %get3A_111 : vector<1x16xf32> to vector<16xf32>
      %get3A_113 = arith.constant 21 : i32
      %get3A_114 = arith.index_cast %get3A_113 : i32 to index
      %get3A_115 = arith.index_cast %mul3A_8 : i32 to index
      %get3A_116 = tpu.vector_load %arg4[%get3A_114, %get3A_115] {strides = array<i32>} : memref<32x1024xf32, #tpu.memory_space<vmem>>, vector<1x16xf32>,
      %get3A_117 = vector.shape_cast %get3A_116 : vector<1x16xf32> to vector<16xf32>
      %get3A_118 = arith.constant 22 : i32
      %get3A_119 = arith.index_cast %get3A_118 : i32 to index
      %get3A_120 = arith.index_cast %mul3A_8 : i32 to index
      %get3A_121 = tpu.vector_load %arg4[%get3A_119, %get3A_120] {strides = array<i32>} : memref<32x1024xf32, #tpu.memory_space<vmem>>, vector<1x16xf32>,
      %get3A_122 = vector.shape_cast %get3A_121 : vector<1x16xf32> to vector<16xf32>
      %get3A_123 = arith.constant 23 : i32
      %get3A_124 = arith.index_cast %get3A_123 : i32 to index
      %get3A_125 = arith.index_cast %mul3A_8 : i32 to index
      %get3A_126 = tpu.vector_load %arg4[%get3A_124, %get3A_125] {strides = array<i32>} : memref<32x1024xf32, #tpu.memory_space<vmem>>, vector<1x16xf32>,
      %get3A_127 = vector.shape_cast %get3A_126 : vector<1x16xf32> to vector<16xf32>
      %get3A_128 = arith.constant 24 : i32
      %get3A_129 = arith.index_cast %get3A_128 : i32 to index
      %get3A_130 = arith.index_cast %mul3A_8 : i32 to index
      %get3A_131 = tpu.vector_load %arg4[%get3A_129, %get3A_130] {strides = array<i32>} : memref<32x1024xf32, #tpu.memory_space<vmem>>, vector<1x16xf32>,
      %get3A_132 = vector.shape_cast %get3A_131 : vector<1x16xf32> to vector<16xf32>
      %get3A_133 = arith.constant 25 : i32
      %get3A_134 = arith.index_cast %get3A_133 : i32 to index
      %get3A_135 = arith.index_cast %mul3A_8 : i32 to index
      %get3A_136 = tpu.vector_load %arg4[%get3A_134, %get3A_135] {strides = array<i32>} : memref<32x1024xf32, #tpu.memory_space<vmem>>, vector<1x16xf32>,
      %get3A_137 = vector.shape_cast %get3A_136 : vector<1x16xf32> to vector<16xf32>
      %get3A_138 = arith.constant 26 : i32
      %get3A_139 = arith.index_cast %get3A_138 : i32 to index
      %get3A_140 = arith.index_cast %mul3A_8 : i32 to index
      %get3A_141 = tpu.vector_load %arg4[%get3A_139, %get3A_140] {strides = array<i32>} : memref<32x1024xf32, #tpu.memory_space<vmem>>, vector<1x16xf32>,
      %get3A_142 = vector.shape_cast %get3A_141 : vector<1x16xf32> to vector<16xf32>
      %get3A_143 = arith.constant 27 : i32
      %get3A_144 = arith.index_cast %get3A_143 : i32 to index
      %get3A_145 = arith.index_cast %mul3A_8 : i32 to index
      %get3A_146 = tpu.vector_load %arg4[%get3A_144, %get3A_145] {strides = array<i32>} : memref<32x1024xf32, #tpu.memory_space<vmem>>, vector<1x16xf32>,
      %get3A_147 = vector.shape_cast %get3A_146 : vector<1x16xf32> to vector<16xf32>
      %get3A_148 = arith.constant 28 : i32
      %get3A_149 = arith.index_cast %get3A_148 : i32 to index
      %get3A_150 = arith.index_cast %mul3A_8 : i32 to index
      %get3A_151 = tpu.vector_load %arg4[%get3A_149, %get3A_150] {strides = array<i32>} : memref<32x1024xf32, #tpu.memory_space<vmem>>, vector<1x16xf32>,
      %get3A_152 = vector.shape_cast %get3A_151 : vector<1x16xf32> to vector<16xf32>
      %get3A_153 = arith.constant 29 : i32
      %get3A_154 = arith.index_cast %get3A_153 : i32 to index
      %get3A_155 = arith.index_cast %mul3A_8 : i32 to index
      %get3A_156 = tpu.vector_load %arg4[%get3A_154, %get3A_155] {strides = array<i32>} : memref<32x1024xf32, #tpu.memory_space<vmem>>, vector<1x16xf32>,
      %get3A_157 = vector.shape_cast %get3A_156 : vector<1x16xf32> to vector<16xf32>
      %get3A_158 = arith.constant 30 : i32
      %get3A_159 = arith.index_cast %get3A_158 : i32 to index
      %get3A_160 = arith.index_cast %mul3A_8 : i32 to index
      %get3A_161 = tpu.vector_load %arg4[%get3A_159, %get3A_160] {strides = array<i32>} : memref<32x1024xf32, #tpu.memory_space<vmem>>, vector<1x16xf32>,
      %get3A_162 = vector.shape_cast %get3A_161 : vector<1x16xf32> to vector<16xf32>
      %get3A_163 = arith.constant 31 : i32
      %get3A_164 = arith.index_cast %get3A_163 : i32 to index
      %get3A_165 = arith.index_cast %mul3A_8 : i32 to index
      %get3A_166 = tpu.vector_load %arg4[%get3A_164, %get3A_165] {strides = array<i32>} : memref<32x1024xf32, #tpu.memory_space<vmem>>, vector<1x16xf32>,
      %get3A_167 = vector.shape_cast %get3A_166 : vector<1x16xf32> to vector<16xf32>
      %broadcast_in_dim3A = arith.constant 0xFF800000 : f32
      %broadcast_in_dim3A_168 = vector.broadcast %broadcast_in_dim3A : f32 to vector<16xf32>
      %broadcast_in_dim3A_169 = arith.constant 0xFF800000 : f32
      %broadcast_in_dim3A_170 = vector.broadcast %broadcast_in_dim3A_169 : f32 to vector<16xf32>
      %broadcast_in_dim3A_171 = arith.constant 0xFF800000 : f32
      %broadcast_in_dim3A_172 = vector.broadcast %broadcast_in_dim3A_171 : f32 to vector<16xf32>
      %broadcast_in_dim3A_173 = arith.constant 0xFF800000 : f32
      %broadcast_in_dim3A_174 = vector.broadcast %broadcast_in_dim3A_173 : f32 to vector<16xf32>
      %broadcast_in_dim3A_175 = arith.constant 0xFF800000 : f32
      %broadcast_in_dim3A_176 = vector.broadcast %broadcast_in_dim3A_175 : f32 to vector<16xf32>
      %broadcast_in_dim3A_177 = arith.constant 0xFF800000 : f32
      %broadcast_in_dim3A_178 = vector.broadcast %broadcast_in_dim3A_177 : f32 to vector<16xf32>
      %broadcast_in_dim3A_179 = arith.constant 0xFF800000 : f32
      %broadcast_in_dim3A_180 = vector.broadcast %broadcast_in_dim3A_179 : f32 to vector<16xf32>
      %broadcast_in_dim3A_181 = arith.constant 0xFF800000 : f32
      %broadcast_in_dim3A_182 = vector.broadcast %broadcast_in_dim3A_181 : f32 to vector<16xf32>
      %max3A = arith.maximumf %broadcast_in_dim3A_168, %get3A_12 : vector<16xf32>
      %min3A = arith.minimumf %broadcast_in_dim3A_168, %get3A_12 : vector<16xf32>
      %max3A_183 = arith.maximumf %broadcast_in_dim3A_170, %min3A : vector<16xf32>
      %min3A_184 = arith.minimumf %broadcast_in_dim3A_170, %min3A : vector<16xf32>
      %max3A_185 = arith.maximumf %broadcast_in_dim3A_172, %min3A_184 : vector<16xf32>
      %min3A_186 = arith.minimumf %broadcast_in_dim3A_172, %min3A_184 : vector<16xf32>
      %max3A_187 = arith.maximumf %broadcast_in_dim3A_174, %min3A_186 : vector<16xf32>
      %min3A_188 = arith.minimumf %broadcast_in_dim3A_174, %min3A_186 : vector<16xf32>
      %max3A_189 = arith.maximumf %broadcast_in_dim3A_176, %min3A_188 : vector<16xf32>
      %min3A_190 = arith.minimumf %broadcast_in_dim3A_176, %min3A_188 : vector<16xf32>
      %max3A_191 = arith.maximumf %broadcast_in_dim3A_178, %min3A_190 : vector<16xf32>
      %min3A_192 = arith.minimumf %broadcast_in_dim3A_178, %min3A_190 : vector<16xf32>
      %max3A_193 = arith.maximumf %broadcast_in_dim3A_180, %min3A_192 : vector<16xf32>
      %min3A_194 = arith.minimumf %broadcast_in_dim3A_180, %min3A_192 : vector<16xf32>
      %max3A_195 = arith.maximumf %broadcast_in_dim3A_182, %min3A_194 : vector<16xf32>
      %min3A_196 = arith.minimumf %broadcast_in_dim3A_182, %min3A_194 : vector<16xf32>
      %max3A_197 = arith.maximumf %max3A, %get3A_17 : vector<16xf32>
      %min3A_198 = arith.minimumf %max3A, %get3A_17 : vector<16xf32>
      %max3A_199 = arith.maximumf %max3A_183, %min3A_198 : vector<16xf32>
      %min3A_200 = arith.minimumf %max3A_183, %min3A_198 : vector<16xf32>
      %max3A_201 = arith.maximumf %max3A_185, %min3A_200 : vector<16xf32>
      %min3A_202 = arith.minimumf %max3A_185, %min3A_200 : vector<16xf32>
      %max3A_203 = arith.maximumf %max3A_187, %min3A_202 : vector<16xf32>
      %min3A_204 = arith.minimumf %max3A_187, %min3A_202 : vector<16xf32>
      %max3A_205 = arith.maximumf %max3A_189, %min3A_204 : vector<16xf32>
      %min3A_206 = arith.minimumf %max3A_189, %min3A_204 : vector<16xf32>
      %max3A_207 = arith.maximumf %max3A_191, %min3A_206 : vector<16xf32>
      %min3A_208 = arith.minimumf %max3A_191, %min3A_206 : vector<16xf32>
      %max3A_209 = arith.maximumf %max3A_193, %min3A_208 : vector<16xf32>
      %min3A_210 = arith.minimumf %max3A_193, %min3A_208 : vector<16xf32>
      %max3A_211 = arith.maximumf %max3A_195, %min3A_210 : vector<16xf32>
      %min3A_212 = arith.minimumf %max3A_195, %min3A_210 : vector<16xf32>
      %max3A_213 = arith.maximumf %max3A_197, %get3A_22 : vector<16xf32>
      %min3A_214 = arith.minimumf %max3A_197, %get3A_22 : vector<16xf32>
      %max3A_215 = arith.maximumf %max3A_199, %min3A_214 : vector<16xf32>
      %min3A_216 = arith.minimumf %max3A_199, %min3A_214 : vector<16xf32>
      %max3A_217 = arith.maximumf %max3A_201, %min3A_216 : vector<16xf32>
      %min3A_218 = arith.minimumf %max3A_201, %min3A_216 : vector<16xf32>
      %max3A_219 = arith.maximumf %max3A_203, %min3A_218 : vector<16xf32>
      %min3A_220 = arith.minimumf %max3A_203, %min3A_218 : vector<16xf32>
      %max3A_221 = arith.maximumf %max3A_205, %min3A_220 : vector<16xf32>
      %min3A_222 = arith.minimumf %max3A_205, %min3A_220 : vector<16xf32>
      %max3A_223 = arith.maximumf %max3A_207, %min3A_222 : vector<16xf32>
      %min3A_224 = arith.minimumf %max3A_207, %min3A_222 : vector<16xf32>
      %max3A_225 = arith.maximumf %max3A_209, %min3A_224 : vector<16xf32>
      %min3A_226 = arith.minimumf %max3A_209, %min3A_224 : vector<16xf32>
      %max3A_227 = arith.maximumf %max3A_211, %min3A_226 : vector<16xf32>
      %min3A_228 = arith.minimumf %max3A_211, %min3A_226 : vector<16xf32>
      %max3A_229 = arith.maximumf %max3A_213, %get3A_27 : vector<16xf32>
      %min3A_230 = arith.minimumf %max3A_213, %get3A_27 : vector<16xf32>
      %max3A_231 = arith.maximumf %max3A_215, %min3A_230 : vector<16xf32>
      %min3A_232 = arith.minimumf %max3A_215, %min3A_230 : vector<16xf32>
      %max3A_233 = arith.maximumf %max3A_217, %min3A_232 : vector<16xf32>
      %min3A_234 = arith.minimumf %max3A_217, %min3A_232 : vector<16xf32>
      %max3A_235 = arith.maximumf %max3A_219, %min3A_234 : vector<16xf32>
      %min3A_236 = arith.minimumf %max3A_219, %min3A_234 : vector<16xf32>
      %max3A_237 = arith.maximumf %max3A_221, %min3A_236 : vector<16xf32>
      %min3A_238 = arith.minimumf %max3A_221, %min3A_236 : vector<16xf32>
      %max3A_239 = arith.maximumf %max3A_223, %min3A_238 : vector<16xf32>
      %min3A_240 = arith.minimumf %max3A_223, %min3A_238 : vector<16xf32>
      %max3A_241 = arith.maximumf %max3A_225, %min3A_240 : vector<16xf32>
      %min3A_242 = arith.minimumf %max3A_225, %min3A_240 : vector<16xf32>
      %max3A_243 = arith.maximumf %max3A_227, %min3A_242 : vector<16xf32>
      %min3A_244 = arith.minimumf %max3A_227, %min3A_242 : vector<16xf32>
      %max3A_245 = arith.maximumf %max3A_229, %get3A_32 : vector<16xf32>
      %min3A_246 = arith.minimumf %max3A_229, %get3A_32 : vector<16xf32>
      %max3A_247 = arith.maximumf %max3A_231, %min3A_246 : vector<16xf32>
      %min3A_248 = arith.minimumf %max3A_231, %min3A_246 : vector<16xf32>
      %max3A_249 = arith.maximumf %max3A_233, %min3A_248 : vector<16xf32>
      %min3A_250 = arith.minimumf %max3A_233, %min3A_248 : vector<16xf32>
      %max3A_251 = arith.maximumf %max3A_235, %min3A_250 : vector<16xf32>
      %min3A_252 = arith.minimumf %max3A_235, %min3A_250 : vector<16xf32>
      %max3A_253 = arith.maximumf %max3A_237, %min3A_252 : vector<16xf32>
      %min3A_254 = arith.minimumf %max3A_237, %min3A_252 : vector<16xf32>
      %max3A_255 = arith.maximumf %max3A_239, %min3A_254 : vector<16xf32>
      %min3A_256 = arith.minimumf %max3A_239, %min3A_254 : vector<16xf32>
      %max3A_257 = arith.maximumf %max3A_241, %min3A_256 : vector<16xf32>
      %min3A_258 = arith.minimumf %max3A_241, %min3A_256 : vector<16xf32>
      %max3A_259 = arith.maximumf %max3A_243, %min3A_258 : vector<16xf32>
      %min3A_260 = arith.minimumf %max3A_243, %min3A_258 : vector<16xf32>
      %max3A_261 = arith.maximumf %max3A_245, %get3A_37 : vector<16xf32>
      %min3A_262 = arith.minimumf %max3A_245, %get3A_37 : vector<16xf32>
      %max3A_263 = arith.maximumf %max3A_247, %min3A_262 : vector<16xf32>
      %min3A_264 = arith.minimumf %max3A_247, %min3A_262 : vector<16xf32>
      %max3A_265 = arith.maximumf %max3A_249, %min3A_264 : vector<16xf32>
      %min3A_266 = arith.minimumf %max3A_249, %min3A_264 : vector<16xf32>
      %max3A_267 = arith.maximumf %max3A_251, %min3A_266 : vector<16xf32>
      %min3A_268 = arith.minimumf %max3A_251, %min3A_266 : vector<16xf32>
      %max3A_269 = arith.maximumf %max3A_253, %min3A_268 : vector<16xf32>
      %min3A_270 = arith.minimumf %max3A_253, %min3A_268 : vector<16xf32>
      %max3A_271 = arith.maximumf %max3A_255, %min3A_270 : vector<16xf32>
      %min3A_272 = arith.minimumf %max3A_255, %min3A_270 : vector<16xf32>
      %max3A_273 = arith.maximumf %max3A_257, %min3A_272 : vector<16xf32>
      %min3A_274 = arith.minimumf %max3A_257, %min3A_272 : vector<16xf32>
      %max3A_275 = arith.maximumf %max3A_259, %min3A_274 : vector<16xf32>
      %min3A_276 = arith.minimumf %max3A_259, %min3A_274 : vector<16xf32>
      %max3A_277 = arith.maximumf %max3A_261, %get3A_42 : vector<16xf32>
      %min3A_278 = arith.minimumf %max3A_261, %get3A_42 : vector<16xf32>
      %max3A_279 = arith.maximumf %max3A_263, %min3A_278 : vector<16xf32>
      %min3A_280 = arith.minimumf %max3A_263, %min3A_278 : vector<16xf32>
      %max3A_281 = arith.maximumf %max3A_265, %min3A_280 : vector<16xf32>
      %min3A_282 = arith.minimumf %max3A_265, %min3A_280 : vector<16xf32>
      %max3A_283 = arith.maximumf %max3A_267, %min3A_282 : vector<16xf32>
      %min3A_284 = arith.minimumf %max3A_267, %min3A_282 : vector<16xf32>
      %max3A_285 = arith.maximumf %max3A_269, %min3A_284 : vector<16xf32>
      %min3A_286 = arith.minimumf %max3A_269, %min3A_284 : vector<16xf32>
      %max3A_287 = arith.maximumf %max3A_271, %min3A_286 : vector<16xf32>
      %min3A_288 = arith.minimumf %max3A_271, %min3A_286 : vector<16xf32>
      %max3A_289 = arith.maximumf %max3A_273, %min3A_288 : vector<16xf32>
      %min3A_290 = arith.minimumf %max3A_273, %min3A_288 : vector<16xf32>
      %max3A_291 = arith.maximumf %max3A_275, %min3A_290 : vector<16xf32>
      %min3A_292 = arith.minimumf %max3A_275, %min3A_290 : vector<16xf32>
      %max3A_293 = arith.maximumf %max3A_277, %get3A_47 : vector<16xf32>
      %min3A_294 = arith.minimumf %max3A_277, %get3A_47 : vector<16xf32>
      %max3A_295 = arith.maximumf %max3A_279, %min3A_294 : vector<16xf32>
      %min3A_296 = arith.minimumf %max3A_279, %min3A_294 : vector<16xf32>
      %max3A_297 = arith.maximumf %max3A_281, %min3A_296 : vector<16xf32>
      %min3A_298 = arith.minimumf %max3A_281, %min3A_296 : vector<16xf32>
      %max3A_299 = arith.maximumf %max3A_283, %min3A_298 : vector<16xf32>
      %min3A_300 = arith.minimumf %max3A_283, %min3A_298 : vector<16xf32>
      %max3A_301 = arith.maximumf %max3A_285, %min3A_300 : vector<16xf32>
      %min3A_302 = arith.minimumf %max3A_285, %min3A_300 : vector<16xf32>
      %max3A_303 = arith.maximumf %max3A_287, %min3A_302 : vector<16xf32>
      %min3A_304 = arith.minimumf %max3A_287, %min3A_302 : vector<16xf32>
      %max3A_305 = arith.maximumf %max3A_289, %min3A_304 : vector<16xf32>
      %min3A_306 = arith.minimumf %max3A_289, %min3A_304 : vector<16xf32>
      %max3A_307 = arith.maximumf %max3A_291, %min3A_306 : vector<16xf32>
      %min3A_308 = arith.minimumf %max3A_291, %min3A_306 : vector<16xf32>
      %max3A_309 = arith.maximumf %max3A_293, %get3A_52 : vector<16xf32>
      %min3A_310 = arith.minimumf %max3A_293, %get3A_52 : vector<16xf32>
      %max3A_311 = arith.maximumf %max3A_295, %min3A_310 : vector<16xf32>
      %min3A_312 = arith.minimumf %max3A_295, %min3A_310 : vector<16xf32>
      %max3A_313 = arith.maximumf %max3A_297, %min3A_312 : vector<16xf32>
      %min3A_314 = arith.minimumf %max3A_297, %min3A_312 : vector<16xf32>
      %max3A_315 = arith.maximumf %max3A_299, %min3A_314 : vector<16xf32>
      %min3A_316 = arith.minimumf %max3A_299, %min3A_314 : vector<16xf32>
      %max3A_317 = arith.maximumf %max3A_301, %min3A_316 : vector<16xf32>
      %min3A_318 = arith.minimumf %max3A_301, %min3A_316 : vector<16xf32>
      %max3A_319 = arith.maximumf %max3A_303, %min3A_318 : vector<16xf32>
      %min3A_320 = arith.minimumf %max3A_303, %min3A_318 : vector<16xf32>
      %max3A_321 = arith.maximumf %max3A_305, %min3A_320 : vector<16xf32>
      %min3A_322 = arith.minimumf %max3A_305, %min3A_320 : vector<16xf32>
      %max3A_323 = arith.maximumf %max3A_307, %min3A_322 : vector<16xf32>
      %min3A_324 = arith.minimumf %max3A_307, %min3A_322 : vector<16xf32>
      %max3A_325 = arith.maximumf %max3A_309, %get3A_57 : vector<16xf32>
      %min3A_326 = arith.minimumf %max3A_309, %get3A_57 : vector<16xf32>
      %max3A_327 = arith.maximumf %max3A_311, %min3A_326 : vector<16xf32>
      %min3A_328 = arith.minimumf %max3A_311, %min3A_326 : vector<16xf32>
      %max3A_329 = arith.maximumf %max3A_313, %min3A_328 : vector<16xf32>
      %min3A_330 = arith.minimumf %max3A_313, %min3A_328 : vector<16xf32>
      %max3A_331 = arith.maximumf %max3A_315, %min3A_330 : vector<16xf32>
      %min3A_332 = arith.minimumf %max3A_315, %min3A_330 : vector<16xf32>
      %max3A_333 = arith.maximumf %max3A_317, %min3A_332 : vector<16xf32>
      %min3A_334 = arith.minimumf %max3A_317, %min3A_332 : vector<16xf32>
      %max3A_335 = arith.maximumf %max3A_319, %min3A_334 : vector<16xf32>
      %min3A_336 = arith.minimumf %max3A_319, %min3A_334 : vector<16xf32>
      %max3A_337 = arith.maximumf %max3A_321, %min3A_336 : vector<16xf32>
      %min3A_338 = arith.minimumf %max3A_321, %min3A_336 : vector<16xf32>
      %max3A_339 = arith.maximumf %max3A_323, %min3A_338 : vector<16xf32>
      %min3A_340 = arith.minimumf %max3A_323, %min3A_338 : vector<16xf32>
      %max3A_341 = arith.maximumf %max3A_325, %get3A_62 : vector<16xf32>
      %min3A_342 = arith.minimumf %max3A_325, %get3A_62 : vector<16xf32>
      %max3A_343 = arith.maximumf %max3A_327, %min3A_342 : vector<16xf32>
      %min3A_344 = arith.minimumf %max3A_327, %min3A_342 : vector<16xf32>
      %max3A_345 = arith.maximumf %max3A_329, %min3A_344 : vector<16xf32>
      %min3A_346 = arith.minimumf %max3A_329, %min3A_344 : vector<16xf32>
      %max3A_347 = arith.maximumf %max3A_331, %min3A_346 : vector<16xf32>
      %min3A_348 = arith.minimumf %max3A_331, %min3A_346 : vector<16xf32>
      %max3A_349 = arith.maximumf %max3A_333, %min3A_348 : vector<16xf32>
      %min3A_350 = arith.minimumf %max3A_333, %min3A_348 : vector<16xf32>
      %max3A_351 = arith.maximumf %max3A_335, %min3A_350 : vector<16xf32>
      %min3A_352 = arith.minimumf %max3A_335, %min3A_350 : vector<16xf32>
      %max3A_353 = arith.maximumf %max3A_337, %min3A_352 : vector<16xf32>
      %min3A_354 = arith.minimumf %max3A_337, %min3A_352 : vector<16xf32>
      %max3A_355 = arith.maximumf %max3A_339, %min3A_354 : vector<16xf32>
      %min3A_356 = arith.minimumf %max3A_339, %min3A_354 : vector<16xf32>
      %max3A_357 = arith.maximumf %max3A_341, %get3A_67 : vector<16xf32>
      %min3A_358 = arith.minimumf %max3A_341, %get3A_67 : vector<16xf32>
      %max3A_359 = arith.maximumf %max3A_343, %min3A_358 : vector<16xf32>
      %min3A_360 = arith.minimumf %max3A_343, %min3A_358 : vector<16xf32>
      %max3A_361 = arith.maximumf %max3A_345, %min3A_360 : vector<16xf32>
      %min3A_362 = arith.minimumf %max3A_345, %min3A_360 : vector<16xf32>
      %max3A_363 = arith.maximumf %max3A_347, %min3A_362 : vector<16xf32>
      %min3A_364 = arith.minimumf %max3A_347, %min3A_362 : vector<16xf32>
      %max3A_365 = arith.maximumf %max3A_349, %min3A_364 : vector<16xf32>
      %min3A_366 = arith.minimumf %max3A_349, %min3A_364 : vector<16xf32>
      %max3A_367 = arith.maximumf %max3A_351, %min3A_366 : vector<16xf32>
      %min3A_368 = arith.minimumf %max3A_351, %min3A_366 : vector<16xf32>
      %max3A_369 = arith.maximumf %max3A_353, %min3A_368 : vector<16xf32>
      %min3A_370 = arith.minimumf %max3A_353, %min3A_368 : vector<16xf32>
      %max3A_371 = arith.maximumf %max3A_355, %min3A_370 : vector<16xf32>
      %min3A_372 = arith.minimumf %max3A_355, %min3A_370 : vector<16xf32>
      %max3A_373 = arith.maximumf %max3A_357, %get3A_72 : vector<16xf32>
      %min3A_374 = arith.minimumf %max3A_357, %get3A_72 : vector<16xf32>
      %max3A_375 = arith.maximumf %max3A_359, %min3A_374 : vector<16xf32>
      %min3A_376 = arith.minimumf %max3A_359, %min3A_374 : vector<16xf32>
      %max3A_377 = arith.maximumf %max3A_361, %min3A_376 : vector<16xf32>
      %min3A_378 = arith.minimumf %max3A_361, %min3A_376 : vector<16xf32>
      %max3A_379 = arith.maximumf %max3A_363, %min3A_378 : vector<16xf32>
      %min3A_380 = arith.minimumf %max3A_363, %min3A_378 : vector<16xf32>
      %max3A_381 = arith.maximumf %max3A_365, %min3A_380 : vector<16xf32>
      %min3A_382 = arith.minimumf %max3A_365, %min3A_380 : vector<16xf32>
      %max3A_383 = arith.maximumf %max3A_367, %min3A_382 : vector<16xf32>
      %min3A_384 = arith.minimumf %max3A_367, %min3A_382 : vector<16xf32>
      %max3A_385 = arith.maximumf %max3A_369, %min3A_384 : vector<16xf32>
      %min3A_386 = arith.minimumf %max3A_369, %min3A_384 : vector<16xf32>
      %max3A_387 = arith.maximumf %max3A_371, %min3A_386 : vector<16xf32>
      %min3A_388 = arith.minimumf %max3A_371, %min3A_386 : vector<16xf32>
      %max3A_389 = arith.maximumf %max3A_373, %get3A_77 : vector<16xf32>
      %min3A_390 = arith.minimumf %max3A_373, %get3A_77 : vector<16xf32>
      %max3A_391 = arith.maximumf %max3A_375, %min3A_390 : vector<16xf32>
      %min3A_392 = arith.minimumf %max3A_375, %min3A_390 : vector<16xf32>
      %max3A_393 = arith.maximumf %max3A_377, %min3A_392 : vector<16xf32>
      %min3A_394 = arith.minimumf %max3A_377, %min3A_392 : vector<16xf32>
      %max3A_395 = arith.maximumf %max3A_379, %min3A_394 : vector<16xf32>
      %min3A_396 = arith.minimumf %max3A_379, %min3A_394 : vector<16xf32>
      %max3A_397 = arith.maximumf %max3A_381, %min3A_396 : vector<16xf32>
      %min3A_398 = arith.minimumf %max3A_381, %min3A_396 : vector<16xf32>
      %max3A_399 = arith.maximumf %max3A_383, %min3A_398 : vector<16xf32>
      %min3A_400 = arith.minimumf %max3A_383, %min3A_398 : vector<16xf32>
      %max3A_401 = arith.maximumf %max3A_385, %min3A_400 : vector<16xf32>
      %min3A_402 = arith.minimumf %max3A_385, %min3A_400 : vector<16xf32>
      %max3A_403 = arith.maximumf %max3A_387, %min3A_402 : vector<16xf32>
      %min3A_404 = arith.minimumf %max3A_387, %min3A_402 : vector<16xf32>
      %max3A_405 = arith.maximumf %max3A_389, %get3A_82 : vector<16xf32>
      %min3A_406 = arith.minimumf %max3A_389, %get3A_82 : vector<16xf32>
      %max3A_407 = arith.maximumf %max3A_391, %min3A_406 : vector<16xf32>
      %min3A_408 = arith.minimumf %max3A_391, %min3A_406 : vector<16xf32>
      %max3A_409 = arith.maximumf %max3A_393, %min3A_408 : vector<16xf32>
      %min3A_410 = arith.minimumf %max3A_393, %min3A_408 : vector<16xf32>
      %max3A_411 = arith.maximumf %max3A_395, %min3A_410 : vector<16xf32>
      %min3A_412 = arith.minimumf %max3A_395, %min3A_410 : vector<16xf32>
      %max3A_413 = arith.maximumf %max3A_397, %min3A_412 : vector<16xf32>
      %min3A_414 = arith.minimumf %max3A_397, %min3A_412 : vector<16xf32>
      %max3A_415 = arith.maximumf %max3A_399, %min3A_414 : vector<16xf32>
      %min3A_416 = arith.minimumf %max3A_399, %min3A_414 : vector<16xf32>
      %max3A_417 = arith.maximumf %max3A_401, %min3A_416 : vector<16xf32>
      %min3A_418 = arith.minimumf %max3A_401, %min3A_416 : vector<16xf32>
      %max3A_419 = arith.maximumf %max3A_403, %min3A_418 : vector<16xf32>
      %min3A_420 = arith.minimumf %max3A_403, %min3A_418 : vector<16xf32>
      %max3A_421 = arith.maximumf %max3A_405, %get3A_87 : vector<16xf32>
      %min3A_422 = arith.minimumf %max3A_405, %get3A_87 : vector<16xf32>
      %max3A_423 = arith.maximumf %max3A_407, %min3A_422 : vector<16xf32>
      %min3A_424 = arith.minimumf %max3A_407, %min3A_422 : vector<16xf32>
      %max3A_425 = arith.maximumf %max3A_409, %min3A_424 : vector<16xf32>
      %min3A_426 = arith.minimumf %max3A_409, %min3A_424 : vector<16xf32>
      %max3A_427 = arith.maximumf %max3A_411, %min3A_426 : vector<16xf32>
      %min3A_428 = arith.minimumf %max3A_411, %min3A_426 : vector<16xf32>
      %max3A_429 = arith.maximumf %max3A_413, %min3A_428 : vector<16xf32>
      %min3A_430 = arith.minimumf %max3A_413, %min3A_428 : vector<16xf32>
      %max3A_431 = arith.maximumf %max3A_415, %min3A_430 : vector<16xf32>
      %min3A_432 = arith.minimumf %max3A_415, %min3A_430 : vector<16xf32>
      %max3A_433 = arith.maximumf %max3A_417, %min3A_432 : vector<16xf32>
      %min3A_434 = arith.minimumf %max3A_417, %min3A_432 : vector<16xf32>
      %max3A_435 = arith.maximumf %max3A_419, %min3A_434 : vector<16xf32>
      %min3A_436 = arith.minimumf %max3A_419, %min3A_434 : vector<16xf32>
      %max3A_437 = arith.maximumf %max3A_421, %get3A_92 : vector<16xf32>
      %min3A_438 = arith.minimumf %max3A_421, %get3A_92 : vector<16xf32>
      %max3A_439 = arith.maximumf %max3A_423, %min3A_438 : vector<16xf32>
      %min3A_440 = arith.minimumf %max3A_423, %min3A_438 : vector<16xf32>
      %max3A_441 = arith.maximumf %max3A_425, %min3A_440 : vector<16xf32>
      %min3A_442 = arith.minimumf %max3A_425, %min3A_440 : vector<16xf32>
      %max3A_443 = arith.maximumf %max3A_427, %min3A_442 : vector<16xf32>
      %min3A_444 = arith.minimumf %max3A_427, %min3A_442 : vector<16xf32>
      %max3A_445 = arith.maximumf %max3A_429, %min3A_444 : vector<16xf32>
      %min3A_446 = arith.minimumf %max3A_429, %min3A_444 : vector<16xf32>
      %max3A_447 = arith.maximumf %max3A_431, %min3A_446 : vector<16xf32>
      %min3A_448 = arith.minimumf %max3A_431, %min3A_446 : vector<16xf32>
      %max3A_449 = arith.maximumf %max3A_433, %min3A_448 : vector<16xf32>
      %min3A_450 = arith.minimumf %max3A_433, %min3A_448 : vector<16xf32>
      %max3A_451 = arith.maximumf %max3A_435, %min3A_450 : vector<16xf32>
      %min3A_452 = arith.minimumf %max3A_435, %min3A_450 : vector<16xf32>
      %max3A_453 = arith.maximumf %max3A_437, %get3A_97 : vector<16xf32>
      %min3A_454 = arith.minimumf %max3A_437, %get3A_97 : vector<16xf32>
      %max3A_455 = arith.maximumf %max3A_439, %min3A_454 : vector<16xf32>
      %min3A_456 = arith.minimumf %max3A_439, %min3A_454 : vector<16xf32>
      %max3A_457 = arith.maximumf %max3A_441, %min3A_456 : vector<16xf32>
      %min3A_458 = arith.minimumf %max3A_441, %min3A_456 : vector<16xf32>
      %max3A_459 = arith.maximumf %max3A_443, %min3A_458 : vector<16xf32>
      %min3A_460 = arith.minimumf %max3A_443, %min3A_458 : vector<16xf32>
      %max3A_461 = arith.maximumf %max3A_445, %min3A_460 : vector<16xf32>
      %min3A_462 = arith.minimumf %max3A_445, %min3A_460 : vector<16xf32>
      %max3A_463 = arith.maximumf %max3A_447, %min3A_462 : vector<16xf32>
      %min3A_464 = arith.minimumf %max3A_447, %min3A_462 : vector<16xf32>
      %max3A_465 = arith.maximumf %max3A_449, %min3A_464 : vector<16xf32>
      %min3A_466 = arith.minimumf %max3A_449, %min3A_464 : vector<16xf32>
      %max3A_467 = arith.maximumf %max3A_451, %min3A_466 : vector<16xf32>
      %min3A_468 = arith.minimumf %max3A_451, %min3A_466 : vector<16xf32>
      %max3A_469 = arith.maximumf %max3A_453, %get3A_102 : vector<16xf32>
      %min3A_470 = arith.minimumf %max3A_453, %get3A_102 : vector<16xf32>
      %max3A_471 = arith.maximumf %max3A_455, %min3A_470 : vector<16xf32>
      %min3A_472 = arith.minimumf %max3A_455, %min3A_470 : vector<16xf32>
      %max3A_473 = arith.maximumf %max3A_457, %min3A_472 : vector<16xf32>
      %min3A_474 = arith.minimumf %max3A_457, %min3A_472 : vector<16xf32>
      %max3A_475 = arith.maximumf %max3A_459, %min3A_474 : vector<16xf32>
      %min3A_476 = arith.minimumf %max3A_459, %min3A_474 : vector<16xf32>
      %max3A_477 = arith.maximumf %max3A_461, %min3A_476 : vector<16xf32>
      %min3A_478 = arith.minimumf %max3A_461, %min3A_476 : vector<16xf32>
      %max3A_479 = arith.maximumf %max3A_463, %min3A_478 : vector<16xf32>
      %min3A_480 = arith.minimumf %max3A_463, %min3A_478 : vector<16xf32>
      %max3A_481 = arith.maximumf %max3A_465, %min3A_480 : vector<16xf32>
      %min3A_482 = arith.minimumf %max3A_465, %min3A_480 : vector<16xf32>
      %max3A_483 = arith.maximumf %max3A_467, %min3A_482 : vector<16xf32>
      %min3A_484 = arith.minimumf %max3A_467, %min3A_482 : vector<16xf32>
      %max3A_485 = arith.maximumf %max3A_469, %get3A_107 : vector<16xf32>
      %min3A_486 = arith.minimumf %max3A_469, %get3A_107 : vector<16xf32>
      %max3A_487 = arith.maximumf %max3A_471, %min3A_486 : vector<16xf32>
      %min3A_488 = arith.minimumf %max3A_471, %min3A_486 : vector<16xf32>
      %max3A_489 = arith.maximumf %max3A_473, %min3A_488 : vector<16xf32>
      %min3A_490 = arith.minimumf %max3A_473, %min3A_488 : vector<16xf32>
      %max3A_491 = arith.maximumf %max3A_475, %min3A_490 : vector<16xf32>
      %min3A_492 = arith.minimumf %max3A_475, %min3A_490 : vector<16xf32>
      %max3A_493 = arith.maximumf %max3A_477, %min3A_492 : vector<16xf32>
      %min3A_494 = arith.minimumf %max3A_477, %min3A_492 : vector<16xf32>
      %max3A_495 = arith.maximumf %max3A_479, %min3A_494 : vector<16xf32>
      %min3A_496 = arith.minimumf %max3A_479, %min3A_494 : vector<16xf32>
      %max3A_497 = arith.maximumf %max3A_481, %min3A_496 : vector<16xf32>
      %min3A_498 = arith.minimumf %max3A_481, %min3A_496 : vector<16xf32>
      %max3A_499 = arith.maximumf %max3A_483, %min3A_498 : vector<16xf32>
      %min3A_500 = arith.minimumf %max3A_483, %min3A_498 : vector<16xf32>
      %max3A_501 = arith.maximumf %max3A_485, %get3A_112 : vector<16xf32>
      %min3A_502 = arith.minimumf %max3A_485, %get3A_112 : vector<16xf32>
      %max3A_503 = arith.maximumf %max3A_487, %min3A_502 : vector<16xf32>
      %min3A_504 = arith.minimumf %max3A_487, %min3A_502 : vector<16xf32>
      %max3A_505 = arith.maximumf %max3A_489, %min3A_504 : vector<16xf32>
      %min3A_506 = arith.minimumf %max3A_489, %min3A_504 : vector<16xf32>
      %max3A_507 = arith.maximumf %max3A_491, %min3A_506 : vector<16xf32>
      %min3A_508 = arith.minimumf %max3A_491, %min3A_506 : vector<16xf32>
      %max3A_509 = arith.maximumf %max3A_493, %min3A_508 : vector<16xf32>
      %min3A_510 = arith.minimumf %max3A_493, %min3A_508 : vector<16xf32>
      %max3A_511 = arith.maximumf %max3A_495, %min3A_510 : vector<16xf32>
      %min3A_512 = arith.minimumf %max3A_495, %min3A_510 : vector<16xf32>
      %max3A_513 = arith.maximumf %max3A_497, %min3A_512 : vector<16xf32>
      %min3A_514 = arith.minimumf %max3A_497, %min3A_512 : vector<16xf32>
      %max3A_515 = arith.maximumf %max3A_499, %min3A_514 : vector<16xf32>
      %min3A_516 = arith.minimumf %max3A_499, %min3A_514 : vector<16xf32>
      %max3A_517 = arith.maximumf %max3A_501, %get3A_117 : vector<16xf32>
      %min3A_518 = arith.minimumf %max3A_501, %get3A_117 : vector<16xf32>
      %max3A_519 = arith.maximumf %max3A_503, %min3A_518 : vector<16xf32>
      %min3A_520 = arith.minimumf %max3A_503, %min3A_518 : vector<16xf32>
      %max3A_521 = arith.maximumf %max3A_505, %min3A_520 : vector<16xf32>
      %min3A_522 = arith.minimumf %max3A_505, %min3A_520 : vector<16xf32>
      %max3A_523 = arith.maximumf %max3A_507, %min3A_522 : vector<16xf32>
      %min3A_524 = arith.minimumf %max3A_507, %min3A_522 : vector<16xf32>
      %max3A_525 = arith.maximumf %max3A_509, %min3A_524 : vector<16xf32>
      %min3A_526 = arith.minimumf %max3A_509, %min3A_524 : vector<16xf32>
      %max3A_527 = arith.maximumf %max3A_511, %min3A_526 : vector<16xf32>
      %min3A_528 = arith.minimumf %max3A_511, %min3A_526 : vector<16xf32>
      %max3A_529 = arith.maximumf %max3A_513, %min3A_528 : vector<16xf32>
      %min3A_530 = arith.minimumf %max3A_513, %min3A_528 : vector<16xf32>
      %max3A_531 = arith.maximumf %max3A_515, %min3A_530 : vector<16xf32>
      %min3A_532 = arith.minimumf %max3A_515, %min3A_530 : vector<16xf32>
      %max3A_533 = arith.maximumf %max3A_517, %get3A_122 : vector<16xf32>
      %min3A_534 = arith.minimumf %max3A_517, %get3A_122 : vector<16xf32>
      %max3A_535 = arith.maximumf %max3A_519, %min3A_534 : vector<16xf32>
      %min3A_536 = arith.minimumf %max3A_519, %min3A_534 : vector<16xf32>
      %max3A_537 = arith.maximumf %max3A_521, %min3A_536 : vector<16xf32>
      %min3A_538 = arith.minimumf %max3A_521, %min3A_536 : vector<16xf32>
      %max3A_539 = arith.maximumf %max3A_523, %min3A_538 : vector<16xf32>
      %min3A_540 = arith.minimumf %max3A_523, %min3A_538 : vector<16xf32>
      %max3A_541 = arith.maximumf %max3A_525, %min3A_540 : vector<16xf32>
      %min3A_542 = arith.minimumf %max3A_525, %min3A_540 : vector<16xf32>
      %max3A_543 = arith.maximumf %max3A_527, %min3A_542 : vector<16xf32>
      %min3A_544 = arith.minimumf %max3A_527, %min3A_542 : vector<16xf32>
      %max3A_545 = arith.maximumf %max3A_529, %min3A_544 : vector<16xf32>
      %min3A_546 = arith.minimumf %max3A_529, %min3A_544 : vector<16xf32>
      %max3A_547 = arith.maximumf %max3A_531, %min3A_546 : vector<16xf32>
      %min3A_548 = arith.minimumf %max3A_531, %min3A_546 : vector<16xf32>
      %max3A_549 = arith.maximumf %max3A_533, %get3A_127 : vector<16xf32>
      %min3A_550 = arith.minimumf %max3A_533, %get3A_127 : vector<16xf32>
      %max3A_551 = arith.maximumf %max3A_535, %min3A_550 : vector<16xf32>
      %min3A_552 = arith.minimumf %max3A_535, %min3A_550 : vector<16xf32>
      %max3A_553 = arith.maximumf %max3A_537, %min3A_552 : vector<16xf32>
      %min3A_554 = arith.minimumf %max3A_537, %min3A_552 : vector<16xf32>
      %max3A_555 = arith.maximumf %max3A_539, %min3A_554 : vector<16xf32>
      %min3A_556 = arith.minimumf %max3A_539, %min3A_554 : vector<16xf32>
      %max3A_557 = arith.maximumf %max3A_541, %min3A_556 : vector<16xf32>
      %min3A_558 = arith.minimumf %max3A_541, %min3A_556 : vector<16xf32>
      %max3A_559 = arith.maximumf %max3A_543, %min3A_558 : vector<16xf32>
      %min3A_560 = arith.minimumf %max3A_543, %min3A_558 : vector<16xf32>
      %max3A_561 = arith.maximumf %max3A_545, %min3A_560 : vector<16xf32>
      %min3A_562 = arith.minimumf %max3A_545, %min3A_560 : vector<16xf32>
      %max3A_563 = arith.maximumf %max3A_547, %min3A_562 : vector<16xf32>
      %min3A_564 = arith.minimumf %max3A_547, %min3A_562 : vector<16xf32>
      %max3A_565 = arith.maximumf %max3A_549, %get3A_132 : vector<16xf32>
      %min3A_566 = arith.minimumf %max3A_549, %get3A_132 : vector<16xf32>
      %max3A_567 = arith.maximumf %max3A_551, %min3A_566 : vector<16xf32>
      %min3A_568 = arith.minimumf %max3A_551, %min3A_566 : vector<16xf32>
      %max3A_569 = arith.maximumf %max3A_553, %min3A_568 : vector<16xf32>
      %min3A_570 = arith.minimumf %max3A_553, %min3A_568 : vector<16xf32>
      %max3A_571 = arith.maximumf %max3A_555, %min3A_570 : vector<16xf32>
      %min3A_572 = arith.minimumf %max3A_555, %min3A_570 : vector<16xf32>
      %max3A_573 = arith.maximumf %max3A_557, %min3A_572 : vector<16xf32>
      %min3A_574 = arith.minimumf %max3A_557, %min3A_572 : vector<16xf32>
      %max3A_575 = arith.maximumf %max3A_559, %min3A_574 : vector<16xf32>
      %min3A_576 = arith.minimumf %max3A_559, %min3A_574 : vector<16xf32>
      %max3A_577 = arith.maximumf %max3A_561, %min3A_576 : vector<16xf32>
      %min3A_578 = arith.minimumf %max3A_561, %min3A_576 : vector<16xf32>
      %max3A_579 = arith.maximumf %max3A_563, %min3A_578 : vector<16xf32>
      %min3A_580 = arith.minimumf %max3A_563, %min3A_578 : vector<16xf32>
      %max3A_581 = arith.maximumf %max3A_565, %get3A_137 : vector<16xf32>
      %min3A_582 = arith.minimumf %max3A_565, %get3A_137 : vector<16xf32>
      %max3A_583 = arith.maximumf %max3A_567, %min3A_582 : vector<16xf32>
      %min3A_584 = arith.minimumf %max3A_567, %min3A_582 : vector<16xf32>
      %max3A_585 = arith.maximumf %max3A_569, %min3A_584 : vector<16xf32>
      %min3A_586 = arith.minimumf %max3A_569, %min3A_584 : vector<16xf32>
      %max3A_587 = arith.maximumf %max3A_571, %min3A_586 : vector<16xf32>
      %min3A_588 = arith.minimumf %max3A_571, %min3A_586 : vector<16xf32>
      %max3A_589 = arith.maximumf %max3A_573, %min3A_588 : vector<16xf32>
      %min3A_590 = arith.minimumf %max3A_573, %min3A_588 : vector<16xf32>
      %max3A_591 = arith.maximumf %max3A_575, %min3A_590 : vector<16xf32>
      %min3A_592 = arith.minimumf %max3A_575, %min3A_590 : vector<16xf32>
      %max3A_593 = arith.maximumf %max3A_577, %min3A_592 : vector<16xf32>
      %min3A_594 = arith.minimumf %max3A_577, %min3A_592 : vector<16xf32>
      %max3A_595 = arith.maximumf %max3A_579, %min3A_594 : vector<16xf32>
      %min3A_596 = arith.minimumf %max3A_579, %min3A_594 : vector<16xf32>
      %max3A_597 = arith.maximumf %max3A_581, %get3A_142 : vector<16xf32>
      %min3A_598 = arith.minimumf %max3A_581, %get3A_142 : vector<16xf32>
      %max3A_599 = arith.maximumf %max3A_583, %min3A_598 : vector<16xf32>
      %min3A_600 = arith.minimumf %max3A_583, %min3A_598 : vector<16xf32>
      %max3A_601 = arith.maximumf %max3A_585, %min3A_600 : vector<16xf32>
      %min3A_602 = arith.minimumf %max3A_585, %min3A_600 : vector<16xf32>
      %max3A_603 = arith.maximumf %max3A_587, %min3A_602 : vector<16xf32>
      %min3A_604 = arith.minimumf %max3A_587, %min3A_602 : vector<16xf32>
      %max3A_605 = arith.maximumf %max3A_589, %min3A_604 : vector<16xf32>
      %min3A_606 = arith.minimumf %max3A_589, %min3A_604 : vector<16xf32>
      %max3A_607 = arith.maximumf %max3A_591, %min3A_606 : vector<16xf32>
      %min3A_608 = arith.minimumf %max3A_591, %min3A_606 : vector<16xf32>
      %max3A_609 = arith.maximumf %max3A_593, %min3A_608 : vector<16xf32>
      %min3A_610 = arith.minimumf %max3A_593, %min3A_608 : vector<16xf32>
      %max3A_611 = arith.maximumf %max3A_595, %min3A_610 : vector<16xf32>
      %min3A_612 = arith.minimumf %max3A_595, %min3A_610 : vector<16xf32>
      %max3A_613 = arith.maximumf %max3A_597, %get3A_147 : vector<16xf32>
      %min3A_614 = arith.minimumf %max3A_597, %get3A_147 : vector<16xf32>
      %max3A_615 = arith.maximumf %max3A_599, %min3A_614 : vector<16xf32>
      %min3A_616 = arith.minimumf %max3A_599, %min3A_614 : vector<16xf32>
      %max3A_617 = arith.maximumf %max3A_601, %min3A_616 : vector<16xf32>
      %min3A_618 = arith.minimumf %max3A_601, %min3A_616 : vector<16xf32>
      %max3A_619 = arith.maximumf %max3A_603, %min3A_618 : vector<16xf32>
      %min3A_620 = arith.minimumf %max3A_603, %min3A_618 : vector<16xf32>
      %max3A_621 = arith.maximumf %max3A_605, %min3A_620 : vector<16xf32>
      %min3A_622 = arith.minimumf %max3A_605, %min3A_620 : vector<16xf32>
      %max3A_623 = arith.maximumf %max3A_607, %min3A_622 : vector<16xf32>
      %min3A_624 = arith.minimumf %max3A_607, %min3A_622 : vector<16xf32>
      %max3A_625 = arith.maximumf %max3A_609, %min3A_624 : vector<16xf32>
      %min3A_626 = arith.minimumf %max3A_609, %min3A_624 : vector<16xf32>
      %max3A_627 = arith.maximumf %max3A_611, %min3A_626 : vector<16xf32>
      %min3A_628 = arith.minimumf %max3A_611, %min3A_626 : vector<16xf32>
      %max3A_629 = arith.maximumf %max3A_613, %get3A_152 : vector<16xf32>
      %min3A_630 = arith.minimumf %max3A_613, %get3A_152 : vector<16xf32>
      %max3A_631 = arith.maximumf %max3A_615, %min3A_630 : vector<16xf32>
      %min3A_632 = arith.minimumf %max3A_615, %min3A_630 : vector<16xf32>
      %max3A_633 = arith.maximumf %max3A_617, %min3A_632 : vector<16xf32>
      %min3A_634 = arith.minimumf %max3A_617, %min3A_632 : vector<16xf32>
      %max3A_635 = arith.maximumf %max3A_619, %min3A_634 : vector<16xf32>
      %min3A_636 = arith.minimumf %max3A_619, %min3A_634 : vector<16xf32>
      %max3A_637 = arith.maximumf %max3A_621, %min3A_636 : vector<16xf32>
      %min3A_638 = arith.minimumf %max3A_621, %min3A_636 : vector<16xf32>
      %max3A_639 = arith.maximumf %max3A_623, %min3A_638 : vector<16xf32>
      %min3A_640 = arith.minimumf %max3A_623, %min3A_638 : vector<16xf32>
      %max3A_641 = arith.maximumf %max3A_625, %min3A_640 : vector<16xf32>
      %min3A_642 = arith.minimumf %max3A_625, %min3A_640 : vector<16xf32>
      %max3A_643 = arith.maximumf %max3A_627, %min3A_642 : vector<16xf32>
      %min3A_644 = arith.minimumf %max3A_627, %min3A_642 : vector<16xf32>
      %max3A_645 = arith.maximumf %max3A_629, %get3A_157 : vector<16xf32>
      %min3A_646 = arith.minimumf %max3A_629, %get3A_157 : vector<16xf32>
      %max3A_647 = arith.maximumf %max3A_631, %min3A_646 : vector<16xf32>
      %min3A_648 = arith.minimumf %max3A_631, %min3A_646 : vector<16xf32>
      %max3A_649 = arith.maximumf %max3A_633, %min3A_648 : vector<16xf32>
      %min3A_650 = arith.minimumf %max3A_633, %min3A_648 : vector<16xf32>
      %max3A_651 = arith.maximumf %max3A_635, %min3A_650 : vector<16xf32>
      %min3A_652 = arith.minimumf %max3A_635, %min3A_650 : vector<16xf32>
      %max3A_653 = arith.maximumf %max3A_637, %min3A_652 : vector<16xf32>
      %min3A_654 = arith.minimumf %max3A_637, %min3A_652 : vector<16xf32>
      %max3A_655 = arith.maximumf %max3A_639, %min3A_654 : vector<16xf32>
      %min3A_656 = arith.minimumf %max3A_639, %min3A_654 : vector<16xf32>
      %max3A_657 = arith.maximumf %max3A_641, %min3A_656 : vector<16xf32>
      %min3A_658 = arith.minimumf %max3A_641, %min3A_656 : vector<16xf32>
      %max3A_659 = arith.maximumf %max3A_643, %min3A_658 : vector<16xf32>
      %min3A_660 = arith.minimumf %max3A_643, %min3A_658 : vector<16xf32>
      %max3A_661 = arith.maximumf %max3A_645, %get3A_162 : vector<16xf32>
      %min3A_662 = arith.minimumf %max3A_645, %get3A_162 : vector<16xf32>
      %max3A_663 = arith.maximumf %max3A_647, %min3A_662 : vector<16xf32>
      %min3A_664 = arith.minimumf %max3A_647, %min3A_662 : vector<16xf32>
      %max3A_665 = arith.maximumf %max3A_649, %min3A_664 : vector<16xf32>
      %min3A_666 = arith.minimumf %max3A_649, %min3A_664 : vector<16xf32>
      %max3A_667 = arith.maximumf %max3A_651, %min3A_666 : vector<16xf32>
      %min3A_668 = arith.minimumf %max3A_651, %min3A_666 : vector<16xf32>
      %max3A_669 = arith.maximumf %max3A_653, %min3A_668 : vector<16xf32>
      %min3A_670 = arith.minimumf %max3A_653, %min3A_668 : vector<16xf32>
      %max3A_671 = arith.maximumf %max3A_655, %min3A_670 : vector<16xf32>
      %min3A_672 = arith.minimumf %max3A_655, %min3A_670 : vector<16xf32>
      %max3A_673 = arith.maximumf %max3A_657, %min3A_672 : vector<16xf32>
      %min3A_674 = arith.minimumf %max3A_657, %min3A_672 : vector<16xf32>
      %max3A_675 = arith.maximumf %max3A_659, %min3A_674 : vector<16xf32>
      %min3A_676 = arith.minimumf %max3A_659, %min3A_674 : vector<16xf32>
      %max3A_677 = arith.maximumf %max3A_661, %get3A_167 : vector<16xf32>
      %min3A_678 = arith.minimumf %max3A_661, %get3A_167 : vector<16xf32>
      %max3A_679 = arith.maximumf %max3A_663, %min3A_678 : vector<16xf32>
      %min3A_680 = arith.minimumf %max3A_663, %min3A_678 : vector<16xf32>
      %max3A_681 = arith.maximumf %max3A_665, %min3A_680 : vector<16xf32>
      %min3A_682 = arith.minimumf %max3A_665, %min3A_680 : vector<16xf32>
      %max3A_683 = arith.maximumf %max3A_667, %min3A_682 : vector<16xf32>
      %min3A_684 = arith.minimumf %max3A_667, %min3A_682 : vector<16xf32>
      %max3A_685 = arith.maximumf %max3A_669, %min3A_684 : vector<16xf32>
      %min3A_686 = arith.minimumf %max3A_669, %min3A_684 : vector<16xf32>
      %max3A_687 = arith.maximumf %max3A_671, %min3A_686 : vector<16xf32>
      %min3A_688 = arith.minimumf %max3A_671, %min3A_686 : vector<16xf32>
      %max3A_689 = arith.maximumf %max3A_673, %min3A_688 : vector<16xf32>
      %min3A_690 = arith.minimumf %max3A_673, %min3A_688 : vector<16xf32>
      %max3A_691 = arith.maximumf %max3A_675, %min3A_690 : vector<16xf32>
      %min3A_692 = arith.minimumf %max3A_675, %min3A_690 : vector<16xf32>
      %broadcast_in_dim3A_693 = arith.constant 0.000000e+00 : f32
      %broadcast_in_dim3A_694 = vector.broadcast %broadcast_in_dim3A_693 : f32 to vector<16xf32>
      %gt3A = arith.cmpf ogt, %get3A_12, %max3A_691 : vector<16xf32>
      %jit3A = arith.constant 1.000000e+00 : f32
      %jit3A_695 = arith.constant 0.000000e+00 : f32
      %broadcast_in_dim3A_696 = vector.broadcast %jit3A : f32 to vector<16xf32>
      %broadcast_in_dim3A_697 = vector.broadcast %jit3A_695 : f32 to vector<16xf32>
      %select_n3A = arith.select %gt3A, %broadcast_in_dim3A_696, %broadcast_in_dim3A_697 : vector<16xi1>, vector<16xf32>
      %add3A_698 = arith.addf %broadcast_in_dim3A_694, %select_n3A : vector<16xf32>
      %gt3A_699 = arith.cmpf ogt, %get3A_17, %max3A_691 : vector<16xf32>
      %jit3A_700 = arith.constant 1.000000e+00 : f32
      %jit3A_701 = arith.constant 0.000000e+00 : f32
      %broadcast_in_dim3A_702 = vector.broadcast %jit3A_700 : f32 to vector<16xf32>
      %broadcast_in_dim3A_703 = vector.broadcast %jit3A_701 : f32 to vector<16xf32>
      %select_n3A_704 = arith.select %gt3A_699, %broadcast_in_dim3A_702, %broadcast_in_dim3A_703 : vector<16xi1>, vector<16xf32>
      %add3A_705 = arith.addf %add3A_698, %select_n3A_704 : vector<16xf32>
      %gt3A_706 = arith.cmpf ogt, %get3A_22, %max3A_691 : vector<16xf32>
      %jit3A_707 = arith.constant 1.000000e+00 : f32
      %jit3A_708 = arith.constant 0.000000e+00 : f32
      %broadcast_in_dim3A_709 = vector.broadcast %jit3A_707 : f32 to vector<16xf32>
      %broadcast_in_dim3A_710 = vector.broadcast %jit3A_708 : f32 to vector<16xf32>
      %select_n3A_711 = arith.select %gt3A_706, %broadcast_in_dim3A_709, %broadcast_in_dim3A_710 : vector<16xi1>, vector<16xf32>
      %add3A_712 = arith.addf %add3A_705, %select_n3A_711 : vector<16xf32>
      %gt3A_713 = arith.cmpf ogt, %get3A_27, %max3A_691 : vector<16xf32>
      %jit3A_714 = arith.constant 1.000000e+00 : f32
      %jit3A_715 = arith.constant 0.000000e+00 : f32
      %broadcast_in_dim3A_716 = vector.broadcast %jit3A_714 : f32 to vector<16xf32>
      %broadcast_in_dim3A_717 = vector.broadcast %jit3A_715 : f32 to vector<16xf32>
      %select_n3A_718 = arith.select %gt3A_713, %broadcast_in_dim3A_716, %broadcast_in_dim3A_717 : vector<16xi1>, vector<16xf32>
      %add3A_719 = arith.addf %add3A_712, %select_n3A_718 : vector<16xf32>
      %gt3A_720 = arith.cmpf ogt, %get3A_32, %max3A_691 : vector<16xf32>
      %jit3A_721 = arith.constant 1.000000e+00 : f32
      %jit3A_722 = arith.constant 0.000000e+00 : f32
      %broadcast_in_dim3A_723 = vector.broadcast %jit3A_721 : f32 to vector<16xf32>
      %broadcast_in_dim3A_724 = vector.broadcast %jit3A_722 : f32 to vector<16xf32>
      %select_n3A_725 = arith.select %gt3A_720, %broadcast_in_dim3A_723, %broadcast_in_dim3A_724 : vector<16xi1>, vector<16xf32>
      %add3A_726 = arith.addf %add3A_719, %select_n3A_725 : vector<16xf32>
      %gt3A_727 = arith.cmpf ogt, %get3A_37, %max3A_691 : vector<16xf32>
      %jit3A_728 = arith.constant 1.000000e+00 : f32
      %jit3A_729 = arith.constant 0.000000e+00 : f32
      %broadcast_in_dim3A_730 = vector.broadcast %jit3A_728 : f32 to vector<16xf32>
      %broadcast_in_dim3A_731 = vector.broadcast %jit3A_729 : f32 to vector<16xf32>
      %select_n3A_732 = arith.select %gt3A_727, %broadcast_in_dim3A_730, %broadcast_in_dim3A_731 : vector<16xi1>, vector<16xf32>
      %add3A_733 = arith.addf %add3A_726, %select_n3A_732 : vector<16xf32>
      %gt3A_734 = arith.cmpf ogt, %get3A_42, %max3A_691 : vector<16xf32>
      %jit3A_735 = arith.constant 1.000000e+00 : f32
      %jit3A_736 = arith.constant 0.000000e+00 : f32
      %broadcast_in_dim3A_737 = vector.broadcast %jit3A_735 : f32 to vector<16xf32>
      %broadcast_in_dim3A_738 = vector.broadcast %jit3A_736 : f32 to vector<16xf32>
      %select_n3A_739 = arith.select %gt3A_734, %broadcast_in_dim3A_737, %broadcast_in_dim3A_738 : vector<16xi1>, vector<16xf32>
      %add3A_740 = arith.addf %add3A_733, %select_n3A_739 : vector<16xf32>
      %gt3A_741 = arith.cmpf ogt, %get3A_47, %max3A_691 : vector<16xf32>
      %jit3A_742 = arith.constant 1.000000e+00 : f32
      %jit3A_743 = arith.constant 0.000000e+00 : f32
      %broadcast_in_dim3A_744 = vector.broadcast %jit3A_742 : f32 to vector<16xf32>
      %broadcast_in_dim3A_745 = vector.broadcast %jit3A_743 : f32 to vector<16xf32>
      %select_n3A_746 = arith.select %gt3A_741, %broadcast_in_dim3A_744, %broadcast_in_dim3A_745 : vector<16xi1>, vector<16xf32>
      %add3A_747 = arith.addf %add3A_740, %select_n3A_746 : vector<16xf32>
      %gt3A_748 = arith.cmpf ogt, %get3A_52, %max3A_691 : vector<16xf32>
      %jit3A_749 = arith.constant 1.000000e+00 : f32
      %jit3A_750 = arith.constant 0.000000e+00 : f32
      %broadcast_in_dim3A_751 = vector.broadcast %jit3A_749 : f32 to vector<16xf32>
      %broadcast_in_dim3A_752 = vector.broadcast %jit3A_750 : f32 to vector<16xf32>
      %select_n3A_753 = arith.select %gt3A_748, %broadcast_in_dim3A_751, %broadcast_in_dim3A_752 : vector<16xi1>, vector<16xf32>
      %add3A_754 = arith.addf %add3A_747, %select_n3A_753 : vector<16xf32>
      %gt3A_755 = arith.cmpf ogt, %get3A_57, %max3A_691 : vector<16xf32>
      %jit3A_756 = arith.constant 1.000000e+00 : f32
      %jit3A_757 = arith.constant 0.000000e+00 : f32
      %broadcast_in_dim3A_758 = vector.broadcast %jit3A_756 : f32 to vector<16xf32>
      %broadcast_in_dim3A_759 = vector.broadcast %jit3A_757 : f32 to vector<16xf32>
      %select_n3A_760 = arith.select %gt3A_755, %broadcast_in_dim3A_758, %broadcast_in_dim3A_759 : vector<16xi1>, vector<16xf32>
      %add3A_761 = arith.addf %add3A_754, %select_n3A_760 : vector<16xf32>
      %gt3A_762 = arith.cmpf ogt, %get3A_62, %max3A_691 : vector<16xf32>
      %jit3A_763 = arith.constant 1.000000e+00 : f32
      %jit3A_764 = arith.constant 0.000000e+00 : f32
      %broadcast_in_dim3A_765 = vector.broadcast %jit3A_763 : f32 to vector<16xf32>
      %broadcast_in_dim3A_766 = vector.broadcast %jit3A_764 : f32 to vector<16xf32>
      %select_n3A_767 = arith.select %gt3A_762, %broadcast_in_dim3A_765, %broadcast_in_dim3A_766 : vector<16xi1>, vector<16xf32>
      %add3A_768 = arith.addf %add3A_761, %select_n3A_767 : vector<16xf32>
      %gt3A_769 = arith.cmpf ogt, %get3A_67, %max3A_691 : vector<16xf32>
      %jit3A_770 = arith.constant 1.000000e+00 : f32
      %jit3A_771 = arith.constant 0.000000e+00 : f32
      %broadcast_in_dim3A_772 = vector.broadcast %jit3A_770 : f32 to vector<16xf32>
      %broadcast_in_dim3A_773 = vector.broadcast %jit3A_771 : f32 to vector<16xf32>
      %select_n3A_774 = arith.select %gt3A_769, %broadcast_in_dim3A_772, %broadcast_in_dim3A_773 : vector<16xi1>, vector<16xf32>
      %add3A_775 = arith.addf %add3A_768, %select_n3A_774 : vector<16xf32>
      %gt3A_776 = arith.cmpf ogt, %get3A_72, %max3A_691 : vector<16xf32>
      %jit3A_777 = arith.constant 1.000000e+00 : f32
      %jit3A_778 = arith.constant 0.000000e+00 : f32
      %broadcast_in_dim3A_779 = vector.broadcast %jit3A_777 : f32 to vector<16xf32>
      %broadcast_in_dim3A_780 = vector.broadcast %jit3A_778 : f32 to vector<16xf32>
      %select_n3A_781 = arith.select %gt3A_776, %broadcast_in_dim3A_779, %broadcast_in_dim3A_780 : vector<16xi1>, vector<16xf32>
      %add3A_782 = arith.addf %add3A_775, %select_n3A_781 : vector<16xf32>
      %gt3A_783 = arith.cmpf ogt, %get3A_77, %max3A_691 : vector<16xf32>
      %jit3A_784 = arith.constant 1.000000e+00 : f32
      %jit3A_785 = arith.constant 0.000000e+00 : f32
      %broadcast_in_dim3A_786 = vector.broadcast %jit3A_784 : f32 to vector<16xf32>
      %broadcast_in_dim3A_787 = vector.broadcast %jit3A_785 : f32 to vector<16xf32>
      %select_n3A_788 = arith.select %gt3A_783, %broadcast_in_dim3A_786, %broadcast_in_dim3A_787 : vector<16xi1>, vector<16xf32>
      %add3A_789 = arith.addf %add3A_782, %select_n3A_788 : vector<16xf32>
      %gt3A_790 = arith.cmpf ogt, %get3A_82, %max3A_691 : vector<16xf32>
      %jit3A_791 = arith.constant 1.000000e+00 : f32
      %jit3A_792 = arith.constant 0.000000e+00 : f32
      %broadcast_in_dim3A_793 = vector.broadcast %jit3A_791 : f32 to vector<16xf32>
      %broadcast_in_dim3A_794 = vector.broadcast %jit3A_792 : f32 to vector<16xf32>
      %select_n3A_795 = arith.select %gt3A_790, %broadcast_in_dim3A_793, %broadcast_in_dim3A_794 : vector<16xi1>, vector<16xf32>
      %add3A_796 = arith.addf %add3A_789, %select_n3A_795 : vector<16xf32>
      %gt3A_797 = arith.cmpf ogt, %get3A_87, %max3A_691 : vector<16xf32>
      %jit3A_798 = arith.constant 1.000000e+00 : f32
      %jit3A_799 = arith.constant 0.000000e+00 : f32
      %broadcast_in_dim3A_800 = vector.broadcast %jit3A_798 : f32 to vector<16xf32>
      %broadcast_in_dim3A_801 = vector.broadcast %jit3A_799 : f32 to vector<16xf32>
      %select_n3A_802 = arith.select %gt3A_797, %broadcast_in_dim3A_800, %broadcast_in_dim3A_801 : vector<16xi1>, vector<16xf32>
      %add3A_803 = arith.addf %add3A_796, %select_n3A_802 : vector<16xf32>
      %gt3A_804 = arith.cmpf ogt, %get3A_92, %max3A_691 : vector<16xf32>
      %jit3A_805 = arith.constant 1.000000e+00 : f32
      %jit3A_806 = arith.constant 0.000000e+00 : f32
      %broadcast_in_dim3A_807 = vector.broadcast %jit3A_805 : f32 to vector<16xf32>
      %broadcast_in_dim3A_808 = vector.broadcast %jit3A_806 : f32 to vector<16xf32>
      %select_n3A_809 = arith.select %gt3A_804, %broadcast_in_dim3A_807, %broadcast_in_dim3A_808 : vector<16xi1>, vector<16xf32>
      %add3A_810 = arith.addf %add3A_803, %select_n3A_809 : vector<16xf32>
      %gt3A_811 = arith.cmpf ogt, %get3A_97, %max3A_691 : vector<16xf32>
      %jit3A_812 = arith.constant 1.000000e+00 : f32
      %jit3A_813 = arith.constant 0.000000e+00 : f32
      %broadcast_in_dim3A_814 = vector.broadcast %jit3A_812 : f32 to vector<16xf32>
      %broadcast_in_dim3A_815 = vector.broadcast %jit3A_813 : f32 to vector<16xf32>
      %select_n3A_816 = arith.select %gt3A_811, %broadcast_in_dim3A_814, %broadcast_in_dim3A_815 : vector<16xi1>, vector<16xf32>
      %add3A_817 = arith.addf %add3A_810, %select_n3A_816 : vector<16xf32>
      %gt3A_818 = arith.cmpf ogt, %get3A_102, %max3A_691 : vector<16xf32>
      %jit3A_819 = arith.constant 1.000000e+00 : f32
      %jit3A_820 = arith.constant 0.000000e+00 : f32
      %broadcast_in_dim3A_821 = vector.broadcast %jit3A_819 : f32 to vector<16xf32>
      %broadcast_in_dim3A_822 = vector.broadcast %jit3A_820 : f32 to vector<16xf32>
      %select_n3A_823 = arith.select %gt3A_818, %broadcast_in_dim3A_821, %broadcast_in_dim3A_822 : vector<16xi1>, vector<16xf32>
      %add3A_824 = arith.addf %add3A_817, %select_n3A_823 : vector<16xf32>
      %gt3A_825 = arith.cmpf ogt, %get3A_107, %max3A_691 : vector<16xf32>
      %jit3A_826 = arith.constant 1.000000e+00 : f32
      %jit3A_827 = arith.constant 0.000000e+00 : f32
      %broadcast_in_dim3A_828 = vector.broadcast %jit3A_826 : f32 to vector<16xf32>
      %broadcast_in_dim3A_829 = vector.broadcast %jit3A_827 : f32 to vector<16xf32>
      %select_n3A_830 = arith.select %gt3A_825, %broadcast_in_dim3A_828, %broadcast_in_dim3A_829 : vector<16xi1>, vector<16xf32>
      %add3A_831 = arith.addf %add3A_824, %select_n3A_830 : vector<16xf32>
      %gt3A_832 = arith.cmpf ogt, %get3A_112, %max3A_691 : vector<16xf32>
      %jit3A_833 = arith.constant 1.000000e+00 : f32
      %jit3A_834 = arith.constant 0.000000e+00 : f32
      %broadcast_in_dim3A_835 = vector.broadcast %jit3A_833 : f32 to vector<16xf32>
      %broadcast_in_dim3A_836 = vector.broadcast %jit3A_834 : f32 to vector<16xf32>
      %select_n3A_837 = arith.select %gt3A_832, %broadcast_in_dim3A_835, %broadcast_in_dim3A_836 : vector<16xi1>, vector<16xf32>
      %add3A_838 = arith.addf %add3A_831, %select_n3A_837 : vector<16xf32>
      %gt3A_839 = arith.cmpf ogt, %get3A_117, %max3A_691 : vector<16xf32>
      %jit3A_840 = arith.constant 1.000000e+00 : f32
      %jit3A_841 = arith.constant 0.000000e+00 : f32
      %broadcast_in_dim3A_842 = vector.broadcast %jit3A_840 : f32 to vector<16xf32>
      %broadcast_in_dim3A_843 = vector.broadcast %jit3A_841 : f32 to vector<16xf32>
      %select_n3A_844 = arith.select %gt3A_839, %broadcast_in_dim3A_842, %broadcast_in_dim3A_843 : vector<16xi1>, vector<16xf32>
      %add3A_845 = arith.addf %add3A_838, %select_n3A_844 : vector<16xf32>
      %gt3A_846 = arith.cmpf ogt, %get3A_122, %max3A_691 : vector<16xf32>
      %jit3A_847 = arith.constant 1.000000e+00 : f32
      %jit3A_848 = arith.constant 0.000000e+00 : f32
      %broadcast_in_dim3A_849 = vector.broadcast %jit3A_847 : f32 to vector<16xf32>
      %broadcast_in_dim3A_850 = vector.broadcast %jit3A_848 : f32 to vector<16xf32>
      %select_n3A_851 = arith.select %gt3A_846, %broadcast_in_dim3A_849, %broadcast_in_dim3A_850 : vector<16xi1>, vector<16xf32>
      %add3A_852 = arith.addf %add3A_845, %select_n3A_851 : vector<16xf32>
      %gt3A_853 = arith.cmpf ogt, %get3A_127, %max3A_691 : vector<16xf32>
      %jit3A_854 = arith.constant 1.000000e+00 : f32
      %jit3A_855 = arith.constant 0.000000e+00 : f32
      %broadcast_in_dim3A_856 = vector.broadcast %jit3A_854 : f32 to vector<16xf32>
      %broadcast_in_dim3A_857 = vector.broadcast %jit3A_855 : f32 to vector<16xf32>
      %select_n3A_858 = arith.select %gt3A_853, %broadcast_in_dim3A_856, %broadcast_in_dim3A_857 : vector<16xi1>, vector<16xf32>
      %add3A_859 = arith.addf %add3A_852, %select_n3A_858 : vector<16xf32>
      %gt3A_860 = arith.cmpf ogt, %get3A_132, %max3A_691 : vector<16xf32>
      %jit3A_861 = arith.constant 1.000000e+00 : f32
      %jit3A_862 = arith.constant 0.000000e+00 : f32
      %broadcast_in_dim3A_863 = vector.broadcast %jit3A_861 : f32 to vector<16xf32>
      %broadcast_in_dim3A_864 = vector.broadcast %jit3A_862 : f32 to vector<16xf32>
      %select_n3A_865 = arith.select %gt3A_860, %broadcast_in_dim3A_863, %broadcast_in_dim3A_864 : vector<16xi1>, vector<16xf32>
      %add3A_866 = arith.addf %add3A_859, %select_n3A_865 : vector<16xf32>
      %gt3A_867 = arith.cmpf ogt, %get3A_137, %max3A_691 : vector<16xf32>
      %jit3A_868 = arith.constant 1.000000e+00 : f32
      %jit3A_869 = arith.constant 0.000000e+00 : f32
      %broadcast_in_dim3A_870 = vector.broadcast %jit3A_868 : f32 to vector<16xf32>
      %broadcast_in_dim3A_871 = vector.broadcast %jit3A_869 : f32 to vector<16xf32>
      %select_n3A_872 = arith.select %gt3A_867, %broadcast_in_dim3A_870, %broadcast_in_dim3A_871 : vector<16xi1>, vector<16xf32>
      %add3A_873 = arith.addf %add3A_866, %select_n3A_872 : vector<16xf32>
      %gt3A_874 = arith.cmpf ogt, %get3A_142, %max3A_691 : vector<16xf32>
      %jit3A_875 = arith.constant 1.000000e+00 : f32
      %jit3A_876 = arith.constant 0.000000e+00 : f32
      %broadcast_in_dim3A_877 = vector.broadcast %jit3A_875 : f32 to vector<16xf32>
      %broadcast_in_dim3A_878 = vector.broadcast %jit3A_876 : f32 to vector<16xf32>
      %select_n3A_879 = arith.select %gt3A_874, %broadcast_in_dim3A_877, %broadcast_in_dim3A_878 : vector<16xi1>, vector<16xf32>
      %add3A_880 = arith.addf %add3A_873, %select_n3A_879 : vector<16xf32>
      %gt3A_881 = arith.cmpf ogt, %get3A_147, %max3A_691 : vector<16xf32>
      %jit3A_882 = arith.constant 1.000000e+00 : f32
      %jit3A_883 = arith.constant 0.000000e+00 : f32
      %broadcast_in_dim3A_884 = vector.broadcast %jit3A_882 : f32 to vector<16xf32>
      %broadcast_in_dim3A_885 = vector.broadcast %jit3A_883 : f32 to vector<16xf32>
      %select_n3A_886 = arith.select %gt3A_881, %broadcast_in_dim3A_884, %broadcast_in_dim3A_885 : vector<16xi1>, vector<16xf32>
      %add3A_887 = arith.addf %add3A_880, %select_n3A_886 : vector<16xf32>
      %gt3A_888 = arith.cmpf ogt, %get3A_152, %max3A_691 : vector<16xf32>
      %jit3A_889 = arith.constant 1.000000e+00 : f32
      %jit3A_890 = arith.constant 0.000000e+00 : f32
      %broadcast_in_dim3A_891 = vector.broadcast %jit3A_889 : f32 to vector<16xf32>
      %broadcast_in_dim3A_892 = vector.broadcast %jit3A_890 : f32 to vector<16xf32>
      %select_n3A_893 = arith.select %gt3A_888, %broadcast_in_dim3A_891, %broadcast_in_dim3A_892 : vector<16xi1>, vector<16xf32>
      %add3A_894 = arith.addf %add3A_887, %select_n3A_893 : vector<16xf32>
      %gt3A_895 = arith.cmpf ogt, %get3A_157, %max3A_691 : vector<16xf32>
      %jit3A_896 = arith.constant 1.000000e+00 : f32
      %jit3A_897 = arith.constant 0.000000e+00 : f32
      %broadcast_in_dim3A_898 = vector.broadcast %jit3A_896 : f32 to vector<16xf32>
      %broadcast_in_dim3A_899 = vector.broadcast %jit3A_897 : f32 to vector<16xf32>
      %select_n3A_900 = arith.select %gt3A_895, %broadcast_in_dim3A_898, %broadcast_in_dim3A_899 : vector<16xi1>, vector<16xf32>
      %add3A_901 = arith.addf %add3A_894, %select_n3A_900 : vector<16xf32>
      %gt3A_902 = arith.cmpf ogt, %get3A_162, %max3A_691 : vector<16xf32>
      %jit3A_903 = arith.constant 1.000000e+00 : f32
      %jit3A_904 = arith.constant 0.000000e+00 : f32
      %broadcast_in_dim3A_905 = vector.broadcast %jit3A_903 : f32 to vector<16xf32>
      %broadcast_in_dim3A_906 = vector.broadcast %jit3A_904 : f32 to vector<16xf32>
      %select_n3A_907 = arith.select %gt3A_902, %broadcast_in_dim3A_905, %broadcast_in_dim3A_906 : vector<16xi1>, vector<16xf32>
      %add3A_908 = arith.addf %add3A_901, %select_n3A_907 : vector<16xf32>
      %gt3A_909 = arith.cmpf ogt, %get3A_167, %max3A_691 : vector<16xf32>
      %jit3A_910 = arith.constant 1.000000e+00 : f32
      %jit3A_911 = arith.constant 0.000000e+00 : f32
      %broadcast_in_dim3A_912 = vector.broadcast %jit3A_910 : f32 to vector<16xf32>
      %broadcast_in_dim3A_913 = vector.broadcast %jit3A_911 : f32 to vector<16xf32>
      %select_n3A_914 = arith.select %gt3A_909, %broadcast_in_dim3A_912, %broadcast_in_dim3A_913 : vector<16xi1>, vector<16xf32>
      %add3A_915 = arith.addf %add3A_908, %select_n3A_914 : vector<16xf32>
      %sub3A = arith.constant 8.000000e+00 : f32
      %sub3A_916 = vector.broadcast %sub3A : f32 to vector<16xf32>
      %sub3A_917 = arith.subf %sub3A_916, %add3A_915 : vector<16xf32>
      %eq3A = arith.cmpf oeq, %get3A_12, %max3A_691 : vector<16xf32>
      %gt3A_918 = arith.constant 0.000000e+00 : f32
      %gt3A_919 = vector.broadcast %gt3A_918 : f32 to vector<16xf32>
      %gt3A_920 = arith.cmpf ogt, %sub3A_917, %gt3A_919 : vector<16xf32>
      %and3A = arith.andi %eq3A, %gt3A_920 : vector<16xi1>
      %gt3A_921 = arith.cmpf ogt, %get3A_12, %max3A_691 : vector<16xf32>
      %or3A = arith.ori %gt3A_921, %and3A : vector<16xi1>
      %jit3A_922 = arith.constant 1.000000e+00 : f32
      %jit3A_923 = arith.constant 0.000000e+00 : f32
      %broadcast_in_dim3A_924 = vector.broadcast %jit3A_922 : f32 to vector<16xf32>
      %broadcast_in_dim3A_925 = vector.broadcast %jit3A_923 : f32 to vector<16xf32>
      %select_n3A_926 = arith.select %and3A, %broadcast_in_dim3A_924, %broadcast_in_dim3A_925 : vector<16xi1>, vector<16xf32>
      %sub3A_927 = arith.subf %sub3A_917, %select_n3A_926 : vector<16xf32>
      %jit3A_928 = arith.constant 0.000000e+00 : f32
      %jit3A_929 = arith.constant -1.000000e+05 : f32
      %broadcast_in_dim3A_930 = vector.broadcast %jit3A_928 : f32 to vector<16xf32>
      %broadcast_in_dim3A_931 = vector.broadcast %jit3A_929 : f32 to vector<16xf32>
      %select_n3A_932 = arith.select %or3A, %broadcast_in_dim3A_930, %broadcast_in_dim3A_931 : vector<16xi1>, vector<16xf32>
      %swap3A = arith.constant 0 : i32
      %swap3A_933 = arith.index_cast %swap3A : i32 to index
      %swap3A_934 = arith.index_cast %mul3A_8 : i32 to index
      %swap3A_935 = tpu.vector_load %arg5[%swap3A_933, %swap3A_934] {strides = array<i32>} : memref<32x1024xf32, #tpu.memory_space<vmem>>, vector<1x16xf32>,
      %swap3A_936 = vector.shape_cast %swap3A_935 : vector<1x16xf32> to vector<16xf32>
      %swap3A_937 = vector.shape_cast %select_n3A_932 : vector<16xf32> to vector<1x16xf32>
      tpu.vector_store %arg5[%swap3A_933, %swap3A_934], %swap3A_937 {strides = array<i32>} : memref<32x1024xf32, #tpu.memory_space<vmem>>, vector<1x16xf32>,
      %eq3A_938 = arith.cmpf oeq, %get3A_17, %max3A_691 : vector<16xf32>
      %gt3A_939 = arith.constant 0.000000e+00 : f32
      %gt3A_940 = vector.broadcast %gt3A_939 : f32 to vector<16xf32>
      %gt3A_941 = arith.cmpf ogt, %sub3A_927, %gt3A_940 : vector<16xf32>
      %and3A_942 = arith.andi %eq3A_938, %gt3A_941 : vector<16xi1>
      %gt3A_943 = arith.cmpf ogt, %get3A_17, %max3A_691 : vector<16xf32>
      %or3A_944 = arith.ori %gt3A_943, %and3A_942 : vector<16xi1>
      %jit3A_945 = arith.constant 1.000000e+00 : f32
      %jit3A_946 = arith.constant 0.000000e+00 : f32
      %broadcast_in_dim3A_947 = vector.broadcast %jit3A_945 : f32 to vector<16xf32>
      %broadcast_in_dim3A_948 = vector.broadcast %jit3A_946 : f32 to vector<16xf32>
      %select_n3A_949 = arith.select %and3A_942, %broadcast_in_dim3A_947, %broadcast_in_dim3A_948 : vector<16xi1>, vector<16xf32>
      %sub3A_950 = arith.subf %sub3A_927, %select_n3A_949 : vector<16xf32>
      %jit3A_951 = arith.constant 0.000000e+00 : f32
      %jit3A_952 = arith.constant -1.000000e+05 : f32
      %broadcast_in_dim3A_953 = vector.broadcast %jit3A_951 : f32 to vector<16xf32>
      %broadcast_in_dim3A_954 = vector.broadcast %jit3A_952 : f32 to vector<16xf32>
      %select_n3A_955 = arith.select %or3A_944, %broadcast_in_dim3A_953, %broadcast_in_dim3A_954 : vector<16xi1>, vector<16xf32>
      %swap3A_956 = arith.constant 1 : i32
      %swap3A_957 = arith.index_cast %swap3A_956 : i32 to index
      %swap3A_958 = arith.index_cast %mul3A_8 : i32 to index
      %swap3A_959 = tpu.vector_load %arg5[%swap3A_957, %swap3A_958] {strides = array<i32>} : memref<32x1024xf32, #tpu.memory_space<vmem>>, vector<1x16xf32>,
      %swap3A_960 = vector.shape_cast %swap3A_959 : vector<1x16xf32> to vector<16xf32>
      %swap3A_961 = vector.shape_cast %select_n3A_955 : vector<16xf32> to vector<1x16xf32>
      tpu.vector_store %arg5[%swap3A_957, %swap3A_958], %swap3A_961 {strides = array<i32>} : memref<32x1024xf32, #tpu.memory_space<vmem>>, vector<1x16xf32>,
      %eq3A_962 = arith.cmpf oeq, %get3A_22, %max3A_691 : vector<16xf32>
      %gt3A_963 = arith.constant 0.000000e+00 : f32
      %gt3A_964 = vector.broadcast %gt3A_963 : f32 to vector<16xf32>
      %gt3A_965 = arith.cmpf ogt, %sub3A_950, %gt3A_964 : vector<16xf32>
      %and3A_966 = arith.andi %eq3A_962, %gt3A_965 : vector<16xi1>
      %gt3A_967 = arith.cmpf ogt, %get3A_22, %max3A_691 : vector<16xf32>
      %or3A_968 = arith.ori %gt3A_967, %and3A_966 : vector<16xi1>
      %jit3A_969 = arith.constant 1.000000e+00 : f32
      %jit3A_970 = arith.constant 0.000000e+00 : f32
      %broadcast_in_dim3A_971 = vector.broadcast %jit3A_969 : f32 to vector<16xf32>
      %broadcast_in_dim3A_972 = vector.broadcast %jit3A_970 : f32 to vector<16xf32>
      %select_n3A_973 = arith.select %and3A_966, %broadcast_in_dim3A_971, %broadcast_in_dim3A_972 : vector<16xi1>, vector<16xf32>
      %sub3A_974 = arith.subf %sub3A_950, %select_n3A_973 : vector<16xf32>
      %jit3A_975 = arith.constant 0.000000e+00 : f32
      %jit3A_976 = arith.constant -1.000000e+05 : f32
      %broadcast_in_dim3A_977 = vector.broadcast %jit3A_975 : f32 to vector<16xf32>
      %broadcast_in_dim3A_978 = vector.broadcast %jit3A_976 : f32 to vector<16xf32>
      %select_n3A_979 = arith.select %or3A_968, %broadcast_in_dim3A_977, %broadcast_in_dim3A_978 : vector<16xi1>, vector<16xf32>
      %swap3A_980 = arith.constant 2 : i32
      %swap3A_981 = arith.index_cast %swap3A_980 : i32 to index
      %swap3A_982 = arith.index_cast %mul3A_8 : i32 to index
      %swap3A_983 = tpu.vector_load %arg5[%swap3A_981, %swap3A_982] {strides = array<i32>} : memref<32x1024xf32, #tpu.memory_space<vmem>>, vector<1x16xf32>,
      %swap3A_984 = vector.shape_cast %swap3A_983 : vector<1x16xf32> to vector<16xf32>
      %swap3A_985 = vector.shape_cast %select_n3A_979 : vector<16xf32> to vector<1x16xf32>
      tpu.vector_store %arg5[%swap3A_981, %swap3A_982], %swap3A_985 {strides = array<i32>} : memref<32x1024xf32, #tpu.memory_space<vmem>>, vector<1x16xf32>,
      %eq3A_986 = arith.cmpf oeq, %get3A_27, %max3A_691 : vector<16xf32>
      %gt3A_987 = arith.constant 0.000000e+00 : f32
      %gt3A_988 = vector.broadcast %gt3A_987 : f32 to vector<16xf32>
      %gt3A_989 = arith.cmpf ogt, %sub3A_974, %gt3A_988 : vector<16xf32>
      %and3A_990 = arith.andi %eq3A_986, %gt3A_989 : vector<16xi1>
      %gt3A_991 = arith.cmpf ogt, %get3A_27, %max3A_691 : vector<16xf32>
      %or3A_992 = arith.ori %gt3A_991, %and3A_990 : vector<16xi1>
      %jit3A_993 = arith.constant 1.000000e+00 : f32
      %jit3A_994 = arith.constant 0.000000e+00 : f32
      %broadcast_in_dim3A_995 = vector.broadcast %jit3A_993 : f32 to vector<16xf32>
      %broadcast_in_dim3A_996 = vector.broadcast %jit3A_994 : f32 to vector<16xf32>
      %select_n3A_997 = arith.select %and3A_990, %broadcast_in_dim3A_995, %broadcast_in_dim3A_996 : vector<16xi1>, vector<16xf32>
      %sub3A_998 = arith.subf %sub3A_974, %select_n3A_997 : vector<16xf32>
      %jit3A_999 = arith.constant 0.000000e+00 : f32
      %jit3A_1000 = arith.constant -1.000000e+05 : f32
      %broadcast_in_dim3A_1001 = vector.broadcast %jit3A_999 : f32 to vector<16xf32>
      %broadcast_in_dim3A_1002 = vector.broadcast %jit3A_1000 : f32 to vector<16xf32>
      %select_n3A_1003 = arith.select %or3A_992, %broadcast_in_dim3A_1001, %broadcast_in_dim3A_1002 : vector<16xi1>, vector<16xf32>
      %swap3A_1004 = arith.constant 3 : i32
      %swap3A_1005 = arith.index_cast %swap3A_1004 : i32 to index
      %swap3A_1006 = arith.index_cast %mul3A_8 : i32 to index
      %swap3A_1007 = tpu.vector_load %arg5[%swap3A_1005, %swap3A_1006] {strides = array<i32>} : memref<32x1024xf32, #tpu.memory_space<vmem>>, vector<1x16xf32>,
      %swap3A_1008 = vector.shape_cast %swap3A_1007 : vector<1x16xf32> to vector<16xf32>
      %swap3A_1009 = vector.shape_cast %select_n3A_1003 : vector<16xf32> to vector<1x16xf32>
      tpu.vector_store %arg5[%swap3A_1005, %swap3A_1006], %swap3A_1009 {strides = array<i32>} : memref<32x1024xf32, #tpu.memory_space<vmem>>, vector<1x16xf32>,
      %eq3A_1010 = arith.cmpf oeq, %get3A_32, %max3A_691 : vector<16xf32>
      %gt3A_1011 = arith.constant 0.000000e+00 : f32
      %gt3A_1012 = vector.broadcast %gt3A_1011 : f32 to vector<16xf32>
      %gt3A_1013 = arith.cmpf ogt, %sub3A_998, %gt3A_1012 : vector<16xf32>
      %and3A_1014 = arith.andi %eq3A_1010, %gt3A_1013 : vector<16xi1>
      %gt3A_1015 = arith.cmpf ogt, %get3A_32, %max3A_691 : vector<16xf32>
      %or3A_1016 = arith.ori %gt3A_1015, %and3A_1014 : vector<16xi1>
      %jit3A_1017 = arith.constant 1.000000e+00 : f32
      %jit3A_1018 = arith.constant 0.000000e+00 : f32
      %broadcast_in_dim3A_1019 = vector.broadcast %jit3A_1017 : f32 to vector<16xf32>
      %broadcast_in_dim3A_1020 = vector.broadcast %jit3A_1018 : f32 to vector<16xf32>
      %select_n3A_1021 = arith.select %and3A_1014, %broadcast_in_dim3A_1019, %broadcast_in_dim3A_1020 : vector<16xi1>, vector<16xf32>
      %sub3A_1022 = arith.subf %sub3A_998, %select_n3A_1021 : vector<16xf32>
      %jit3A_1023 = arith.constant 0.000000e+00 : f32
      %jit3A_1024 = arith.constant -1.000000e+05 : f32
      %broadcast_in_dim3A_1025 = vector.broadcast %jit3A_1023 : f32 to vector<16xf32>
      %broadcast_in_dim3A_1026 = vector.broadcast %jit3A_1024 : f32 to vector<16xf32>
      %select_n3A_1027 = arith.select %or3A_1016, %broadcast_in_dim3A_1025, %broadcast_in_dim3A_1026 : vector<16xi1>, vector<16xf32>
      %swap3A_1028 = arith.constant 4 : i32
      %swap3A_1029 = arith.index_cast %swap3A_1028 : i32 to index
      %swap3A_1030 = arith.index_cast %mul3A_8 : i32 to index
      %swap3A_1031 = tpu.vector_load %arg5[%swap3A_1029, %swap3A_1030] {strides = array<i32>} : memref<32x1024xf32, #tpu.memory_space<vmem>>, vector<1x16xf32>,
      %swap3A_1032 = vector.shape_cast %swap3A_1031 : vector<1x16xf32> to vector<16xf32>
      %swap3A_1033 = vector.shape_cast %select_n3A_1027 : vector<16xf32> to vector<1x16xf32>
      tpu.vector_store %arg5[%swap3A_1029, %swap3A_1030], %swap3A_1033 {strides = array<i32>} : memref<32x1024xf32, #tpu.memory_space<vmem>>, vector<1x16xf32>,
      %eq3A_1034 = arith.cmpf oeq, %get3A_37, %max3A_691 : vector<16xf32>
      %gt3A_1035 = arith.constant 0.000000e+00 : f32
      %gt3A_1036 = vector.broadcast %gt3A_1035 : f32 to vector<16xf32>
      %gt3A_1037 = arith.cmpf ogt, %sub3A_1022, %gt3A_1036 : vector<16xf32>
      %and3A_1038 = arith.andi %eq3A_1034, %gt3A_1037 : vector<16xi1>
      %gt3A_1039 = arith.cmpf ogt, %get3A_37, %max3A_691 : vector<16xf32>
      %or3A_1040 = arith.ori %gt3A_1039, %and3A_1038 : vector<16xi1>
      %jit3A_1041 = arith.constant 1.000000e+00 : f32
      %jit3A_1042 = arith.constant 0.000000e+00 : f32
      %broadcast_in_dim3A_1043 = vector.broadcast %jit3A_1041 : f32 to vector<16xf32>
      %broadcast_in_dim3A_1044 = vector.broadcast %jit3A_1042 : f32 to vector<16xf32>
      %select_n3A_1045 = arith.select %and3A_1038, %broadcast_in_dim3A_1043, %broadcast_in_dim3A_1044 : vector<16xi1>, vector<16xf32>
      %sub3A_1046 = arith.subf %sub3A_1022, %select_n3A_1045 : vector<16xf32>
      %jit3A_1047 = arith.constant 0.000000e+00 : f32
      %jit3A_1048 = arith.constant -1.000000e+05 : f32
      %broadcast_in_dim3A_1049 = vector.broadcast %jit3A_1047 : f32 to vector<16xf32>
      %broadcast_in_dim3A_1050 = vector.broadcast %jit3A_1048 : f32 to vector<16xf32>
      %select_n3A_1051 = arith.select %or3A_1040, %broadcast_in_dim3A_1049, %broadcast_in_dim3A_1050 : vector<16xi1>, vector<16xf32>
      %swap3A_1052 = arith.constant 5 : i32
      %swap3A_1053 = arith.index_cast %swap3A_1052 : i32 to index
      %swap3A_1054 = arith.index_cast %mul3A_8 : i32 to index
      %swap3A_1055 = tpu.vector_load %arg5[%swap3A_1053, %swap3A_1054] {strides = array<i32>} : memref<32x1024xf32, #tpu.memory_space<vmem>>, vector<1x16xf32>,
      %swap3A_1056 = vector.shape_cast %swap3A_1055 : vector<1x16xf32> to vector<16xf32>
      %swap3A_1057 = vector.shape_cast %select_n3A_1051 : vector<16xf32> to vector<1x16xf32>
      tpu.vector_store %arg5[%swap3A_1053, %swap3A_1054], %swap3A_1057 {strides = array<i32>} : memref<32x1024xf32, #tpu.memory_space<vmem>>, vector<1x16xf32>,
      %eq3A_1058 = arith.cmpf oeq, %get3A_42, %max3A_691 : vector<16xf32>
      %gt3A_1059 = arith.constant 0.000000e+00 : f32
      %gt3A_1060 = vector.broadcast %gt3A_1059 : f32 to vector<16xf32>
      %gt3A_1061 = arith.cmpf ogt, %sub3A_1046, %gt3A_1060 : vector<16xf32>
      %and3A_1062 = arith.andi %eq3A_1058, %gt3A_1061 : vector<16xi1>
      %gt3A_1063 = arith.cmpf ogt, %get3A_42, %max3A_691 : vector<16xf32>
      %or3A_1064 = arith.ori %gt3A_1063, %and3A_1062 : vector<16xi1>
      %jit3A_1065 = arith.constant 1.000000e+00 : f32
      %jit3A_1066 = arith.constant 0.000000e+00 : f32
      %broadcast_in_dim3A_1067 = vector.broadcast %jit3A_1065 : f32 to vector<16xf32>
      %broadcast_in_dim3A_1068 = vector.broadcast %jit3A_1066 : f32 to vector<16xf32>
      %select_n3A_1069 = arith.select %and3A_1062, %broadcast_in_dim3A_1067, %broadcast_in_dim3A_1068 : vector<16xi1>, vector<16xf32>
      %sub3A_1070 = arith.subf %sub3A_1046, %select_n3A_1069 : vector<16xf32>
      %jit3A_1071 = arith.constant 0.000000e+00 : f32
      %jit3A_1072 = arith.constant -1.000000e+05 : f32
      %broadcast_in_dim3A_1073 = vector.broadcast %jit3A_1071 : f32 to vector<16xf32>
      %broadcast_in_dim3A_1074 = vector.broadcast %jit3A_1072 : f32 to vector<16xf32>
      %select_n3A_1075 = arith.select %or3A_1064, %broadcast_in_dim3A_1073, %broadcast_in_dim3A_1074 : vector<16xi1>, vector<16xf32>
      %swap3A_1076 = arith.constant 6 : i32
      %swap3A_1077 = arith.index_cast %swap3A_1076 : i32 to index
      %swap3A_1078 = arith.index_cast %mul3A_8 : i32 to index
      %swap3A_1079 = tpu.vector_load %arg5[%swap3A_1077, %swap3A_1078] {strides = array<i32>} : memref<32x1024xf32, #tpu.memory_space<vmem>>, vector<1x16xf32>,
      %swap3A_1080 = vector.shape_cast %swap3A_1079 : vector<1x16xf32> to vector<16xf32>
      %swap3A_1081 = vector.shape_cast %select_n3A_1075 : vector<16xf32> to vector<1x16xf32>
      tpu.vector_store %arg5[%swap3A_1077, %swap3A_1078], %swap3A_1081 {strides = array<i32>} : memref<32x1024xf32, #tpu.memory_space<vmem>>, vector<1x16xf32>,
      %eq3A_1082 = arith.cmpf oeq, %get3A_47, %max3A_691 : vector<16xf32>
      %gt3A_1083 = arith.constant 0.000000e+00 : f32
      %gt3A_1084 = vector.broadcast %gt3A_1083 : f32 to vector<16xf32>
      %gt3A_1085 = arith.cmpf ogt, %sub3A_1070, %gt3A_1084 : vector<16xf32>
      %and3A_1086 = arith.andi %eq3A_1082, %gt3A_1085 : vector<16xi1>
      %gt3A_1087 = arith.cmpf ogt, %get3A_47, %max3A_691 : vector<16xf32>
      %or3A_1088 = arith.ori %gt3A_1087, %and3A_1086 : vector<16xi1>
      %jit3A_1089 = arith.constant 1.000000e+00 : f32
      %jit3A_1090 = arith.constant 0.000000e+00 : f32
      %broadcast_in_dim3A_1091 = vector.broadcast %jit3A_1089 : f32 to vector<16xf32>
      %broadcast_in_dim3A_1092 = vector.broadcast %jit3A_1090 : f32 to vector<16xf32>
      %select_n3A_1093 = arith.select %and3A_1086, %broadcast_in_dim3A_1091, %broadcast_in_dim3A_1092 : vector<16xi1>, vector<16xf32>
      %sub3A_1094 = arith.subf %sub3A_1070, %select_n3A_1093 : vector<16xf32>
      %jit3A_1095 = arith.constant 0.000000e+00 : f32
      %jit3A_1096 = arith.constant -1.000000e+05 : f32
      %broadcast_in_dim3A_1097 = vector.broadcast %jit3A_1095 : f32 to vector<16xf32>
      %broadcast_in_dim3A_1098 = vector.broadcast %jit3A_1096 : f32 to vector<16xf32>
      %select_n3A_1099 = arith.select %or3A_1088, %broadcast_in_dim3A_1097, %broadcast_in_dim3A_1098 : vector<16xi1>, vector<16xf32>
      %swap3A_1100 = arith.constant 7 : i32
      %swap3A_1101 = arith.index_cast %swap3A_1100 : i32 to index
      %swap3A_1102 = arith.index_cast %mul3A_8 : i32 to index
      %swap3A_1103 = tpu.vector_load %arg5[%swap3A_1101, %swap3A_1102] {strides = array<i32>} : memref<32x1024xf32, #tpu.memory_space<vmem>>, vector<1x16xf32>,
      %swap3A_1104 = vector.shape_cast %swap3A_1103 : vector<1x16xf32> to vector<16xf32>
      %swap3A_1105 = vector.shape_cast %select_n3A_1099 : vector<16xf32> to vector<1x16xf32>
      tpu.vector_store %arg5[%swap3A_1101, %swap3A_1102], %swap3A_1105 {strides = array<i32>} : memref<32x1024xf32, #tpu.memory_space<vmem>>, vector<1x16xf32>,
      %eq3A_1106 = arith.cmpf oeq, %get3A_52, %max3A_691 : vector<16xf32>
      %gt3A_1107 = arith.constant 0.000000e+00 : f32
      %gt3A_1108 = vector.broadcast %gt3A_1107 : f32 to vector<16xf32>
      %gt3A_1109 = arith.cmpf ogt, %sub3A_1094, %gt3A_1108 : vector<16xf32>
      %and3A_1110 = arith.andi %eq3A_1106, %gt3A_1109 : vector<16xi1>
      %gt3A_1111 = arith.cmpf ogt, %get3A_52, %max3A_691 : vector<16xf32>
      %or3A_1112 = arith.ori %gt3A_1111, %and3A_1110 : vector<16xi1>
      %jit3A_1113 = arith.constant 1.000000e+00 : f32
      %jit3A_1114 = arith.constant 0.000000e+00 : f32
      %broadcast_in_dim3A_1115 = vector.broadcast %jit3A_1113 : f32 to vector<16xf32>
      %broadcast_in_dim3A_1116 = vector.broadcast %jit3A_1114 : f32 to vector<16xf32>
      %select_n3A_1117 = arith.select %and3A_1110, %broadcast_in_dim3A_1115, %broadcast_in_dim3A_1116 : vector<16xi1>, vector<16xf32>
      %sub3A_1118 = arith.subf %sub3A_1094, %select_n3A_1117 : vector<16xf32>
      %jit3A_1119 = arith.constant 0.000000e+00 : f32
      %jit3A_1120 = arith.constant -1.000000e+05 : f32
      %broadcast_in_dim3A_1121 = vector.broadcast %jit3A_1119 : f32 to vector<16xf32>
      %broadcast_in_dim3A_1122 = vector.broadcast %jit3A_1120 : f32 to vector<16xf32>
      %select_n3A_1123 = arith.select %or3A_1112, %broadcast_in_dim3A_1121, %broadcast_in_dim3A_1122 : vector<16xi1>, vector<16xf32>
      %swap3A_1124 = arith.constant 8 : i32
      %swap3A_1125 = arith.index_cast %swap3A_1124 : i32 to index
      %swap3A_1126 = arith.index_cast %mul3A_8 : i32 to index
      %swap3A_1127 = tpu.vector_load %arg5[%swap3A_1125, %swap3A_1126] {strides = array<i32>} : memref<32x1024xf32, #tpu.memory_space<vmem>>, vector<1x16xf32>,
      %swap3A_1128 = vector.shape_cast %swap3A_1127 : vector<1x16xf32> to vector<16xf32>
      %swap3A_1129 = vector.shape_cast %select_n3A_1123 : vector<16xf32> to vector<1x16xf32>
      tpu.vector_store %arg5[%swap3A_1125, %swap3A_1126], %swap3A_1129 {strides = array<i32>} : memref<32x1024xf32, #tpu.memory_space<vmem>>, vector<1x16xf32>,
      %eq3A_1130 = arith.cmpf oeq, %get3A_57, %max3A_691 : vector<16xf32>
      %gt3A_1131 = arith.constant 0.000000e+00 : f32
      %gt3A_1132 = vector.broadcast %gt3A_1131 : f32 to vector<16xf32>
      %gt3A_1133 = arith.cmpf ogt, %sub3A_1118, %gt3A_1132 : vector<16xf32>
      %and3A_1134 = arith.andi %eq3A_1130, %gt3A_1133 : vector<16xi1>
      %gt3A_1135 = arith.cmpf ogt, %get3A_57, %max3A_691 : vector<16xf32>
      %or3A_1136 = arith.ori %gt3A_1135, %and3A_1134 : vector<16xi1>
      %jit3A_1137 = arith.constant 1.000000e+00 : f32
      %jit3A_1138 = arith.constant 0.000000e+00 : f32
      %broadcast_in_dim3A_1139 = vector.broadcast %jit3A_1137 : f32 to vector<16xf32>
      %broadcast_in_dim3A_1140 = vector.broadcast %jit3A_1138 : f32 to vector<16xf32>
      %select_n3A_1141 = arith.select %and3A_1134, %broadcast_in_dim3A_1139, %broadcast_in_dim3A_1140 : vector<16xi1>, vector<16xf32>
      %sub3A_1142 = arith.subf %sub3A_1118, %select_n3A_1141 : vector<16xf32>
      %jit3A_1143 = arith.constant 0.000000e+00 : f32
      %jit3A_1144 = arith.constant -1.000000e+05 : f32
      %broadcast_in_dim3A_1145 = vector.broadcast %jit3A_1143 : f32 to vector<16xf32>
      %broadcast_in_dim3A_1146 = vector.broadcast %jit3A_1144 : f32 to vector<16xf32>
      %select_n3A_1147 = arith.select %or3A_1136, %broadcast_in_dim3A_1145, %broadcast_in_dim3A_1146 : vector<16xi1>, vector<16xf32>
      %swap3A_1148 = arith.constant 9 : i32
      %swap3A_1149 = arith.index_cast %swap3A_1148 : i32 to index
      %swap3A_1150 = arith.index_cast %mul3A_8 : i32 to index
      %swap3A_1151 = tpu.vector_load %arg5[%swap3A_1149, %swap3A_1150] {strides = array<i32>} : memref<32x1024xf32, #tpu.memory_space<vmem>>, vector<1x16xf32>,
      %swap3A_1152 = vector.shape_cast %swap3A_1151 : vector<1x16xf32> to vector<16xf32>
      %swap3A_1153 = vector.shape_cast %select_n3A_1147 : vector<16xf32> to vector<1x16xf32>
      tpu.vector_store %arg5[%swap3A_1149, %swap3A_1150], %swap3A_1153 {strides = array<i32>} : memref<32x1024xf32, #tpu.memory_space<vmem>>, vector<1x16xf32>,
      %eq3A_1154 = arith.cmpf oeq, %get3A_62, %max3A_691 : vector<16xf32>
      %gt3A_1155 = arith.constant 0.000000e+00 : f32
      %gt3A_1156 = vector.broadcast %gt3A_1155 : f32 to vector<16xf32>
      %gt3A_1157 = arith.cmpf ogt, %sub3A_1142, %gt3A_1156 : vector<16xf32>
      %and3A_1158 = arith.andi %eq3A_1154, %gt3A_1157 : vector<16xi1>
      %gt3A_1159 = arith.cmpf ogt, %get3A_62, %max3A_691 : vector<16xf32>
      %or3A_1160 = arith.ori %gt3A_1159, %and3A_1158 : vector<16xi1>
      %jit3A_1161 = arith.constant 1.000000e+00 : f32
      %jit3A_1162 = arith.constant 0.000000e+00 : f32
      %broadcast_in_dim3A_1163 = vector.broadcast %jit3A_1161 : f32 to vector<16xf32>
      %broadcast_in_dim3A_1164 = vector.broadcast %jit3A_1162 : f32 to vector<16xf32>
      %select_n3A_1165 = arith.select %and3A_1158, %broadcast_in_dim3A_1163, %broadcast_in_dim3A_1164 : vector<16xi1>, vector<16xf32>
      %sub3A_1166 = arith.subf %sub3A_1142, %select_n3A_1165 : vector<16xf32>
      %jit3A_1167 = arith.constant 0.000000e+00 : f32
      %jit3A_1168 = arith.constant -1.000000e+05 : f32
      %broadcast_in_dim3A_1169 = vector.broadcast %jit3A_1167 : f32 to vector<16xf32>
      %broadcast_in_dim3A_1170 = vector.broadcast %jit3A_1168 : f32 to vector<16xf32>
      %select_n3A_1171 = arith.select %or3A_1160, %broadcast_in_dim3A_1169, %broadcast_in_dim3A_1170 : vector<16xi1>, vector<16xf32>
      %swap3A_1172 = arith.constant 10 : i32
      %swap3A_1173 = arith.index_cast %swap3A_1172 : i32 to index
      %swap3A_1174 = arith.index_cast %mul3A_8 : i32 to index
      %swap3A_1175 = tpu.vector_load %arg5[%swap3A_1173, %swap3A_1174] {strides = array<i32>} : memref<32x1024xf32, #tpu.memory_space<vmem>>, vector<1x16xf32>,
      %swap3A_1176 = vector.shape_cast %swap3A_1175 : vector<1x16xf32> to vector<16xf32>
      %swap3A_1177 = vector.shape_cast %select_n3A_1171 : vector<16xf32> to vector<1x16xf32>
      tpu.vector_store %arg5[%swap3A_1173, %swap3A_1174], %swap3A_1177 {strides = array<i32>} : memref<32x1024xf32, #tpu.memory_space<vmem>>, vector<1x16xf32>,
      %eq3A_1178 = arith.cmpf oeq, %get3A_67, %max3A_691 : vector<16xf32>
      %gt3A_1179 = arith.constant 0.000000e+00 : f32
      %gt3A_1180 = vector.broadcast %gt3A_1179 : f32 to vector<16xf32>
      %gt3A_1181 = arith.cmpf ogt, %sub3A_1166, %gt3A_1180 : vector<16xf32>
      %and3A_1182 = arith.andi %eq3A_1178, %gt3A_1181 : vector<16xi1>
      %gt3A_1183 = arith.cmpf ogt, %get3A_67, %max3A_691 : vector<16xf32>
      %or3A_1184 = arith.ori %gt3A_1183, %and3A_1182 : vector<16xi1>
      %jit3A_1185 = arith.constant 1.000000e+00 : f32
      %jit3A_1186 = arith.constant 0.000000e+00 : f32
      %broadcast_in_dim3A_1187 = vector.broadcast %jit3A_1185 : f32 to vector<16xf32>
      %broadcast_in_dim3A_1188 = vector.broadcast %jit3A_1186 : f32 to vector<16xf32>
      %select_n3A_1189 = arith.select %and3A_1182, %broadcast_in_dim3A_1187, %broadcast_in_dim3A_1188 : vector<16xi1>, vector<16xf32>
      %sub3A_1190 = arith.subf %sub3A_1166, %select_n3A_1189 : vector<16xf32>
      %jit3A_1191 = arith.constant 0.000000e+00 : f32
      %jit3A_1192 = arith.constant -1.000000e+05 : f32
      %broadcast_in_dim3A_1193 = vector.broadcast %jit3A_1191 : f32 to vector<16xf32>
      %broadcast_in_dim3A_1194 = vector.broadcast %jit3A_1192 : f32 to vector<16xf32>
      %select_n3A_1195 = arith.select %or3A_1184, %broadcast_in_dim3A_1193, %broadcast_in_dim3A_1194 : vector<16xi1>, vector<16xf32>
      %swap3A_1196 = arith.constant 11 : i32
      %swap3A_1197 = arith.index_cast %swap3A_1196 : i32 to index
      %swap3A_1198 = arith.index_cast %mul3A_8 : i32 to index
      %swap3A_1199 = tpu.vector_load %arg5[%swap3A_1197, %swap3A_1198] {strides = array<i32>} : memref<32x1024xf32, #tpu.memory_space<vmem>>, vector<1x16xf32>,
      %swap3A_1200 = vector.shape_cast %swap3A_1199 : vector<1x16xf32> to vector<16xf32>
      %swap3A_1201 = vector.shape_cast %select_n3A_1195 : vector<16xf32> to vector<1x16xf32>
      tpu.vector_store %arg5[%swap3A_1197, %swap3A_1198], %swap3A_1201 {strides = array<i32>} : memref<32x1024xf32, #tpu.memory_space<vmem>>, vector<1x16xf32>,
      %eq3A_1202 = arith.cmpf oeq, %get3A_72, %max3A_691 : vector<16xf32>
      %gt3A_1203 = arith.constant 0.000000e+00 : f32
      %gt3A_1204 = vector.broadcast %gt3A_1203 : f32 to vector<16xf32>
      %gt3A_1205 = arith.cmpf ogt, %sub3A_1190, %gt3A_1204 : vector<16xf32>
      %and3A_1206 = arith.andi %eq3A_1202, %gt3A_1205 : vector<16xi1>
      %gt3A_1207 = arith.cmpf ogt, %get3A_72, %max3A_691 : vector<16xf32>
      %or3A_1208 = arith.ori %gt3A_1207, %and3A_1206 : vector<16xi1>
      %jit3A_1209 = arith.constant 1.000000e+00 : f32
      %jit3A_1210 = arith.constant 0.000000e+00 : f32
      %broadcast_in_dim3A_1211 = vector.broadcast %jit3A_1209 : f32 to vector<16xf32>
      %broadcast_in_dim3A_1212 = vector.broadcast %jit3A_1210 : f32 to vector<16xf32>
      %select_n3A_1213 = arith.select %and3A_1206, %broadcast_in_dim3A_1211, %broadcast_in_dim3A_1212 : vector<16xi1>, vector<16xf32>
      %sub3A_1214 = arith.subf %sub3A_1190, %select_n3A_1213 : vector<16xf32>
      %jit3A_1215 = arith.constant 0.000000e+00 : f32
      %jit3A_1216 = arith.constant -1.000000e+05 : f32
      %broadcast_in_dim3A_1217 = vector.broadcast %jit3A_1215 : f32 to vector<16xf32>
      %broadcast_in_dim3A_1218 = vector.broadcast %jit3A_1216 : f32 to vector<16xf32>
      %select_n3A_1219 = arith.select %or3A_1208, %broadcast_in_dim3A_1217, %broadcast_in_dim3A_1218 : vector<16xi1>, vector<16xf32>
      %swap3A_1220 = arith.constant 12 : i32
      %swap3A_1221 = arith.index_cast %swap3A_1220 : i32 to index
      %swap3A_1222 = arith.index_cast %mul3A_8 : i32 to index
      %swap3A_1223 = tpu.vector_load %arg5[%swap3A_1221, %swap3A_1222] {strides = array<i32>} : memref<32x1024xf32, #tpu.memory_space<vmem>>, vector<1x16xf32>,
      %swap3A_1224 = vector.shape_cast %swap3A_1223 : vector<1x16xf32> to vector<16xf32>
      %swap3A_1225 = vector.shape_cast %select_n3A_1219 : vector<16xf32> to vector<1x16xf32>
      tpu.vector_store %arg5[%swap3A_1221, %swap3A_1222], %swap3A_1225 {strides = array<i32>} : memref<32x1024xf32, #tpu.memory_space<vmem>>, vector<1x16xf32>,
      %eq3A_1226 = arith.cmpf oeq, %get3A_77, %max3A_691 : vector<16xf32>
      %gt3A_1227 = arith.constant 0.000000e+00 : f32
      %gt3A_1228 = vector.broadcast %gt3A_1227 : f32 to vector<16xf32>
      %gt3A_1229 = arith.cmpf ogt, %sub3A_1214, %gt3A_1228 : vector<16xf32>
      %and3A_1230 = arith.andi %eq3A_1226, %gt3A_1229 : vector<16xi1>
      %gt3A_1231 = arith.cmpf ogt, %get3A_77, %max3A_691 : vector<16xf32>
      %or3A_1232 = arith.ori %gt3A_1231, %and3A_1230 : vector<16xi1>
      %jit3A_1233 = arith.constant 1.000000e+00 : f32
      %jit3A_1234 = arith.constant 0.000000e+00 : f32
      %broadcast_in_dim3A_1235 = vector.broadcast %jit3A_1233 : f32 to vector<16xf32>
      %broadcast_in_dim3A_1236 = vector.broadcast %jit3A_1234 : f32 to vector<16xf32>
      %select_n3A_1237 = arith.select %and3A_1230, %broadcast_in_dim3A_1235, %broadcast_in_dim3A_1236 : vector<16xi1>, vector<16xf32>
      %sub3A_1238 = arith.subf %sub3A_1214, %select_n3A_1237 : vector<16xf32>
      %jit3A_1239 = arith.constant 0.000000e+00 : f32
      %jit3A_1240 = arith.constant -1.000000e+05 : f32
      %broadcast_in_dim3A_1241 = vector.broadcast %jit3A_1239 : f32 to vector<16xf32>
      %broadcast_in_dim3A_1242 = vector.broadcast %jit3A_1240 : f32 to vector<16xf32>
      %select_n3A_1243 = arith.select %or3A_1232, %broadcast_in_dim3A_1241, %broadcast_in_dim3A_1242 : vector<16xi1>, vector<16xf32>
      %swap3A_1244 = arith.constant 13 : i32
      %swap3A_1245 = arith.index_cast %swap3A_1244 : i32 to index
      %swap3A_1246 = arith.index_cast %mul3A_8 : i32 to index
      %swap3A_1247 = tpu.vector_load %arg5[%swap3A_1245, %swap3A_1246] {strides = array<i32>} : memref<32x1024xf32, #tpu.memory_space<vmem>>, vector<1x16xf32>,
      %swap3A_1248 = vector.shape_cast %swap3A_1247 : vector<1x16xf32> to vector<16xf32>
      %swap3A_1249 = vector.shape_cast %select_n3A_1243 : vector<16xf32> to vector<1x16xf32>
      tpu.vector_store %arg5[%swap3A_1245, %swap3A_1246], %swap3A_1249 {strides = array<i32>} : memref<32x1024xf32, #tpu.memory_space<vmem>>, vector<1x16xf32>,
      %eq3A_1250 = arith.cmpf oeq, %get3A_82, %max3A_691 : vector<16xf32>
      %gt3A_1251 = arith.constant 0.000000e+00 : f32
      %gt3A_1252 = vector.broadcast %gt3A_1251 : f32 to vector<16xf32>
      %gt3A_1253 = arith.cmpf ogt, %sub3A_1238, %gt3A_1252 : vector<16xf32>
      %and3A_1254 = arith.andi %eq3A_1250, %gt3A_1253 : vector<16xi1>
      %gt3A_1255 = arith.cmpf ogt, %get3A_82, %max3A_691 : vector<16xf32>
      %or3A_1256 = arith.ori %gt3A_1255, %and3A_1254 : vector<16xi1>
      %jit3A_1257 = arith.constant 1.000000e+00 : f32
      %jit3A_1258 = arith.constant 0.000000e+00 : f32
      %broadcast_in_dim3A_1259 = vector.broadcast %jit3A_1257 : f32 to vector<16xf32>
      %broadcast_in_dim3A_1260 = vector.broadcast %jit3A_1258 : f32 to vector<16xf32>
      %select_n3A_1261 = arith.select %and3A_1254, %broadcast_in_dim3A_1259, %broadcast_in_dim3A_1260 : vector<16xi1>, vector<16xf32>
      %sub3A_1262 = arith.subf %sub3A_1238, %select_n3A_1261 : vector<16xf32>
      %jit3A_1263 = arith.constant 0.000000e+00 : f32
      %jit3A_1264 = arith.constant -1.000000e+05 : f32
      %broadcast_in_dim3A_1265 = vector.broadcast %jit3A_1263 : f32 to vector<16xf32>
      %broadcast_in_dim3A_1266 = vector.broadcast %jit3A_1264 : f32 to vector<16xf32>
      %select_n3A_1267 = arith.select %or3A_1256, %broadcast_in_dim3A_1265, %broadcast_in_dim3A_1266 : vector<16xi1>, vector<16xf32>
      %swap3A_1268 = arith.constant 14 : i32
      %swap3A_1269 = arith.index_cast %swap3A_1268 : i32 to index
      %swap3A_1270 = arith.index_cast %mul3A_8 : i32 to index
      %swap3A_1271 = tpu.vector_load %arg5[%swap3A_1269, %swap3A_1270] {strides = array<i32>} : memref<32x1024xf32, #tpu.memory_space<vmem>>, vector<1x16xf32>,
      %swap3A_1272 = vector.shape_cast %swap3A_1271 : vector<1x16xf32> to vector<16xf32>
      %swap3A_1273 = vector.shape_cast %select_n3A_1267 : vector<16xf32> to vector<1x16xf32>
      tpu.vector_store %arg5[%swap3A_1269, %swap3A_1270], %swap3A_1273 {strides = array<i32>} : memref<32x1024xf32, #tpu.memory_space<vmem>>, vector<1x16xf32>,
      %eq3A_1274 = arith.cmpf oeq, %get3A_87, %max3A_691 : vector<16xf32>
      %gt3A_1275 = arith.constant 0.000000e+00 : f32
      %gt3A_1276 = vector.broadcast %gt3A_1275 : f32 to vector<16xf32>
      %gt3A_1277 = arith.cmpf ogt, %sub3A_1262, %gt3A_1276 : vector<16xf32>
      %and3A_1278 = arith.andi %eq3A_1274, %gt3A_1277 : vector<16xi1>
      %gt3A_1279 = arith.cmpf ogt, %get3A_87, %max3A_691 : vector<16xf32>
      %or3A_1280 = arith.ori %gt3A_1279, %and3A_1278 : vector<16xi1>
      %jit3A_1281 = arith.constant 1.000000e+00 : f32
      %jit3A_1282 = arith.constant 0.000000e+00 : f32
      %broadcast_in_dim3A_1283 = vector.broadcast %jit3A_1281 : f32 to vector<16xf32>
      %broadcast_in_dim3A_1284 = vector.broadcast %jit3A_1282 : f32 to vector<16xf32>
      %select_n3A_1285 = arith.select %and3A_1278, %broadcast_in_dim3A_1283, %broadcast_in_dim3A_1284 : vector<16xi1>, vector<16xf32>
      %sub3A_1286 = arith.subf %sub3A_1262, %select_n3A_1285 : vector<16xf32>
      %jit3A_1287 = arith.constant 0.000000e+00 : f32
      %jit3A_1288 = arith.constant -1.000000e+05 : f32
      %broadcast_in_dim3A_1289 = vector.broadcast %jit3A_1287 : f32 to vector<16xf32>
      %broadcast_in_dim3A_1290 = vector.broadcast %jit3A_1288 : f32 to vector<16xf32>
      %select_n3A_1291 = arith.select %or3A_1280, %broadcast_in_dim3A_1289, %broadcast_in_dim3A_1290 : vector<16xi1>, vector<16xf32>
      %swap3A_1292 = arith.constant 15 : i32
      %swap3A_1293 = arith.index_cast %swap3A_1292 : i32 to index
      %swap3A_1294 = arith.index_cast %mul3A_8 : i32 to index
      %swap3A_1295 = tpu.vector_load %arg5[%swap3A_1293, %swap3A_1294] {strides = array<i32>} : memref<32x1024xf32, #tpu.memory_space<vmem>>, vector<1x16xf32>,
      %swap3A_1296 = vector.shape_cast %swap3A_1295 : vector<1x16xf32> to vector<16xf32>
      %swap3A_1297 = vector.shape_cast %select_n3A_1291 : vector<16xf32> to vector<1x16xf32>
      tpu.vector_store %arg5[%swap3A_1293, %swap3A_1294], %swap3A_1297 {strides = array<i32>} : memref<32x1024xf32, #tpu.memory_space<vmem>>, vector<1x16xf32>,
      %eq3A_1298 = arith.cmpf oeq, %get3A_92, %max3A_691 : vector<16xf32>
      %gt3A_1299 = arith.constant 0.000000e+00 : f32
      %gt3A_1300 = vector.broadcast %gt3A_1299 : f32 to vector<16xf32>
      %gt3A_1301 = arith.cmpf ogt, %sub3A_1286, %gt3A_1300 : vector<16xf32>
      %and3A_1302 = arith.andi %eq3A_1298, %gt3A_1301 : vector<16xi1>
      %gt3A_1303 = arith.cmpf ogt, %get3A_92, %max3A_691 : vector<16xf32>
      %or3A_1304 = arith.ori %gt3A_1303, %and3A_1302 : vector<16xi1>
      %jit3A_1305 = arith.constant 1.000000e+00 : f32
      %jit3A_1306 = arith.constant 0.000000e+00 : f32
      %broadcast_in_dim3A_1307 = vector.broadcast %jit3A_1305 : f32 to vector<16xf32>
      %broadcast_in_dim3A_1308 = vector.broadcast %jit3A_1306 : f32 to vector<16xf32>
      %select_n3A_1309 = arith.select %and3A_1302, %broadcast_in_dim3A_1307, %broadcast_in_dim3A_1308 : vector<16xi1>, vector<16xf32>
      %sub3A_1310 = arith.subf %sub3A_1286, %select_n3A_1309 : vector<16xf32>
      %jit3A_1311 = arith.constant 0.000000e+00 : f32
      %jit3A_1312 = arith.constant -1.000000e+05 : f32
      %broadcast_in_dim3A_1313 = vector.broadcast %jit3A_1311 : f32 to vector<16xf32>
      %broadcast_in_dim3A_1314 = vector.broadcast %jit3A_1312 : f32 to vector<16xf32>
      %select_n3A_1315 = arith.select %or3A_1304, %broadcast_in_dim3A_1313, %broadcast_in_dim3A_1314 : vector<16xi1>, vector<16xf32>
      %swap3A_1316 = arith.constant 16 : i32
      %swap3A_1317 = arith.index_cast %swap3A_1316 : i32 to index
      %swap3A_1318 = arith.index_cast %mul3A_8 : i32 to index
      %swap3A_1319 = tpu.vector_load %arg5[%swap3A_1317, %swap3A_1318] {strides = array<i32>} : memref<32x1024xf32, #tpu.memory_space<vmem>>, vector<1x16xf32>,
      %swap3A_1320 = vector.shape_cast %swap3A_1319 : vector<1x16xf32> to vector<16xf32>
      %swap3A_1321 = vector.shape_cast %select_n3A_1315 : vector<16xf32> to vector<1x16xf32>
      tpu.vector_store %arg5[%swap3A_1317, %swap3A_1318], %swap3A_1321 {strides = array<i32>} : memref<32x1024xf32, #tpu.memory_space<vmem>>, vector<1x16xf32>,
      %eq3A_1322 = arith.cmpf oeq, %get3A_97, %max3A_691 : vector<16xf32>
      %gt3A_1323 = arith.constant 0.000000e+00 : f32
      %gt3A_1324 = vector.broadcast %gt3A_1323 : f32 to vector<16xf32>
      %gt3A_1325 = arith.cmpf ogt, %sub3A_1310, %gt3A_1324 : vector<16xf32>
      %and3A_1326 = arith.andi %eq3A_1322, %gt3A_1325 : vector<16xi1>
      %gt3A_1327 = arith.cmpf ogt, %get3A_97, %max3A_691 : vector<16xf32>
      %or3A_1328 = arith.ori %gt3A_1327, %and3A_1326 : vector<16xi1>
      %jit3A_1329 = arith.constant 1.000000e+00 : f32
      %jit3A_1330 = arith.constant 0.000000e+00 : f32
      %broadcast_in_dim3A_1331 = vector.broadcast %jit3A_1329 : f32 to vector<16xf32>
      %broadcast_in_dim3A_1332 = vector.broadcast %jit3A_1330 : f32 to vector<16xf32>
      %select_n3A_1333 = arith.select %and3A_1326, %broadcast_in_dim3A_1331, %broadcast_in_dim3A_1332 : vector<16xi1>, vector<16xf32>
      %sub3A_1334 = arith.subf %sub3A_1310, %select_n3A_1333 : vector<16xf32>
      %jit3A_1335 = arith.constant 0.000000e+00 : f32
      %jit3A_1336 = arith.constant -1.000000e+05 : f32
      %broadcast_in_dim3A_1337 = vector.broadcast %jit3A_1335 : f32 to vector<16xf32>
      %broadcast_in_dim3A_1338 = vector.broadcast %jit3A_1336 : f32 to vector<16xf32>
      %select_n3A_1339 = arith.select %or3A_1328, %broadcast_in_dim3A_1337, %broadcast_in_dim3A_1338 : vector<16xi1>, vector<16xf32>
      %swap3A_1340 = arith.constant 17 : i32
      %swap3A_1341 = arith.index_cast %swap3A_1340 : i32 to index
      %swap3A_1342 = arith.index_cast %mul3A_8 : i32 to index
      %swap3A_1343 = tpu.vector_load %arg5[%swap3A_1341, %swap3A_1342] {strides = array<i32>} : memref<32x1024xf32, #tpu.memory_space<vmem>>, vector<1x16xf32>,
      %swap3A_1344 = vector.shape_cast %swap3A_1343 : vector<1x16xf32> to vector<16xf32>
      %swap3A_1345 = vector.shape_cast %select_n3A_1339 : vector<16xf32> to vector<1x16xf32>
      tpu.vector_store %arg5[%swap3A_1341, %swap3A_1342], %swap3A_1345 {strides = array<i32>} : memref<32x1024xf32, #tpu.memory_space<vmem>>, vector<1x16xf32>,
      %eq3A_1346 = arith.cmpf oeq, %get3A_102, %max3A_691 : vector<16xf32>
      %gt3A_1347 = arith.constant 0.000000e+00 : f32
      %gt3A_1348 = vector.broadcast %gt3A_1347 : f32 to vector<16xf32>
      %gt3A_1349 = arith.cmpf ogt, %sub3A_1334, %gt3A_1348 : vector<16xf32>
      %and3A_1350 = arith.andi %eq3A_1346, %gt3A_1349 : vector<16xi1>
      %gt3A_1351 = arith.cmpf ogt, %get3A_102, %max3A_691 : vector<16xf32>
      %or3A_1352 = arith.ori %gt3A_1351, %and3A_1350 : vector<16xi1>
      %jit3A_1353 = arith.constant 1.000000e+00 : f32
      %jit3A_1354 = arith.constant 0.000000e+00 : f32
      %broadcast_in_dim3A_1355 = vector.broadcast %jit3A_1353 : f32 to vector<16xf32>
      %broadcast_in_dim3A_1356 = vector.broadcast %jit3A_1354 : f32 to vector<16xf32>
      %select_n3A_1357 = arith.select %and3A_1350, %broadcast_in_dim3A_1355, %broadcast_in_dim3A_1356 : vector<16xi1>, vector<16xf32>
      %sub3A_1358 = arith.subf %sub3A_1334, %select_n3A_1357 : vector<16xf32>
      %jit3A_1359 = arith.constant 0.000000e+00 : f32
      %jit3A_1360 = arith.constant -1.000000e+05 : f32
      %broadcast_in_dim3A_1361 = vector.broadcast %jit3A_1359 : f32 to vector<16xf32>
      %broadcast_in_dim3A_1362 = vector.broadcast %jit3A_1360 : f32 to vector<16xf32>
      %select_n3A_1363 = arith.select %or3A_1352, %broadcast_in_dim3A_1361, %broadcast_in_dim3A_1362 : vector<16xi1>, vector<16xf32>
      %swap3A_1364 = arith.constant 18 : i32
      %swap3A_1365 = arith.index_cast %swap3A_1364 : i32 to index
      %swap3A_1366 = arith.index_cast %mul3A_8 : i32 to index
      %swap3A_1367 = tpu.vector_load %arg5[%swap3A_1365, %swap3A_1366] {strides = array<i32>} : memref<32x1024xf32, #tpu.memory_space<vmem>>, vector<1x16xf32>,
      %swap3A_1368 = vector.shape_cast %swap3A_1367 : vector<1x16xf32> to vector<16xf32>
      %swap3A_1369 = vector.shape_cast %select_n3A_1363 : vector<16xf32> to vector<1x16xf32>
      tpu.vector_store %arg5[%swap3A_1365, %swap3A_1366], %swap3A_1369 {strides = array<i32>} : memref<32x1024xf32, #tpu.memory_space<vmem>>, vector<1x16xf32>,
      %eq3A_1370 = arith.cmpf oeq, %get3A_107, %max3A_691 : vector<16xf32>
      %gt3A_1371 = arith.constant 0.000000e+00 : f32
      %gt3A_1372 = vector.broadcast %gt3A_1371 : f32 to vector<16xf32>
      %gt3A_1373 = arith.cmpf ogt, %sub3A_1358, %gt3A_1372 : vector<16xf32>
      %and3A_1374 = arith.andi %eq3A_1370, %gt3A_1373 : vector<16xi1>
      %gt3A_1375 = arith.cmpf ogt, %get3A_107, %max3A_691 : vector<16xf32>
      %or3A_1376 = arith.ori %gt3A_1375, %and3A_1374 : vector<16xi1>
      %jit3A_1377 = arith.constant 1.000000e+00 : f32
      %jit3A_1378 = arith.constant 0.000000e+00 : f32
      %broadcast_in_dim3A_1379 = vector.broadcast %jit3A_1377 : f32 to vector<16xf32>
      %broadcast_in_dim3A_1380 = vector.broadcast %jit3A_1378 : f32 to vector<16xf32>
      %select_n3A_1381 = arith.select %and3A_1374, %broadcast_in_dim3A_1379, %broadcast_in_dim3A_1380 : vector<16xi1>, vector<16xf32>
      %sub3A_1382 = arith.subf %sub3A_1358, %select_n3A_1381 : vector<16xf32>
      %jit3A_1383 = arith.constant 0.000000e+00 : f32
      %jit3A_1384 = arith.constant -1.000000e+05 : f32
      %broadcast_in_dim3A_1385 = vector.broadcast %jit3A_1383 : f32 to vector<16xf32>
      %broadcast_in_dim3A_1386 = vector.broadcast %jit3A_1384 : f32 to vector<16xf32>
      %select_n3A_1387 = arith.select %or3A_1376, %broadcast_in_dim3A_1385, %broadcast_in_dim3A_1386 : vector<16xi1>, vector<16xf32>
      %swap3A_1388 = arith.constant 19 : i32
      %swap3A_1389 = arith.index_cast %swap3A_1388 : i32 to index
      %swap3A_1390 = arith.index_cast %mul3A_8 : i32 to index
      %swap3A_1391 = tpu.vector_load %arg5[%swap3A_1389, %swap3A_1390] {strides = array<i32>} : memref<32x1024xf32, #tpu.memory_space<vmem>>, vector<1x16xf32>,
      %swap3A_1392 = vector.shape_cast %swap3A_1391 : vector<1x16xf32> to vector<16xf32>
      %swap3A_1393 = vector.shape_cast %select_n3A_1387 : vector<16xf32> to vector<1x16xf32>
      tpu.vector_store %arg5[%swap3A_1389, %swap3A_1390], %swap3A_1393 {strides = array<i32>} : memref<32x1024xf32, #tpu.memory_space<vmem>>, vector<1x16xf32>,
      %eq3A_1394 = arith.cmpf oeq, %get3A_112, %max3A_691 : vector<16xf32>
      %gt3A_1395 = arith.constant 0.000000e+00 : f32
      %gt3A_1396 = vector.broadcast %gt3A_1395 : f32 to vector<16xf32>
      %gt3A_1397 = arith.cmpf ogt, %sub3A_1382, %gt3A_1396 : vector<16xf32>
      %and3A_1398 = arith.andi %eq3A_1394, %gt3A_1397 : vector<16xi1>
      %gt3A_1399 = arith.cmpf ogt, %get3A_112, %max3A_691 : vector<16xf32>
      %or3A_1400 = arith.ori %gt3A_1399, %and3A_1398 : vector<16xi1>
      %jit3A_1401 = arith.constant 1.000000e+00 : f32
      %jit3A_1402 = arith.constant 0.000000e+00 : f32
      %broadcast_in_dim3A_1403 = vector.broadcast %jit3A_1401 : f32 to vector<16xf32>
      %broadcast_in_dim3A_1404 = vector.broadcast %jit3A_1402 : f32 to vector<16xf32>
      %select_n3A_1405 = arith.select %and3A_1398, %broadcast_in_dim3A_1403, %broadcast_in_dim3A_1404 : vector<16xi1>, vector<16xf32>
      %sub3A_1406 = arith.subf %sub3A_1382, %select_n3A_1405 : vector<16xf32>
      %jit3A_1407 = arith.constant 0.000000e+00 : f32
      %jit3A_1408 = arith.constant -1.000000e+05 : f32
      %broadcast_in_dim3A_1409 = vector.broadcast %jit3A_1407 : f32 to vector<16xf32>
      %broadcast_in_dim3A_1410 = vector.broadcast %jit3A_1408 : f32 to vector<16xf32>
      %select_n3A_1411 = arith.select %or3A_1400, %broadcast_in_dim3A_1409, %broadcast_in_dim3A_1410 : vector<16xi1>, vector<16xf32>
      %swap3A_1412 = arith.constant 20 : i32
      %swap3A_1413 = arith.index_cast %swap3A_1412 : i32 to index
      %swap3A_1414 = arith.index_cast %mul3A_8 : i32 to index
      %swap3A_1415 = tpu.vector_load %arg5[%swap3A_1413, %swap3A_1414] {strides = array<i32>} : memref<32x1024xf32, #tpu.memory_space<vmem>>, vector<1x16xf32>,
      %swap3A_1416 = vector.shape_cast %swap3A_1415 : vector<1x16xf32> to vector<16xf32>
      %swap3A_1417 = vector.shape_cast %select_n3A_1411 : vector<16xf32> to vector<1x16xf32>
      tpu.vector_store %arg5[%swap3A_1413, %swap3A_1414], %swap3A_1417 {strides = array<i32>} : memref<32x1024xf32, #tpu.memory_space<vmem>>, vector<1x16xf32>,
      %eq3A_1418 = arith.cmpf oeq, %get3A_117, %max3A_691 : vector<16xf32>
      %gt3A_1419 = arith.constant 0.000000e+00 : f32
      %gt3A_1420 = vector.broadcast %gt3A_1419 : f32 to vector<16xf32>
      %gt3A_1421 = arith.cmpf ogt, %sub3A_1406, %gt3A_1420 : vector<16xf32>
      %and3A_1422 = arith.andi %eq3A_1418, %gt3A_1421 : vector<16xi1>
      %gt3A_1423 = arith.cmpf ogt, %get3A_117, %max3A_691 : vector<16xf32>
      %or3A_1424 = arith.ori %gt3A_1423, %and3A_1422 : vector<16xi1>
      %jit3A_1425 = arith.constant 1.000000e+00 : f32
      %jit3A_1426 = arith.constant 0.000000e+00 : f32
      %broadcast_in_dim3A_1427 = vector.broadcast %jit3A_1425 : f32 to vector<16xf32>
      %broadcast_in_dim3A_1428 = vector.broadcast %jit3A_1426 : f32 to vector<16xf32>
      %select_n3A_1429 = arith.select %and3A_1422, %broadcast_in_dim3A_1427, %broadcast_in_dim3A_1428 : vector<16xi1>, vector<16xf32>
      %sub3A_1430 = arith.subf %sub3A_1406, %select_n3A_1429 : vector<16xf32>
      %jit3A_1431 = arith.constant 0.000000e+00 : f32
      %jit3A_1432 = arith.constant -1.000000e+05 : f32
      %broadcast_in_dim3A_1433 = vector.broadcast %jit3A_1431 : f32 to vector<16xf32>
      %broadcast_in_dim3A_1434 = vector.broadcast %jit3A_1432 : f32 to vector<16xf32>
      %select_n3A_1435 = arith.select %or3A_1424, %broadcast_in_dim3A_1433, %broadcast_in_dim3A_1434 : vector<16xi1>, vector<16xf32>
      %swap3A_1436 = arith.constant 21 : i32
      %swap3A_1437 = arith.index_cast %swap3A_1436 : i32 to index
      %swap3A_1438 = arith.index_cast %mul3A_8 : i32 to index
      %swap3A_1439 = tpu.vector_load %arg5[%swap3A_1437, %swap3A_1438] {strides = array<i32>} : memref<32x1024xf32, #tpu.memory_space<vmem>>, vector<1x16xf32>,
      %swap3A_1440 = vector.shape_cast %swap3A_1439 : vector<1x16xf32> to vector<16xf32>
      %swap3A_1441 = vector.shape_cast %select_n3A_1435 : vector<16xf32> to vector<1x16xf32>
      tpu.vector_store %arg5[%swap3A_1437, %swap3A_1438], %swap3A_1441 {strides = array<i32>} : memref<32x1024xf32, #tpu.memory_space<vmem>>, vector<1x16xf32>,
      %eq3A_1442 = arith.cmpf oeq, %get3A_122, %max3A_691 : vector<16xf32>
      %gt3A_1443 = arith.constant 0.000000e+00 : f32
      %gt3A_1444 = vector.broadcast %gt3A_1443 : f32 to vector<16xf32>
      %gt3A_1445 = arith.cmpf ogt, %sub3A_1430, %gt3A_1444 : vector<16xf32>
      %and3A_1446 = arith.andi %eq3A_1442, %gt3A_1445 : vector<16xi1>
      %gt3A_1447 = arith.cmpf ogt, %get3A_122, %max3A_691 : vector<16xf32>
      %or3A_1448 = arith.ori %gt3A_1447, %and3A_1446 : vector<16xi1>
      %jit3A_1449 = arith.constant 1.000000e+00 : f32
      %jit3A_1450 = arith.constant 0.000000e+00 : f32
      %broadcast_in_dim3A_1451 = vector.broadcast %jit3A_1449 : f32 to vector<16xf32>
      %broadcast_in_dim3A_1452 = vector.broadcast %jit3A_1450 : f32 to vector<16xf32>
      %select_n3A_1453 = arith.select %and3A_1446, %broadcast_in_dim3A_1451, %broadcast_in_dim3A_1452 : vector<16xi1>, vector<16xf32>
      %sub3A_1454 = arith.subf %sub3A_1430, %select_n3A_1453 : vector<16xf32>
      %jit3A_1455 = arith.constant 0.000000e+00 : f32
      %jit3A_1456 = arith.constant -1.000000e+05 : f32
      %broadcast_in_dim3A_1457 = vector.broadcast %jit3A_1455 : f32 to vector<16xf32>
      %broadcast_in_dim3A_1458 = vector.broadcast %jit3A_1456 : f32 to vector<16xf32>
      %select_n3A_1459 = arith.select %or3A_1448, %broadcast_in_dim3A_1457, %broadcast_in_dim3A_1458 : vector<16xi1>, vector<16xf32>
      %swap3A_1460 = arith.constant 22 : i32
      %swap3A_1461 = arith.index_cast %swap3A_1460 : i32 to index
      %swap3A_1462 = arith.index_cast %mul3A_8 : i32 to index
      %swap3A_1463 = tpu.vector_load %arg5[%swap3A_1461, %swap3A_1462] {strides = array<i32>} : memref<32x1024xf32, #tpu.memory_space<vmem>>, vector<1x16xf32>,
      %swap3A_1464 = vector.shape_cast %swap3A_1463 : vector<1x16xf32> to vector<16xf32>
      %swap3A_1465 = vector.shape_cast %select_n3A_1459 : vector<16xf32> to vector<1x16xf32>
      tpu.vector_store %arg5[%swap3A_1461, %swap3A_1462], %swap3A_1465 {strides = array<i32>} : memref<32x1024xf32, #tpu.memory_space<vmem>>, vector<1x16xf32>,
      %eq3A_1466 = arith.cmpf oeq, %get3A_127, %max3A_691 : vector<16xf32>
      %gt3A_1467 = arith.constant 0.000000e+00 : f32
      %gt3A_1468 = vector.broadcast %gt3A_1467 : f32 to vector<16xf32>
      %gt3A_1469 = arith.cmpf ogt, %sub3A_1454, %gt3A_1468 : vector<16xf32>
      %and3A_1470 = arith.andi %eq3A_1466, %gt3A_1469 : vector<16xi1>
      %gt3A_1471 = arith.cmpf ogt, %get3A_127, %max3A_691 : vector<16xf32>
      %or3A_1472 = arith.ori %gt3A_1471, %and3A_1470 : vector<16xi1>
      %jit3A_1473 = arith.constant 1.000000e+00 : f32
      %jit3A_1474 = arith.constant 0.000000e+00 : f32
      %broadcast_in_dim3A_1475 = vector.broadcast %jit3A_1473 : f32 to vector<16xf32>
      %broadcast_in_dim3A_1476 = vector.broadcast %jit3A_1474 : f32 to vector<16xf32>
      %select_n3A_1477 = arith.select %and3A_1470, %broadcast_in_dim3A_1475, %broadcast_in_dim3A_1476 : vector<16xi1>, vector<16xf32>
      %sub3A_1478 = arith.subf %sub3A_1454, %select_n3A_1477 : vector<16xf32>
      %jit3A_1479 = arith.constant 0.000000e+00 : f32
      %jit3A_1480 = arith.constant -1.000000e+05 : f32
      %broadcast_in_dim3A_1481 = vector.broadcast %jit3A_1479 : f32 to vector<16xf32>
      %broadcast_in_dim3A_1482 = vector.broadcast %jit3A_1480 : f32 to vector<16xf32>
      %select_n3A_1483 = arith.select %or3A_1472, %broadcast_in_dim3A_1481, %broadcast_in_dim3A_1482 : vector<16xi1>, vector<16xf32>
      %swap3A_1484 = arith.constant 23 : i32
      %swap3A_1485 = arith.index_cast %swap3A_1484 : i32 to index
      %swap3A_1486 = arith.index_cast %mul3A_8 : i32 to index
      %swap3A_1487 = tpu.vector_load %arg5[%swap3A_1485, %swap3A_1486] {strides = array<i32>} : memref<32x1024xf32, #tpu.memory_space<vmem>>, vector<1x16xf32>,
      %swap3A_1488 = vector.shape_cast %swap3A_1487 : vector<1x16xf32> to vector<16xf32>
      %swap3A_1489 = vector.shape_cast %select_n3A_1483 : vector<16xf32> to vector<1x16xf32>
      tpu.vector_store %arg5[%swap3A_1485, %swap3A_1486], %swap3A_1489 {strides = array<i32>} : memref<32x1024xf32, #tpu.memory_space<vmem>>, vector<1x16xf32>,
      %eq3A_1490 = arith.cmpf oeq, %get3A_132, %max3A_691 : vector<16xf32>
      %gt3A_1491 = arith.constant 0.000000e+00 : f32
      %gt3A_1492 = vector.broadcast %gt3A_1491 : f32 to vector<16xf32>
      %gt3A_1493 = arith.cmpf ogt, %sub3A_1478, %gt3A_1492 : vector<16xf32>
      %and3A_1494 = arith.andi %eq3A_1490, %gt3A_1493 : vector<16xi1>
      %gt3A_1495 = arith.cmpf ogt, %get3A_132, %max3A_691 : vector<16xf32>
      %or3A_1496 = arith.ori %gt3A_1495, %and3A_1494 : vector<16xi1>
      %jit3A_1497 = arith.constant 1.000000e+00 : f32
      %jit3A_1498 = arith.constant 0.000000e+00 : f32
      %broadcast_in_dim3A_1499 = vector.broadcast %jit3A_1497 : f32 to vector<16xf32>
      %broadcast_in_dim3A_1500 = vector.broadcast %jit3A_1498 : f32 to vector<16xf32>
      %select_n3A_1501 = arith.select %and3A_1494, %broadcast_in_dim3A_1499, %broadcast_in_dim3A_1500 : vector<16xi1>, vector<16xf32>
      %sub3A_1502 = arith.subf %sub3A_1478, %select_n3A_1501 : vector<16xf32>
      %jit3A_1503 = arith.constant 0.000000e+00 : f32
      %jit3A_1504 = arith.constant -1.000000e+05 : f32
      %broadcast_in_dim3A_1505 = vector.broadcast %jit3A_1503 : f32 to vector<16xf32>
      %broadcast_in_dim3A_1506 = vector.broadcast %jit3A_1504 : f32 to vector<16xf32>
      %select_n3A_1507 = arith.select %or3A_1496, %broadcast_in_dim3A_1505, %broadcast_in_dim3A_1506 : vector<16xi1>, vector<16xf32>
      %swap3A_1508 = arith.constant 24 : i32
      %swap3A_1509 = arith.index_cast %swap3A_1508 : i32 to index
      %swap3A_1510 = arith.index_cast %mul3A_8 : i32 to index
      %swap3A_1511 = tpu.vector_load %arg5[%swap3A_1509, %swap3A_1510] {strides = array<i32>} : memref<32x1024xf32, #tpu.memory_space<vmem>>, vector<1x16xf32>,
      %swap3A_1512 = vector.shape_cast %swap3A_1511 : vector<1x16xf32> to vector<16xf32>
      %swap3A_1513 = vector.shape_cast %select_n3A_1507 : vector<16xf32> to vector<1x16xf32>
      tpu.vector_store %arg5[%swap3A_1509, %swap3A_1510], %swap3A_1513 {strides = array<i32>} : memref<32x1024xf32, #tpu.memory_space<vmem>>, vector<1x16xf32>,
      %eq3A_1514 = arith.cmpf oeq, %get3A_137, %max3A_691 : vector<16xf32>
      %gt3A_1515 = arith.constant 0.000000e+00 : f32
      %gt3A_1516 = vector.broadcast %gt3A_1515 : f32 to vector<16xf32>
      %gt3A_1517 = arith.cmpf ogt, %sub3A_1502, %gt3A_1516 : vector<16xf32>
      %and3A_1518 = arith.andi %eq3A_1514, %gt3A_1517 : vector<16xi1>
      %gt3A_1519 = arith.cmpf ogt, %get3A_137, %max3A_691 : vector<16xf32>
      %or3A_1520 = arith.ori %gt3A_1519, %and3A_1518 : vector<16xi1>
      %jit3A_1521 = arith.constant 1.000000e+00 : f32
      %jit3A_1522 = arith.constant 0.000000e+00 : f32
      %broadcast_in_dim3A_1523 = vector.broadcast %jit3A_1521 : f32 to vector<16xf32>
      %broadcast_in_dim3A_1524 = vector.broadcast %jit3A_1522 : f32 to vector<16xf32>
      %select_n3A_1525 = arith.select %and3A_1518, %broadcast_in_dim3A_1523, %broadcast_in_dim3A_1524 : vector<16xi1>, vector<16xf32>
      %sub3A_1526 = arith.subf %sub3A_1502, %select_n3A_1525 : vector<16xf32>
      %jit3A_1527 = arith.constant 0.000000e+00 : f32
      %jit3A_1528 = arith.constant -1.000000e+05 : f32
      %broadcast_in_dim3A_1529 = vector.broadcast %jit3A_1527 : f32 to vector<16xf32>
      %broadcast_in_dim3A_1530 = vector.broadcast %jit3A_1528 : f32 to vector<16xf32>
      %select_n3A_1531 = arith.select %or3A_1520, %broadcast_in_dim3A_1529, %broadcast_in_dim3A_1530 : vector<16xi1>, vector<16xf32>
      %swap3A_1532 = arith.constant 25 : i32
      %swap3A_1533 = arith.index_cast %swap3A_1532 : i32 to index
      %swap3A_1534 = arith.index_cast %mul3A_8 : i32 to index
      %swap3A_1535 = tpu.vector_load %arg5[%swap3A_1533, %swap3A_1534] {strides = array<i32>} : memref<32x1024xf32, #tpu.memory_space<vmem>>, vector<1x16xf32>,
      %swap3A_1536 = vector.shape_cast %swap3A_1535 : vector<1x16xf32> to vector<16xf32>
      %swap3A_1537 = vector.shape_cast %select_n3A_1531 : vector<16xf32> to vector<1x16xf32>
      tpu.vector_store %arg5[%swap3A_1533, %swap3A_1534], %swap3A_1537 {strides = array<i32>} : memref<32x1024xf32, #tpu.memory_space<vmem>>, vector<1x16xf32>,
      %eq3A_1538 = arith.cmpf oeq, %get3A_142, %max3A_691 : vector<16xf32>
      %gt3A_1539 = arith.constant 0.000000e+00 : f32
      %gt3A_1540 = vector.broadcast %gt3A_1539 : f32 to vector<16xf32>
      %gt3A_1541 = arith.cmpf ogt, %sub3A_1526, %gt3A_1540 : vector<16xf32>
      %and3A_1542 = arith.andi %eq3A_1538, %gt3A_1541 : vector<16xi1>
      %gt3A_1543 = arith.cmpf ogt, %get3A_142, %max3A_691 : vector<16xf32>
      %or3A_1544 = arith.ori %gt3A_1543, %and3A_1542 : vector<16xi1>
      %jit3A_1545 = arith.constant 1.000000e+00 : f32
      %jit3A_1546 = arith.constant 0.000000e+00 : f32
      %broadcast_in_dim3A_1547 = vector.broadcast %jit3A_1545 : f32 to vector<16xf32>
      %broadcast_in_dim3A_1548 = vector.broadcast %jit3A_1546 : f32 to vector<16xf32>
      %select_n3A_1549 = arith.select %and3A_1542, %broadcast_in_dim3A_1547, %broadcast_in_dim3A_1548 : vector<16xi1>, vector<16xf32>
      %sub3A_1550 = arith.subf %sub3A_1526, %select_n3A_1549 : vector<16xf32>
      %jit3A_1551 = arith.constant 0.000000e+00 : f32
      %jit3A_1552 = arith.constant -1.000000e+05 : f32
      %broadcast_in_dim3A_1553 = vector.broadcast %jit3A_1551 : f32 to vector<16xf32>
      %broadcast_in_dim3A_1554 = vector.broadcast %jit3A_1552 : f32 to vector<16xf32>
      %select_n3A_1555 = arith.select %or3A_1544, %broadcast_in_dim3A_1553, %broadcast_in_dim3A_1554 : vector<16xi1>, vector<16xf32>
      %swap3A_1556 = arith.constant 26 : i32
      %swap3A_1557 = arith.index_cast %swap3A_1556 : i32 to index
      %swap3A_1558 = arith.index_cast %mul3A_8 : i32 to index
      %swap3A_1559 = tpu.vector_load %arg5[%swap3A_1557, %swap3A_1558] {strides = array<i32>} : memref<32x1024xf32, #tpu.memory_space<vmem>>, vector<1x16xf32>,
      %swap3A_1560 = vector.shape_cast %swap3A_1559 : vector<1x16xf32> to vector<16xf32>
      %swap3A_1561 = vector.shape_cast %select_n3A_1555 : vector<16xf32> to vector<1x16xf32>
      tpu.vector_store %arg5[%swap3A_1557, %swap3A_1558], %swap3A_1561 {strides = array<i32>} : memref<32x1024xf32, #tpu.memory_space<vmem>>, vector<1x16xf32>,
      %eq3A_1562 = arith.cmpf oeq, %get3A_147, %max3A_691 : vector<16xf32>
      %gt3A_1563 = arith.constant 0.000000e+00 : f32
      %gt3A_1564 = vector.broadcast %gt3A_1563 : f32 to vector<16xf32>
      %gt3A_1565 = arith.cmpf ogt, %sub3A_1550, %gt3A_1564 : vector<16xf32>
      %and3A_1566 = arith.andi %eq3A_1562, %gt3A_1565 : vector<16xi1>
      %gt3A_1567 = arith.cmpf ogt, %get3A_147, %max3A_691 : vector<16xf32>
      %or3A_1568 = arith.ori %gt3A_1567, %and3A_1566 : vector<16xi1>
      %jit3A_1569 = arith.constant 1.000000e+00 : f32
      %jit3A_1570 = arith.constant 0.000000e+00 : f32
      %broadcast_in_dim3A_1571 = vector.broadcast %jit3A_1569 : f32 to vector<16xf32>
      %broadcast_in_dim3A_1572 = vector.broadcast %jit3A_1570 : f32 to vector<16xf32>
      %select_n3A_1573 = arith.select %and3A_1566, %broadcast_in_dim3A_1571, %broadcast_in_dim3A_1572 : vector<16xi1>, vector<16xf32>
      %sub3A_1574 = arith.subf %sub3A_1550, %select_n3A_1573 : vector<16xf32>
      %jit3A_1575 = arith.constant 0.000000e+00 : f32
      %jit3A_1576 = arith.constant -1.000000e+05 : f32
      %broadcast_in_dim3A_1577 = vector.broadcast %jit3A_1575 : f32 to vector<16xf32>
      %broadcast_in_dim3A_1578 = vector.broadcast %jit3A_1576 : f32 to vector<16xf32>
      %select_n3A_1579 = arith.select %or3A_1568, %broadcast_in_dim3A_1577, %broadcast_in_dim3A_1578 : vector<16xi1>, vector<16xf32>
      %swap3A_1580 = arith.constant 27 : i32
      %swap3A_1581 = arith.index_cast %swap3A_1580 : i32 to index
      %swap3A_1582 = arith.index_cast %mul3A_8 : i32 to index
      %swap3A_1583 = tpu.vector_load %arg5[%swap3A_1581, %swap3A_1582] {strides = array<i32>} : memref<32x1024xf32, #tpu.memory_space<vmem>>, vector<1x16xf32>,
      %swap3A_1584 = vector.shape_cast %swap3A_1583 : vector<1x16xf32> to vector<16xf32>
      %swap3A_1585 = vector.shape_cast %select_n3A_1579 : vector<16xf32> to vector<1x16xf32>
      tpu.vector_store %arg5[%swap3A_1581, %swap3A_1582], %swap3A_1585 {strides = array<i32>} : memref<32x1024xf32, #tpu.memory_space<vmem>>, vector<1x16xf32>,
      %eq3A_1586 = arith.cmpf oeq, %get3A_152, %max3A_691 : vector<16xf32>
      %gt3A_1587 = arith.constant 0.000000e+00 : f32
      %gt3A_1588 = vector.broadcast %gt3A_1587 : f32 to vector<16xf32>
      %gt3A_1589 = arith.cmpf ogt, %sub3A_1574, %gt3A_1588 : vector<16xf32>
      %and3A_1590 = arith.andi %eq3A_1586, %gt3A_1589 : vector<16xi1>
      %gt3A_1591 = arith.cmpf ogt, %get3A_152, %max3A_691 : vector<16xf32>
      %or3A_1592 = arith.ori %gt3A_1591, %and3A_1590 : vector<16xi1>
      %jit3A_1593 = arith.constant 1.000000e+00 : f32
      %jit3A_1594 = arith.constant 0.000000e+00 : f32
      %broadcast_in_dim3A_1595 = vector.broadcast %jit3A_1593 : f32 to vector<16xf32>
      %broadcast_in_dim3A_1596 = vector.broadcast %jit3A_1594 : f32 to vector<16xf32>
      %select_n3A_1597 = arith.select %and3A_1590, %broadcast_in_dim3A_1595, %broadcast_in_dim3A_1596 : vector<16xi1>, vector<16xf32>
      %sub3A_1598 = arith.subf %sub3A_1574, %select_n3A_1597 : vector<16xf32>
      %jit3A_1599 = arith.constant 0.000000e+00 : f32
      %jit3A_1600 = arith.constant -1.000000e+05 : f32
      %broadcast_in_dim3A_1601 = vector.broadcast %jit3A_1599 : f32 to vector<16xf32>
      %broadcast_in_dim3A_1602 = vector.broadcast %jit3A_1600 : f32 to vector<16xf32>
      %select_n3A_1603 = arith.select %or3A_1592, %broadcast_in_dim3A_1601, %broadcast_in_dim3A_1602 : vector<16xi1>, vector<16xf32>
      %swap3A_1604 = arith.constant 28 : i32
      %swap3A_1605 = arith.index_cast %swap3A_1604 : i32 to index
      %swap3A_1606 = arith.index_cast %mul3A_8 : i32 to index
      %swap3A_1607 = tpu.vector_load %arg5[%swap3A_1605, %swap3A_1606] {strides = array<i32>} : memref<32x1024xf32, #tpu.memory_space<vmem>>, vector<1x16xf32>,
      %swap3A_1608 = vector.shape_cast %swap3A_1607 : vector<1x16xf32> to vector<16xf32>
      %swap3A_1609 = vector.shape_cast %select_n3A_1603 : vector<16xf32> to vector<1x16xf32>
      tpu.vector_store %arg5[%swap3A_1605, %swap3A_1606], %swap3A_1609 {strides = array<i32>} : memref<32x1024xf32, #tpu.memory_space<vmem>>, vector<1x16xf32>,
      %eq3A_1610 = arith.cmpf oeq, %get3A_157, %max3A_691 : vector<16xf32>
      %gt3A_1611 = arith.constant 0.000000e+00 : f32
      %gt3A_1612 = vector.broadcast %gt3A_1611 : f32 to vector<16xf32>
      %gt3A_1613 = arith.cmpf ogt, %sub3A_1598, %gt3A_1612 : vector<16xf32>
      %and3A_1614 = arith.andi %eq3A_1610, %gt3A_1613 : vector<16xi1>
      %gt3A_1615 = arith.cmpf ogt, %get3A_157, %max3A_691 : vector<16xf32>
      %or3A_1616 = arith.ori %gt3A_1615, %and3A_1614 : vector<16xi1>
      %jit3A_1617 = arith.constant 1.000000e+00 : f32
      %jit3A_1618 = arith.constant 0.000000e+00 : f32
      %broadcast_in_dim3A_1619 = vector.broadcast %jit3A_1617 : f32 to vector<16xf32>
      %broadcast_in_dim3A_1620 = vector.broadcast %jit3A_1618 : f32 to vector<16xf32>
      %select_n3A_1621 = arith.select %and3A_1614, %broadcast_in_dim3A_1619, %broadcast_in_dim3A_1620 : vector<16xi1>, vector<16xf32>
      %sub3A_1622 = arith.subf %sub3A_1598, %select_n3A_1621 : vector<16xf32>
      %jit3A_1623 = arith.constant 0.000000e+00 : f32
      %jit3A_1624 = arith.constant -1.000000e+05 : f32
      %broadcast_in_dim3A_1625 = vector.broadcast %jit3A_1623 : f32 to vector<16xf32>
      %broadcast_in_dim3A_1626 = vector.broadcast %jit3A_1624 : f32 to vector<16xf32>
      %select_n3A_1627 = arith.select %or3A_1616, %broadcast_in_dim3A_1625, %broadcast_in_dim3A_1626 : vector<16xi1>, vector<16xf32>
      %swap3A_1628 = arith.constant 29 : i32
      %swap3A_1629 = arith.index_cast %swap3A_1628 : i32 to index
      %swap3A_1630 = arith.index_cast %mul3A_8 : i32 to index
      %swap3A_1631 = tpu.vector_load %arg5[%swap3A_1629, %swap3A_1630] {strides = array<i32>} : memref<32x1024xf32, #tpu.memory_space<vmem>>, vector<1x16xf32>,
      %swap3A_1632 = vector.shape_cast %swap3A_1631 : vector<1x16xf32> to vector<16xf32>
      %swap3A_1633 = vector.shape_cast %select_n3A_1627 : vector<16xf32> to vector<1x16xf32>
      tpu.vector_store %arg5[%swap3A_1629, %swap3A_1630], %swap3A_1633 {strides = array<i32>} : memref<32x1024xf32, #tpu.memory_space<vmem>>, vector<1x16xf32>,
      %eq3A_1634 = arith.cmpf oeq, %get3A_162, %max3A_691 : vector<16xf32>
      %gt3A_1635 = arith.constant 0.000000e+00 : f32
      %gt3A_1636 = vector.broadcast %gt3A_1635 : f32 to vector<16xf32>
      %gt3A_1637 = arith.cmpf ogt, %sub3A_1622, %gt3A_1636 : vector<16xf32>
      %and3A_1638 = arith.andi %eq3A_1634, %gt3A_1637 : vector<16xi1>
      %gt3A_1639 = arith.cmpf ogt, %get3A_162, %max3A_691 : vector<16xf32>
      %or3A_1640 = arith.ori %gt3A_1639, %and3A_1638 : vector<16xi1>
      %jit3A_1641 = arith.constant 1.000000e+00 : f32
      %jit3A_1642 = arith.constant 0.000000e+00 : f32
      %broadcast_in_dim3A_1643 = vector.broadcast %jit3A_1641 : f32 to vector<16xf32>
      %broadcast_in_dim3A_1644 = vector.broadcast %jit3A_1642 : f32 to vector<16xf32>
      %select_n3A_1645 = arith.select %and3A_1638, %broadcast_in_dim3A_1643, %broadcast_in_dim3A_1644 : vector<16xi1>, vector<16xf32>
      %sub3A_1646 = arith.subf %sub3A_1622, %select_n3A_1645 : vector<16xf32>
      %jit3A_1647 = arith.constant 0.000000e+00 : f32
      %jit3A_1648 = arith.constant -1.000000e+05 : f32
      %broadcast_in_dim3A_1649 = vector.broadcast %jit3A_1647 : f32 to vector<16xf32>
      %broadcast_in_dim3A_1650 = vector.broadcast %jit3A_1648 : f32 to vector<16xf32>
      %select_n3A_1651 = arith.select %or3A_1640, %broadcast_in_dim3A_1649, %broadcast_in_dim3A_1650 : vector<16xi1>, vector<16xf32>
      %swap3A_1652 = arith.constant 30 : i32
      %swap3A_1653 = arith.index_cast %swap3A_1652 : i32 to index
      %swap3A_1654 = arith.index_cast %mul3A_8 : i32 to index
      %swap3A_1655 = tpu.vector_load %arg5[%swap3A_1653, %swap3A_1654] {strides = array<i32>} : memref<32x1024xf32, #tpu.memory_space<vmem>>, vector<1x16xf32>,
      %swap3A_1656 = vector.shape_cast %swap3A_1655 : vector<1x16xf32> to vector<16xf32>
      %swap3A_1657 = vector.shape_cast %select_n3A_1651 : vector<16xf32> to vector<1x16xf32>
      tpu.vector_store %arg5[%swap3A_1653, %swap3A_1654], %swap3A_1657 {strides = array<i32>} : memref<32x1024xf32, #tpu.memory_space<vmem>>, vector<1x16xf32>,
      %eq3A_1658 = arith.cmpf oeq, %get3A_167, %max3A_691 : vector<16xf32>
      %gt3A_1659 = arith.constant 0.000000e+00 : f32
      %gt3A_1660 = vector.broadcast %gt3A_1659 : f32 to vector<16xf32>
      %gt3A_1661 = arith.cmpf ogt, %sub3A_1646, %gt3A_1660 : vector<16xf32>
      %and3A_1662 = arith.andi %eq3A_1658, %gt3A_1661 : vector<16xi1>
      %gt3A_1663 = arith.cmpf ogt, %get3A_167, %max3A_691 : vector<16xf32>
      %or3A_1664 = arith.ori %gt3A_1663, %and3A_1662 : vector<16xi1>
      %jit3A_1665 = arith.constant 1.000000e+00 : f32
      %jit3A_1666 = arith.constant 0.000000e+00 : f32
      %broadcast_in_dim3A_1667 = vector.broadcast %jit3A_1665 : f32 to vector<16xf32>
      %broadcast_in_dim3A_1668 = vector.broadcast %jit3A_1666 : f32 to vector<16xf32>
      %select_n3A_1669 = arith.select %and3A_1662, %broadcast_in_dim3A_1667, %broadcast_in_dim3A_1668 : vector<16xi1>, vector<16xf32>
      %sub3A_1670 = arith.subf %sub3A_1646, %select_n3A_1669 : vector<16xf32>
      %jit3A_1671 = arith.constant 0.000000e+00 : f32
      %jit3A_1672 = arith.constant -1.000000e+05 : f32
      %broadcast_in_dim3A_1673 = vector.broadcast %jit3A_1671 : f32 to vector<16xf32>
      %broadcast_in_dim3A_1674 = vector.broadcast %jit3A_1672 : f32 to vector<16xf32>
      %select_n3A_1675 = arith.select %or3A_1664, %broadcast_in_dim3A_1673, %broadcast_in_dim3A_1674 : vector<16xi1>, vector<16xf32>
      %swap3A_1676 = arith.constant 31 : i32
      %swap3A_1677 = arith.index_cast %swap3A_1676 : i32 to index
      %swap3A_1678 = arith.index_cast %mul3A_8 : i32 to index
      %swap3A_1679 = tpu.vector_load %arg5[%swap3A_1677, %swap3A_1678] {strides = array<i32>} : memref<32x1024xf32, #tpu.memory_space<vmem>>, vector<1x16xf32>,
      %swap3A_1680 = vector.shape_cast %swap3A_1679 : vector<1x16xf32> to vector<16xf32>
      %swap3A_1681 = vector.shape_cast %select_n3A_1675 : vector<16xf32> to vector<1x16xf32>
      tpu.vector_store %arg5[%swap3A_1677, %swap3A_1678], %swap3A_1681 {strides = array<i32>} : memref<32x1024xf32, #tpu.memory_space<vmem>>, vector<1x16xf32>,
    }
    %scan3A_5 = arith.constant 64 : i32
    "tpu.region"() ({
      %run_scoped3A = tpu.sem_alloc : memref<!tpu.dma_semaphore, #tpu.memory_space<semaphore_mem>>
      %dma_start3A = arith.constant 0 : i32
      %dma_start3A_6 = arith.constant 0 : i32
      %dma_start3A_7 = tpu.memref_slice %arg3[%add3A, %dma_start3A, %dma_start3A_6] : memref<32x32x1024xf32, #tpu.memory_space<hbm>> -> memref<1x32x1024xf32, #tpu.memory_space<hbm>>
      %dma_start3A_8 = tpu.memref_squeeze %dma_start3A_7 : memref<1x32x1024xf32, #tpu.memory_space<hbm>> -> memref<32x1024xf32, #tpu.memory_space<hbm>>
      %dma_start3A_9 = arith.constant 0 : i32
      %dma_start3A_10 = arith.constant 0 : i32
      %dma_start3A_11 = tpu.memref_slice %arg3[%add3A, %dma_start3A_9, %dma_start3A_10] : memref<32x32x1024xf32, #tpu.memory_space<hbm>> -> memref<1x32x1024xf32, #tpu.memory_space<hbm>>
      %dma_start3A_12 = tpu.memref_squeeze %dma_start3A_11 : memref<1x32x1024xf32, #tpu.memory_space<hbm>> -> memref<32x1024xf32, #tpu.memory_space<hbm>>
      tpu.enqueue_dma source(%arg5 : memref<32x1024xf32, #tpu.memory_space<vmem>>) target(%dma_start3A_12 : memref<32x1024xf32, #tpu.memory_space<hbm>>) target_semaphore(%run_scoped3A : memref<!tpu.dma_semaphore, #tpu.memory_space<semaphore_mem>>)
      %dma_wait3A = arith.constant 0 : i32
      %dma_wait3A_13 = arith.constant 0 : i32
      %dma_wait3A_14 = tpu.memref_slice %arg3[%add3A, %dma_wait3A, %dma_wait3A_13] : memref<32x32x1024xf32, #tpu.memory_space<hbm>> -> memref<1x32x1024xf32, #tpu.memory_space<hbm>>
      %dma_wait3A_15 = tpu.memref_squeeze %dma_wait3A_14 : memref<1x32x1024xf32, #tpu.memory_space<hbm>> -> memref<32x1024xf32, #tpu.memory_space<hbm>>
      %dma_wait3A_16 = arith.constant 0 : i32
      %dma_wait3A_17 = arith.constant 0 : i32
      %dma_wait3A_18 = tpu.memref_slice %arg3[%add3A, %dma_wait3A_16, %dma_wait3A_17] : memref<32x32x1024xf32, #tpu.memory_space<hbm>> -> memref<1x32x1024xf32, #tpu.memory_space<hbm>>
      %dma_wait3A_19 = tpu.memref_squeeze %dma_wait3A_18 : memref<1x32x1024xf32, #tpu.memory_space<hbm>> -> memref<32x1024xf32, #tpu.memory_space<hbm>>
      tpu.wait_dma2 semaphore(%run_scoped3A : memref<!tpu.dma_semaphore, #tpu.memory_space<semaphore_mem>>) src(%arg5 : memref<32x1024xf32, #tpu.memory_space<vmem>>) dst(%dma_wait3A_19 : memref<32x1024xf32, #tpu.memory_space<hbm>>)
      tpu.yield
    }) : () -> ()
    return
  }
}

module attributes {stable_mosaic.version = 14 : i64} {
  func.func @_qprep_kernel(%arg0: i32, %arg1: memref<128x256xf32, #tpu.memory_space<vmem>>, %arg2: memref<128x3xf32, #tpu.memory_space<vmem>>, %arg3: memref<3x256xbf16, #tpu.memory_space<vmem>>, %arg4: memref<1x256xf32, #tpu.memory_space<vmem>>, %arg5: memref<8x32x256xbf16, #tpu.memory_space<vmem>>, %arg6: memref<8x1x32xf32, #tpu.memory_space<vmem>>, %arg7: memref<256x256xbf16, #tpu.memory_space<vmem>>, %arg8: memref<1x256xf32, #tpu.memory_space<vmem>>, %arg9: memref<1x1x256xf32, #tpu.memory_space<vmem>>, %arg10: memref<8x128x64xbf16, #tpu.memory_space<vmem>>) attributes {dimension_semantics = [#tpu.dimension_semantics<arbitrary>], iteration_bounds = array<i64: 32>, scalar_prefetch = 0 : i64, scratch_operands = 0 : i64, tpu.core_type = #tpu.core_type<tc>, window_params = [{transform_indices = @transform_0, window_bounds = array<i64: 128, 256>}, {transform_indices = @transform_1, window_bounds = array<i64: 128, 3>}, {pipeline_mode = #tpu.pipeline_mode<synchronous>, transform_indices = @transform_2, window_bounds = array<i64: 3, 256>}, {pipeline_mode = #tpu.pipeline_mode<synchronous>, transform_indices = @transform_3, window_bounds = array<i64: 1, 256>}, {pipeline_mode = #tpu.pipeline_mode<synchronous>, transform_indices = @transform_4, window_bounds = array<i64: 8, 32, 256>}, {pipeline_mode = #tpu.pipeline_mode<synchronous>, transform_indices = @transform_5, window_bounds = array<i64: 8, 1, 32>}, {pipeline_mode = #tpu.pipeline_mode<synchronous>, transform_indices = @transform_6, window_bounds = array<i64: 256, 256>}, {pipeline_mode = #tpu.pipeline_mode<synchronous>, transform_indices = @transform_7, window_bounds = array<i64: 1, 256>}, {transform_indices = @transform_8, window_bounds = array<i64: 1, 1, 256>}, {transform_indices = @transform_9, window_bounds = array<i64: 8, 128, 64>}]} {
    %get3A = arith.constant 0 : index
    %get3A_0 = arith.constant 0 : index
    %get3A_1 = vector.load %arg2[%get3A, %get3A_0] : memref<128x3xf32, #tpu.memory_space<vmem>>, vector<128x3xf32>
    %reduce_sum3A = arith.constant dense<0.000000e+00> : vector<3xf32>
    %reduce_sum3A_2 = vector.multi_reduction <add>, %get3A_1, %reduce_sum3A [0] : vector<128x3xf32> to vector<3xf32>
    %broadcast_in_dim3A = vector.shape_cast %reduce_sum3A_2 : vector<3xf32> to vector<1x3xf32>
    %div3A = arith.constant 1.280000e+02 : f32
    %div3A_3 = vector.broadcast %div3A : f32 to vector<1x3xf32>
    %div3A_4 = arith.divf %broadcast_in_dim3A, %div3A_3 : vector<1x3xf32>
    %sub3A = vector.broadcast %div3A_4 : vector<1x3xf32> to vector<128x3xf32>
    %sub3A_5 = arith.subf %get3A_1, %sub3A : vector<128x3xf32>
    %convert_element_type3A = arith.truncf %sub3A_5 : vector<128x3xf32> to vector<128x3xbf16>
    %slice3A = vector.extract_strided_slice %convert_element_type3A {offsets = [0, 0], sizes = [128, 1], strides = [1, 1]} : vector<128x3xbf16> to vector<128x1xbf16>
    %convert_element_type3A_6 = arith.extf %slice3A : vector<128x1xbf16> to vector<128x1xf32>
    %get3A_7 = arith.constant 0 : index
    %get3A_8 = arith.constant 0 : index
    %get3A_9 = vector.load %arg3[%get3A_7, %get3A_8] : memref<3x256xbf16, #tpu.memory_space<vmem>>, vector<1x256xbf16>
    %convert_element_type3A_10 = arith.extf %get3A_9 : vector<1x256xbf16> to vector<1x256xf32>
    %mul3A = vector.broadcast %convert_element_type3A_6 : vector<128x1xf32> to vector<128x256xf32>
    %mul3A_11 = vector.broadcast %convert_element_type3A_10 : vector<1x256xf32> to vector<128x256xf32>
    %mul3A_12 = arith.mulf %mul3A, %mul3A_11 : vector<128x256xf32>
    %slice3A_13 = vector.extract_strided_slice %convert_element_type3A {offsets = [0, 1], sizes = [128, 1], strides = [1, 1]} : vector<128x3xbf16> to vector<128x1xbf16>
    %convert_element_type3A_14 = arith.extf %slice3A_13 : vector<128x1xbf16> to vector<128x1xf32>
    %get3A_15 = arith.constant 1 : index
    %get3A_16 = arith.constant 0 : index
    %get3A_17 = vector.load %arg3[%get3A_15, %get3A_16] : memref<3x256xbf16, #tpu.memory_space<vmem>>, vector<1x256xbf16>
    %convert_element_type3A_18 = arith.extf %get3A_17 : vector<1x256xbf16> to vector<1x256xf32>
    %mul3A_19 = vector.broadcast %convert_element_type3A_14 : vector<128x1xf32> to vector<128x256xf32>
    %mul3A_20 = vector.broadcast %convert_element_type3A_18 : vector<1x256xf32> to vector<128x256xf32>
    %mul3A_21 = arith.mulf %mul3A_19, %mul3A_20 : vector<128x256xf32>
    %add3A = arith.addf %mul3A_12, %mul3A_21 : vector<128x256xf32>
    %slice3A_22 = vector.extract_strided_slice %convert_element_type3A {offsets = [0, 2], sizes = [128, 1], strides = [1, 1]} : vector<128x3xbf16> to vector<128x1xbf16>
    %convert_element_type3A_23 = arith.extf %slice3A_22 : vector<128x1xbf16> to vector<128x1xf32>
    %get3A_24 = arith.constant 2 : index
    %get3A_25 = arith.constant 0 : index
    %get3A_26 = vector.load %arg3[%get3A_24, %get3A_25] : memref<3x256xbf16, #tpu.memory_space<vmem>>, vector<1x256xbf16>
    %convert_element_type3A_27 = arith.extf %get3A_26 : vector<1x256xbf16> to vector<1x256xf32>
    %mul3A_28 = vector.broadcast %convert_element_type3A_23 : vector<128x1xf32> to vector<128x256xf32>
    %mul3A_29 = vector.broadcast %convert_element_type3A_27 : vector<1x256xf32> to vector<128x256xf32>
    %mul3A_30 = arith.mulf %mul3A_28, %mul3A_29 : vector<128x256xf32>
    %add3A_31 = arith.addf %add3A, %mul3A_30 : vector<128x256xf32>
    %get3A_32 = arith.constant 0 : index
    %get3A_33 = arith.constant 0 : index
    %get3A_34 = vector.load %arg1[%get3A_32, %get3A_33] : memref<128x256xf32, #tpu.memory_space<vmem>>, vector<128x256xf32>
    %add3A_35 = arith.addf %get3A_34, %add3A_31 : vector<128x256xf32>
    %get3A_36 = arith.constant 0 : index
    %get3A_37 = arith.constant 0 : index
    %get3A_38 = vector.load %arg4[%get3A_36, %get3A_37] : memref<1x256xf32, #tpu.memory_space<vmem>>, vector<1x256xf32>
    %add3A_39 = vector.broadcast %get3A_38 : vector<1x256xf32> to vector<128x256xf32>
    %add3A_40 = arith.addf %add3A_35, %add3A_39 : vector<128x256xf32>
    %convert_element_type3A_41 = arith.truncf %add3A_40 : vector<128x256xf32> to vector<128x256xbf16>
    %iota3A = tpu.iota {dimensions = array<i32: 1>} : vector<128x32xi32>
    %eq3A = vector.broadcast %arg0 : i32 to vector<128x32xi32>
    %eq3A_42 = arith.cmpi eq, %iota3A, %eq3A : vector<128x32xi32>
    %convert_element_type3A_43 = arith.extui %eq3A_42 : vector<128x32xi1> to vector<128x32xi32>
    %convert_element_type3A_44 = arith.sitofp %convert_element_type3A_43 : vector<128x32xi32> to vector<128x32xf32>
    %convert_element_type3A_45 = arith.truncf %convert_element_type3A_44 : vector<128x32xf32> to vector<128x32xbf16>
    %get3A_46 = arith.constant 0 : index
    %get3A_47 = arith.constant 0 : index
    %get3A_48 = arith.constant 0 : index
    %get3A_49 = vector.load %arg5[%get3A_46, %get3A_47, %get3A_48] : memref<8x32x256xbf16, #tpu.memory_space<vmem>>, vector<1x32x256xbf16>
    %get3A_50 = vector.shape_cast %get3A_49 : vector<1x32x256xbf16> to vector<32x256xbf16>
    %dot_general3A = arith.constant dense<0.000000e+00> : vector<128x32xf32>
    %dot_general3A_51 = tpu.matmul %convert_element_type3A_41, %get3A_50, %dot_general3A {dimension_numbers = #tpu.dot_dimension_numbers<[1], [1], [0], [0], [0, 0, 1, 0], [], []>, transpose_lhs_hint = false} : vector<128x256xbf16>, vector<32x256xbf16>, vector<128x32xf32> -> vector<128x32xf32>
    %get3A_52 = arith.constant 0 : index
    %get3A_53 = arith.constant 0 : index
    %get3A_54 = arith.constant 0 : index
    %get3A_55 = vector.load %arg6[%get3A_52, %get3A_53, %get3A_54] : memref<8x1x32xf32, #tpu.memory_space<vmem>>, vector<1x1x32xf32>
    %get3A_56 = vector.shape_cast %get3A_55 : vector<1x1x32xf32> to vector<1x32xf32>
    %add3A_57 = vector.broadcast %get3A_56 : vector<1x32xf32> to vector<128x32xf32>
    %add3A_58 = arith.addf %dot_general3A_51, %add3A_57 : vector<128x32xf32>
    %convert_element_type3A_59 = arith.truncf %add3A_58 : vector<128x32xf32> to vector<128x32xbf16>
    %concatenate3A = tpu.concatenate %convert_element_type3A_59, %convert_element_type3A_45 in 1 : vector<128x32xbf16>, vector<128x32xbf16> -> vector<128x64xbf16>
    %swap3A = arith.constant 0 : index
    %swap3A_60 = arith.constant 0 : index
    %swap3A_61 = arith.constant 0 : index
    %swap3A_62 = vector.load %arg10[%swap3A, %swap3A_60, %swap3A_61] : memref<8x128x64xbf16, #tpu.memory_space<vmem>>, vector<1x128x64xbf16>
    %swap3A_63 = vector.shape_cast %swap3A_62 : vector<1x128x64xbf16> to vector<128x64xbf16>
    %swap3A_64 = vector.shape_cast %concatenate3A : vector<128x64xbf16> to vector<1x128x64xbf16>
    tpu.vector_store %arg10[%swap3A, %swap3A_60, %swap3A_61], %swap3A_64 {strides = array<i32>} : memref<8x128x64xbf16, #tpu.memory_space<vmem>>, vector<1x128x64xbf16>,
    %get3A_65 = arith.constant 1 : index
    %get3A_66 = arith.constant 0 : index
    %get3A_67 = arith.constant 0 : index
    %get3A_68 = vector.load %arg5[%get3A_65, %get3A_66, %get3A_67] : memref<8x32x256xbf16, #tpu.memory_space<vmem>>, vector<1x32x256xbf16>
    %get3A_69 = vector.shape_cast %get3A_68 : vector<1x32x256xbf16> to vector<32x256xbf16>
    %dot_general3A_70 = arith.constant dense<0.000000e+00> : vector<128x32xf32>
    %dot_general3A_71 = tpu.matmul %convert_element_type3A_41, %get3A_69, %dot_general3A_70 {dimension_numbers = #tpu.dot_dimension_numbers<[1], [1], [0], [0], [0, 0, 1, 0], [], []>, transpose_lhs_hint = false} : vector<128x256xbf16>, vector<32x256xbf16>, vector<128x32xf32> -> vector<128x32xf32>
    %get3A_72 = arith.constant 1 : index
    %get3A_73 = arith.constant 0 : index
    %get3A_74 = arith.constant 0 : index
    %get3A_75 = vector.load %arg6[%get3A_72, %get3A_73, %get3A_74] : memref<8x1x32xf32, #tpu.memory_space<vmem>>, vector<1x1x32xf32>
    %get3A_76 = vector.shape_cast %get3A_75 : vector<1x1x32xf32> to vector<1x32xf32>
    %add3A_77 = vector.broadcast %get3A_76 : vector<1x32xf32> to vector<128x32xf32>
    %add3A_78 = arith.addf %dot_general3A_71, %add3A_77 : vector<128x32xf32>
    %convert_element_type3A_79 = arith.truncf %add3A_78 : vector<128x32xf32> to vector<128x32xbf16>
    %concatenate3A_80 = tpu.concatenate %convert_element_type3A_79, %convert_element_type3A_45 in 1 : vector<128x32xbf16>, vector<128x32xbf16> -> vector<128x64xbf16>
    %swap3A_81 = arith.constant 1 : index
    %swap3A_82 = arith.constant 0 : index
    %swap3A_83 = arith.constant 0 : index
    %swap3A_84 = vector.load %arg10[%swap3A_81, %swap3A_82, %swap3A_83] : memref<8x128x64xbf16, #tpu.memory_space<vmem>>, vector<1x128x64xbf16>
    %swap3A_85 = vector.shape_cast %swap3A_84 : vector<1x128x64xbf16> to vector<128x64xbf16>
    %swap3A_86 = vector.shape_cast %concatenate3A_80 : vector<128x64xbf16> to vector<1x128x64xbf16>
    tpu.vector_store %arg10[%swap3A_81, %swap3A_82, %swap3A_83], %swap3A_86 {strides = array<i32>} : memref<8x128x64xbf16, #tpu.memory_space<vmem>>, vector<1x128x64xbf16>,
    %get3A_87 = arith.constant 2 : index
    %get3A_88 = arith.constant 0 : index
    %get3A_89 = arith.constant 0 : index
    %get3A_90 = vector.load %arg5[%get3A_87, %get3A_88, %get3A_89] : memref<8x32x256xbf16, #tpu.memory_space<vmem>>, vector<1x32x256xbf16>
    %get3A_91 = vector.shape_cast %get3A_90 : vector<1x32x256xbf16> to vector<32x256xbf16>
    %dot_general3A_92 = arith.constant dense<0.000000e+00> : vector<128x32xf32>
    %dot_general3A_93 = tpu.matmul %convert_element_type3A_41, %get3A_91, %dot_general3A_92 {dimension_numbers = #tpu.dot_dimension_numbers<[1], [1], [0], [0], [0, 0, 1, 0], [], []>, transpose_lhs_hint = false} : vector<128x256xbf16>, vector<32x256xbf16>, vector<128x32xf32> -> vector<128x32xf32>
    %get3A_94 = arith.constant 2 : index
    %get3A_95 = arith.constant 0 : index
    %get3A_96 = arith.constant 0 : index
    %get3A_97 = vector.load %arg6[%get3A_94, %get3A_95, %get3A_96] : memref<8x1x32xf32, #tpu.memory_space<vmem>>, vector<1x1x32xf32>
    %get3A_98 = vector.shape_cast %get3A_97 : vector<1x1x32xf32> to vector<1x32xf32>
    %add3A_99 = vector.broadcast %get3A_98 : vector<1x32xf32> to vector<128x32xf32>
    %add3A_100 = arith.addf %dot_general3A_93, %add3A_99 : vector<128x32xf32>
    %convert_element_type3A_101 = arith.truncf %add3A_100 : vector<128x32xf32> to vector<128x32xbf16>
    %concatenate3A_102 = tpu.concatenate %convert_element_type3A_101, %convert_element_type3A_45 in 1 : vector<128x32xbf16>, vector<128x32xbf16> -> vector<128x64xbf16>
    %swap3A_103 = arith.constant 2 : index
    %swap3A_104 = arith.constant 0 : index
    %swap3A_105 = arith.constant 0 : index
    %swap3A_106 = vector.load %arg10[%swap3A_103, %swap3A_104, %swap3A_105] : memref<8x128x64xbf16, #tpu.memory_space<vmem>>, vector<1x128x64xbf16>
    %swap3A_107 = vector.shape_cast %swap3A_106 : vector<1x128x64xbf16> to vector<128x64xbf16>
    %swap3A_108 = vector.shape_cast %concatenate3A_102 : vector<128x64xbf16> to vector<1x128x64xbf16>
    tpu.vector_store %arg10[%swap3A_103, %swap3A_104, %swap3A_105], %swap3A_108 {strides = array<i32>} : memref<8x128x64xbf16, #tpu.memory_space<vmem>>, vector<1x128x64xbf16>,
    %get3A_109 = arith.constant 3 : index
    %get3A_110 = arith.constant 0 : index
    %get3A_111 = arith.constant 0 : index
    %get3A_112 = vector.load %arg5[%get3A_109, %get3A_110, %get3A_111] : memref<8x32x256xbf16, #tpu.memory_space<vmem>>, vector<1x32x256xbf16>
    %get3A_113 = vector.shape_cast %get3A_112 : vector<1x32x256xbf16> to vector<32x256xbf16>
    %dot_general3A_114 = arith.constant dense<0.000000e+00> : vector<128x32xf32>
    %dot_general3A_115 = tpu.matmul %convert_element_type3A_41, %get3A_113, %dot_general3A_114 {dimension_numbers = #tpu.dot_dimension_numbers<[1], [1], [0], [0], [0, 0, 1, 0], [], []>, transpose_lhs_hint = false} : vector<128x256xbf16>, vector<32x256xbf16>, vector<128x32xf32> -> vector<128x32xf32>
    %get3A_116 = arith.constant 3 : index
    %get3A_117 = arith.constant 0 : index
    %get3A_118 = arith.constant 0 : index
    %get3A_119 = vector.load %arg6[%get3A_116, %get3A_117, %get3A_118] : memref<8x1x32xf32, #tpu.memory_space<vmem>>, vector<1x1x32xf32>
    %get3A_120 = vector.shape_cast %get3A_119 : vector<1x1x32xf32> to vector<1x32xf32>
    %add3A_121 = vector.broadcast %get3A_120 : vector<1x32xf32> to vector<128x32xf32>
    %add3A_122 = arith.addf %dot_general3A_115, %add3A_121 : vector<128x32xf32>
    %convert_element_type3A_123 = arith.truncf %add3A_122 : vector<128x32xf32> to vector<128x32xbf16>
    %concatenate3A_124 = tpu.concatenate %convert_element_type3A_123, %convert_element_type3A_45 in 1 : vector<128x32xbf16>, vector<128x32xbf16> -> vector<128x64xbf16>
    %swap3A_125 = arith.constant 3 : index
    %swap3A_126 = arith.constant 0 : index
    %swap3A_127 = arith.constant 0 : index
    %swap3A_128 = vector.load %arg10[%swap3A_125, %swap3A_126, %swap3A_127] : memref<8x128x64xbf16, #tpu.memory_space<vmem>>, vector<1x128x64xbf16>
    %swap3A_129 = vector.shape_cast %swap3A_128 : vector<1x128x64xbf16> to vector<128x64xbf16>
    %swap3A_130 = vector.shape_cast %concatenate3A_124 : vector<128x64xbf16> to vector<1x128x64xbf16>
    tpu.vector_store %arg10[%swap3A_125, %swap3A_126, %swap3A_127], %swap3A_130 {strides = array<i32>} : memref<8x128x64xbf16, #tpu.memory_space<vmem>>, vector<1x128x64xbf16>,
    %get3A_131 = arith.constant 4 : index
    %get3A_132 = arith.constant 0 : index
    %get3A_133 = arith.constant 0 : index
    %get3A_134 = vector.load %arg5[%get3A_131, %get3A_132, %get3A_133] : memref<8x32x256xbf16, #tpu.memory_space<vmem>>, vector<1x32x256xbf16>
    %get3A_135 = vector.shape_cast %get3A_134 : vector<1x32x256xbf16> to vector<32x256xbf16>
    %dot_general3A_136 = arith.constant dense<0.000000e+00> : vector<128x32xf32>
    %dot_general3A_137 = tpu.matmul %convert_element_type3A_41, %get3A_135, %dot_general3A_136 {dimension_numbers = #tpu.dot_dimension_numbers<[1], [1], [0], [0], [0, 0, 1, 0], [], []>, transpose_lhs_hint = false} : vector<128x256xbf16>, vector<32x256xbf16>, vector<128x32xf32> -> vector<128x32xf32>
    %get3A_138 = arith.constant 4 : index
    %get3A_139 = arith.constant 0 : index
    %get3A_140 = arith.constant 0 : index
    %get3A_141 = vector.load %arg6[%get3A_138, %get3A_139, %get3A_140] : memref<8x1x32xf32, #tpu.memory_space<vmem>>, vector<1x1x32xf32>
    %get3A_142 = vector.shape_cast %get3A_141 : vector<1x1x32xf32> to vector<1x32xf32>
    %add3A_143 = vector.broadcast %get3A_142 : vector<1x32xf32> to vector<128x32xf32>
    %add3A_144 = arith.addf %dot_general3A_137, %add3A_143 : vector<128x32xf32>
    %convert_element_type3A_145 = arith.truncf %add3A_144 : vector<128x32xf32> to vector<128x32xbf16>
    %concatenate3A_146 = tpu.concatenate %convert_element_type3A_145, %convert_element_type3A_45 in 1 : vector<128x32xbf16>, vector<128x32xbf16> -> vector<128x64xbf16>
    %swap3A_147 = arith.constant 4 : index
    %swap3A_148 = arith.constant 0 : index
    %swap3A_149 = arith.constant 0 : index
    %swap3A_150 = vector.load %arg10[%swap3A_147, %swap3A_148, %swap3A_149] : memref<8x128x64xbf16, #tpu.memory_space<vmem>>, vector<1x128x64xbf16>
    %swap3A_151 = vector.shape_cast %swap3A_150 : vector<1x128x64xbf16> to vector<128x64xbf16>
    %swap3A_152 = vector.shape_cast %concatenate3A_146 : vector<128x64xbf16> to vector<1x128x64xbf16>
    tpu.vector_store %arg10[%swap3A_147, %swap3A_148, %swap3A_149], %swap3A_152 {strides = array<i32>} : memref<8x128x64xbf16, #tpu.memory_space<vmem>>, vector<1x128x64xbf16>,
    %get3A_153 = arith.constant 5 : index
    %get3A_154 = arith.constant 0 : index
    %get3A_155 = arith.constant 0 : index
    %get3A_156 = vector.load %arg5[%get3A_153, %get3A_154, %get3A_155] : memref<8x32x256xbf16, #tpu.memory_space<vmem>>, vector<1x32x256xbf16>
    %get3A_157 = vector.shape_cast %get3A_156 : vector<1x32x256xbf16> to vector<32x256xbf16>
    %dot_general3A_158 = arith.constant dense<0.000000e+00> : vector<128x32xf32>
    %dot_general3A_159 = tpu.matmul %convert_element_type3A_41, %get3A_157, %dot_general3A_158 {dimension_numbers = #tpu.dot_dimension_numbers<[1], [1], [0], [0], [0, 0, 1, 0], [], []>, transpose_lhs_hint = false} : vector<128x256xbf16>, vector<32x256xbf16>, vector<128x32xf32> -> vector<128x32xf32>
    %get3A_160 = arith.constant 5 : index
    %get3A_161 = arith.constant 0 : index
    %get3A_162 = arith.constant 0 : index
    %get3A_163 = vector.load %arg6[%get3A_160, %get3A_161, %get3A_162] : memref<8x1x32xf32, #tpu.memory_space<vmem>>, vector<1x1x32xf32>
    %get3A_164 = vector.shape_cast %get3A_163 : vector<1x1x32xf32> to vector<1x32xf32>
    %add3A_165 = vector.broadcast %get3A_164 : vector<1x32xf32> to vector<128x32xf32>
    %add3A_166 = arith.addf %dot_general3A_159, %add3A_165 : vector<128x32xf32>
    %convert_element_type3A_167 = arith.truncf %add3A_166 : vector<128x32xf32> to vector<128x32xbf16>
    %concatenate3A_168 = tpu.concatenate %convert_element_type3A_167, %convert_element_type3A_45 in 1 : vector<128x32xbf16>, vector<128x32xbf16> -> vector<128x64xbf16>
    %swap3A_169 = arith.constant 5 : index
    %swap3A_170 = arith.constant 0 : index
    %swap3A_171 = arith.constant 0 : index
    %swap3A_172 = vector.load %arg10[%swap3A_169, %swap3A_170, %swap3A_171] : memref<8x128x64xbf16, #tpu.memory_space<vmem>>, vector<1x128x64xbf16>
    %swap3A_173 = vector.shape_cast %swap3A_172 : vector<1x128x64xbf16> to vector<128x64xbf16>
    %swap3A_174 = vector.shape_cast %concatenate3A_168 : vector<128x64xbf16> to vector<1x128x64xbf16>
    tpu.vector_store %arg10[%swap3A_169, %swap3A_170, %swap3A_171], %swap3A_174 {strides = array<i32>} : memref<8x128x64xbf16, #tpu.memory_space<vmem>>, vector<1x128x64xbf16>,
    %get3A_175 = arith.constant 6 : index
    %get3A_176 = arith.constant 0 : index
    %get3A_177 = arith.constant 0 : index
    %get3A_178 = vector.load %arg5[%get3A_175, %get3A_176, %get3A_177] : memref<8x32x256xbf16, #tpu.memory_space<vmem>>, vector<1x32x256xbf16>
    %get3A_179 = vector.shape_cast %get3A_178 : vector<1x32x256xbf16> to vector<32x256xbf16>
    %dot_general3A_180 = arith.constant dense<0.000000e+00> : vector<128x32xf32>
    %dot_general3A_181 = tpu.matmul %convert_element_type3A_41, %get3A_179, %dot_general3A_180 {dimension_numbers = #tpu.dot_dimension_numbers<[1], [1], [0], [0], [0, 0, 1, 0], [], []>, transpose_lhs_hint = false} : vector<128x256xbf16>, vector<32x256xbf16>, vector<128x32xf32> -> vector<128x32xf32>
    %get3A_182 = arith.constant 6 : index
    %get3A_183 = arith.constant 0 : index
    %get3A_184 = arith.constant 0 : index
    %get3A_185 = vector.load %arg6[%get3A_182, %get3A_183, %get3A_184] : memref<8x1x32xf32, #tpu.memory_space<vmem>>, vector<1x1x32xf32>
    %get3A_186 = vector.shape_cast %get3A_185 : vector<1x1x32xf32> to vector<1x32xf32>
    %add3A_187 = vector.broadcast %get3A_186 : vector<1x32xf32> to vector<128x32xf32>
    %add3A_188 = arith.addf %dot_general3A_181, %add3A_187 : vector<128x32xf32>
    %convert_element_type3A_189 = arith.truncf %add3A_188 : vector<128x32xf32> to vector<128x32xbf16>
    %concatenate3A_190 = tpu.concatenate %convert_element_type3A_189, %convert_element_type3A_45 in 1 : vector<128x32xbf16>, vector<128x32xbf16> -> vector<128x64xbf16>
    %swap3A_191 = arith.constant 6 : index
    %swap3A_192 = arith.constant 0 : index
    %swap3A_193 = arith.constant 0 : index
    %swap3A_194 = vector.load %arg10[%swap3A_191, %swap3A_192, %swap3A_193] : memref<8x128x64xbf16, #tpu.memory_space<vmem>>, vector<1x128x64xbf16>
    %swap3A_195 = vector.shape_cast %swap3A_194 : vector<1x128x64xbf16> to vector<128x64xbf16>
    %swap3A_196 = vector.shape_cast %concatenate3A_190 : vector<128x64xbf16> to vector<1x128x64xbf16>
    tpu.vector_store %arg10[%swap3A_191, %swap3A_192, %swap3A_193], %swap3A_196 {strides = array<i32>} : memref<8x128x64xbf16, #tpu.memory_space<vmem>>, vector<1x128x64xbf16>,
    %get3A_197 = arith.constant 7 : index
    %get3A_198 = arith.constant 0 : index
    %get3A_199 = arith.constant 0 : index
    %get3A_200 = vector.load %arg5[%get3A_197, %get3A_198, %get3A_199] : memref<8x32x256xbf16, #tpu.memory_space<vmem>>, vector<1x32x256xbf16>
    %get3A_201 = vector.shape_cast %get3A_200 : vector<1x32x256xbf16> to vector<32x256xbf16>
    %dot_general3A_202 = arith.constant dense<0.000000e+00> : vector<128x32xf32>
    %dot_general3A_203 = tpu.matmul %convert_element_type3A_41, %get3A_201, %dot_general3A_202 {dimension_numbers = #tpu.dot_dimension_numbers<[1], [1], [0], [0], [0, 0, 1, 0], [], []>, transpose_lhs_hint = false} : vector<128x256xbf16>, vector<32x256xbf16>, vector<128x32xf32> -> vector<128x32xf32>
    %get3A_204 = arith.constant 7 : index
    %get3A_205 = arith.constant 0 : index
    %get3A_206 = arith.constant 0 : index
    %get3A_207 = vector.load %arg6[%get3A_204, %get3A_205, %get3A_206] : memref<8x1x32xf32, #tpu.memory_space<vmem>>, vector<1x1x32xf32>
    %get3A_208 = vector.shape_cast %get3A_207 : vector<1x1x32xf32> to vector<1x32xf32>
    %add3A_209 = vector.broadcast %get3A_208 : vector<1x32xf32> to vector<128x32xf32>
    %add3A_210 = arith.addf %dot_general3A_203, %add3A_209 : vector<128x32xf32>
    %convert_element_type3A_211 = arith.truncf %add3A_210 : vector<128x32xf32> to vector<128x32xbf16>
    %concatenate3A_212 = tpu.concatenate %convert_element_type3A_211, %convert_element_type3A_45 in 1 : vector<128x32xbf16>, vector<128x32xbf16> -> vector<128x64xbf16>
    %swap3A_213 = arith.constant 7 : index
    %swap3A_214 = arith.constant 0 : index
    %swap3A_215 = arith.constant 0 : index
    %swap3A_216 = vector.load %arg10[%swap3A_213, %swap3A_214, %swap3A_215] : memref<8x128x64xbf16, #tpu.memory_space<vmem>>, vector<1x128x64xbf16>
    %swap3A_217 = vector.shape_cast %swap3A_216 : vector<1x128x64xbf16> to vector<128x64xbf16>
    %swap3A_218 = vector.shape_cast %concatenate3A_212 : vector<128x64xbf16> to vector<1x128x64xbf16>
    tpu.vector_store %arg10[%swap3A_213, %swap3A_214, %swap3A_215], %swap3A_218 {strides = array<i32>} : memref<8x128x64xbf16, #tpu.memory_space<vmem>>, vector<1x128x64xbf16>,
    %get3A_219 = arith.constant 0 : index
    %get3A_220 = arith.constant 0 : index
    %get3A_221 = vector.load %arg7[%get3A_219, %get3A_220] : memref<256x256xbf16, #tpu.memory_space<vmem>>, vector<256x256xbf16>
    %dot_general3A_222 = arith.constant dense<0.000000e+00> : vector<128x256xf32>
    %dot_general3A_223 = tpu.matmul %convert_element_type3A_41, %get3A_221, %dot_general3A_222 {dimension_numbers = #tpu.dot_dimension_numbers<[1], [1], [0], [0], [0, 0, 1, 0], [], []>, transpose_lhs_hint = false} : vector<128x256xbf16>, vector<256x256xbf16>, vector<128x256xf32> -> vector<128x256xf32>
    %get3A_224 = arith.constant 0 : index
    %get3A_225 = arith.constant 0 : index
    %get3A_226 = vector.load %arg8[%get3A_224, %get3A_225] : memref<1x256xf32, #tpu.memory_space<vmem>>, vector<1x256xf32>
    %add3A_227 = vector.broadcast %get3A_226 : vector<1x256xf32> to vector<128x256xf32>
    %add3A_228 = arith.addf %dot_general3A_223, %add3A_227 : vector<128x256xf32>
    %reduce_sum3A_229 = arith.constant dense<0.000000e+00> : vector<256xf32>
    %reduce_sum3A_230 = vector.multi_reduction <add>, %add3A_228, %reduce_sum3A_229 [0] : vector<128x256xf32> to vector<256xf32>
    %broadcast_in_dim3A_231 = vector.shape_cast %reduce_sum3A_230 : vector<256xf32> to vector<1x256xf32>
    %div3A_232 = arith.constant 1.280000e+02 : f32
    %div3A_233 = vector.broadcast %div3A_232 : f32 to vector<1x256xf32>
    %div3A_234 = arith.divf %broadcast_in_dim3A_231, %div3A_233 : vector<1x256xf32>
    %swap3A_235 = arith.constant 0 : index
    %swap3A_236 = arith.constant 0 : index
    %swap3A_237 = arith.constant 0 : index
    %swap3A_238 = vector.load %arg9[%swap3A_235, %swap3A_236, %swap3A_237] : memref<1x1x256xf32, #tpu.memory_space<vmem>>, vector<1x1x256xf32>
    %swap3A_239 = vector.shape_cast %swap3A_238 : vector<1x1x256xf32> to vector<1x256xf32>
    %swap3A_240 = vector.shape_cast %div3A_234 : vector<1x256xf32> to vector<1x1x256xf32>
    tpu.vector_store %arg9[%swap3A_235, %swap3A_236, %swap3A_237], %swap3A_240 {strides = array<i32>} : memref<1x1x256xf32, #tpu.memory_space<vmem>>, vector<1x1x256xf32>,
    return
  }
  func.func @transform_0(%arg0: i32) -> (i32, i32) {
    %c0_i32 = arith.constant 0 : i32
    %c0_i32_0 = arith.constant 0 : i32
    return %arg0, %c0_i32 : i32, i32
  }
  func.func @transform_1(%arg0: i32) -> (i32, i32) {
    %c0_i32 = arith.constant 0 : i32
    %c0_i32_0 = arith.constant 0 : i32
    return %arg0, %c0_i32 : i32, i32
  }
  func.func @transform_2(%arg0: i32) -> (i32, i32) {
    %c0_i32 = arith.constant 0 : i32
    %c0_i32_0 = arith.constant 0 : i32
    %c0_i32_1 = arith.constant 0 : i32
    return %c0_i32, %c0_i32_0 : i32, i32
  }
  func.func @transform_3(%arg0: i32) -> (i32, i32) {
    %c0_i32 = arith.constant 0 : i32
    %c0_i32_0 = arith.constant 0 : i32
    %c0_i32_1 = arith.constant 0 : i32
    return %c0_i32, %c0_i32_0 : i32, i32
  }
  func.func @transform_4(%arg0: i32) -> (i32, i32, i32) {
    %c0_i32 = arith.constant 0 : i32
    %c0_i32_0 = arith.constant 0 : i32
    %c0_i32_1 = arith.constant 0 : i32
    %c0_i32_2 = arith.constant 0 : i32
    return %c0_i32, %c0_i32_0, %c0_i32_1 : i32, i32, i32
  }
  func.func @transform_5(%arg0: i32) -> (i32, i32, i32) {
    %c0_i32 = arith.constant 0 : i32
    %c0_i32_0 = arith.constant 0 : i32
    %c0_i32_1 = arith.constant 0 : i32
    %c0_i32_2 = arith.constant 0 : i32
    return %c0_i32, %c0_i32_0, %c0_i32_1 : i32, i32, i32
  }
  func.func @transform_6(%arg0: i32) -> (i32, i32) {
    %c0_i32 = arith.constant 0 : i32
    %c0_i32_0 = arith.constant 0 : i32
    %c0_i32_1 = arith.constant 0 : i32
    return %c0_i32, %c0_i32_0 : i32, i32
  }
  func.func @transform_7(%arg0: i32) -> (i32, i32) {
    %c0_i32 = arith.constant 0 : i32
    %c0_i32_0 = arith.constant 0 : i32
    %c0_i32_1 = arith.constant 0 : i32
    return %c0_i32, %c0_i32_0 : i32, i32
  }
  func.func @transform_8(%arg0: i32) -> (i32, i32, i32) {
    %c0_i32 = arith.constant 0 : i32
    %c0_i32_0 = arith.constant 0 : i32
    %c0_i32_1 = arith.constant 0 : i32
    return %arg0, %c0_i32, %c0_i32_0 : i32, i32, i32
  }
  func.func @transform_9(%arg0: i32) -> (i32, i32, i32) {
    %c0_i32 = arith.constant 0 : i32
    %c0_i32_0 = arith.constant 0 : i32
    %c0_i32_1 = arith.constant 0 : i32
    return %c0_i32, %arg0, %c0_i32_0 : i32, i32, i32
  }
}

module attributes {stable_mosaic.version = 14 : i64} {
  func.func @_sim_kernel(%arg0: i32, %arg1: i32, %arg2: memref<1x32x32xf32, #tpu.memory_space<vmem>>, %arg3: memref<1x512x64xbf16, #tpu.memory_space<vmem>>, %arg4: memref<1x32x512xf32, #tpu.memory_space<vmem>>) attributes {dimension_semantics = [#tpu.dimension_semantics<arbitrary>, #tpu.dimension_semantics<arbitrary>], iteration_bounds = array<i64: 8, 8>, scalar_prefetch = 0 : i64, scratch_operands = 0 : i64, tpu.core_type = #tpu.core_type<tc>, window_params = [{transform_indices = @transform_0, window_bounds = array<i64: 1, 32, 32>}, {transform_indices = @transform_1, window_bounds = array<i64: 1, 512, 64>}, {transform_indices = @transform_2, window_bounds = array<i64: 1, 32, 512>}]} {
    %get3A = arith.constant 0 : index
    %get3A_0 = arith.constant 0 : index
    %get3A_1 = arith.constant 0 : index
    %get3A_2 = vector.load %arg2[%get3A, %get3A_0, %get3A_1] : memref<1x32x32xf32, #tpu.memory_space<vmem>>, vector<1x32x32xf32>
    %get3A_3 = vector.shape_cast %get3A_2 : vector<1x32x32xf32> to vector<32x32xf32>
    %convert_element_type3A = arith.truncf %get3A_3 : vector<32x32xf32> to vector<32x32xbf16>
    %get3A_4 = arith.constant 0 : index
    %get3A_5 = arith.constant 0 : index
    %get3A_6 = arith.constant 0 : index
    %get3A_7 = vector.load %arg3[%get3A_4, %get3A_5, %get3A_6] : memref<1x512x64xbf16, #tpu.memory_space<vmem>>, vector<1x512x64xbf16>
    %get3A_8 = vector.shape_cast %get3A_7 : vector<1x512x64xbf16> to vector<512x64xbf16>
    %slice3A = vector.extract_strided_slice %get3A_8 {offsets = [0, 0], sizes = [512, 32], strides = [1, 1]} : vector<512x64xbf16> to vector<512x32xbf16>
    %dot_general3A = arith.constant dense<0.000000e+00> : vector<32x512xf32>
    %dot_general3A_9 = tpu.matmul %convert_element_type3A, %slice3A, %dot_general3A {dimension_numbers = #tpu.dot_dimension_numbers<[1], [1], [0], [0], [0, 0, 1, 0], [], []>, transpose_lhs_hint = false} : vector<32x32xbf16>, vector<512x32xbf16>, vector<32x512xf32> -> vector<32x512xf32>
    %swap3A = arith.constant 0 : index
    %swap3A_10 = arith.constant 0 : index
    %swap3A_11 = arith.constant 0 : index
    %swap3A_12 = vector.load %arg4[%swap3A, %swap3A_10, %swap3A_11] : memref<1x32x512xf32, #tpu.memory_space<vmem>>, vector<1x32x512xf32>
    %swap3A_13 = vector.shape_cast %swap3A_12 : vector<1x32x512xf32> to vector<32x512xf32>
    %swap3A_14 = vector.shape_cast %dot_general3A_9 : vector<32x512xf32> to vector<1x32x512xf32>
    tpu.vector_store %arg4[%swap3A, %swap3A_10, %swap3A_11], %swap3A_14 {strides = array<i32>} : memref<1x32x512xf32, #tpu.memory_space<vmem>>, vector<1x32x512xf32>,
    return
  }
  func.func @transform_0(%arg0: i32, %arg1: i32) -> (i32, i32, i32) {
    %c0_i32 = arith.constant 0 : i32
    %c0_i32_0 = arith.constant 0 : i32
    %c0_i32_1 = arith.constant 0 : i32
    return %arg0, %c0_i32, %c0_i32_0 : i32, i32, i32
  }
  func.func @transform_1(%arg0: i32, %arg1: i32) -> (i32, i32, i32) {
    %c0_i32 = arith.constant 0 : i32
    %c0_i32_0 = arith.constant 0 : i32
    return %arg0, %arg1, %c0_i32 : i32, i32, i32
  }
  func.func @transform_2(%arg0: i32, %arg1: i32) -> (i32, i32, i32) {
    %mul3A = arith.constant 4 : i32
    %mul3A_0 = arith.muli %arg0, %mul3A : i32
    %jit3A = arith.constant 2 : i32
    %div3A = arith.divsi %arg1, %jit3A : i32
    %sign3A = arith.constant 0 : i32
    %sign3A_1 = arith.cmpi sgt, %arg1, %sign3A : i32
    %sign3A_2 = arith.extui %sign3A_1 : i1 to i32
    %sign3A_3 = arith.constant 0 : i32
    %sign3A_4 = arith.cmpi slt, %arg1, %sign3A_3 : i32
    %sign3A_5 = arith.extui %sign3A_4 : i1 to i32
    %sign3A_6 = arith.subi %sign3A_2, %sign3A_5 : i32
    %sign3A_7 = arith.constant 0 : i32
    %sign3A_8 = arith.cmpi sgt, %jit3A, %sign3A_7 : i32
    %sign3A_9 = arith.extui %sign3A_8 : i1 to i32
    %sign3A_10 = arith.constant 0 : i32
    %sign3A_11 = arith.cmpi slt, %jit3A, %sign3A_10 : i32
    %sign3A_12 = arith.extui %sign3A_11 : i1 to i32
    %sign3A_13 = arith.subi %sign3A_9, %sign3A_12 : i32
    %ne3A = arith.cmpi ne, %sign3A_6, %sign3A_13 : i32
    %rem3A = arith.remsi %arg1, %jit3A : i32
    %ne3A_14 = arith.constant 0 : i32
    %ne3A_15 = arith.cmpi ne, %rem3A, %ne3A_14 : i32
    %and3A = arith.andi %ne3A, %ne3A_15 : i1
    %sub3A = arith.constant 1 : i32
    %sub3A_16 = arith.subi %div3A, %sub3A : i32
    %select_n3A = arith.select %and3A, %sub3A_16, %div3A : i32
    %add3A = arith.addi %mul3A_0, %select_n3A : i32
    %jit3A_17 = arith.constant 2 : i32
    %eq3A = arith.constant 0 : i32
    %eq3A_18 = arith.cmpi eq, %jit3A_17, %eq3A : i32
    %jit3A_19 = arith.constant 1 : i32
    %select_n3A_20 = arith.select %eq3A_18, %jit3A_19, %jit3A_17 : i32
    %rem3A_21 = arith.remsi %arg1, %select_n3A_20 : i32
    %ne3A_22 = arith.constant 0 : i32
    %ne3A_23 = arith.cmpi ne, %rem3A_21, %ne3A_22 : i32
    %lt3A = arith.constant 0 : i32
    %lt3A_24 = arith.cmpi slt, %rem3A_21, %lt3A : i32
    %lt3A_25 = arith.constant 0 : i32
    %lt3A_26 = arith.cmpi slt, %select_n3A_20, %lt3A_25 : i32
    %ne3A_27 = arith.xori %lt3A_24, %lt3A_26 : i1
    %and3A_28 = arith.andi %ne3A_27, %ne3A_23 : i1
    %add3A_29 = arith.addi %rem3A_21, %select_n3A_20 : i32
    %select_n3A_30 = arith.select %and3A_28, %add3A_29, %rem3A_21 : i32
    %c0_i32 = arith.constant 0 : i32
    %c0_i32_31 = arith.constant 0 : i32
    return %add3A, %c0_i32, %select_n3A_30 : i32, i32, i32
  }
}

module attributes {stable_mosaic.version = 14 : i64} {
  func.func @_attn_kernel(%arg0: i32, %arg1: i32, %arg2: memref<1x256x32xbf16, #tpu.memory_space<vmem>>, %arg3: memref<1x4096x64xbf16, #tpu.memory_space<vmem>>, %arg4: memref<1x256x32xf32, #tpu.memory_space<vmem>>) attributes {dimension_semantics = [#tpu.dimension_semantics<arbitrary>, #tpu.dimension_semantics<arbitrary>], iteration_bounds = array<i64: 8, 16>, scalar_prefetch = 0 : i64, scratch_operands = 0 : i64, tpu.core_type = #tpu.core_type<tc>, window_params = [{transform_indices = @transform_0, window_bounds = array<i64: 1, 256, 32>}, {transform_indices = @transform_1, window_bounds = array<i64: 1, 4096, 64>}, {transform_indices = @transform_2, window_bounds = array<i64: 1, 256, 32>}]} {
    %get3A = arith.constant 0 : index
    %get3A_0 = arith.constant 0 : index
    %get3A_1 = arith.constant 0 : index
    %get3A_2 = vector.load %arg3[%get3A, %get3A_0, %get3A_1] : memref<1x4096x64xbf16, #tpu.memory_space<vmem>>, vector<1x4096x64xbf16>
    %get3A_3 = vector.shape_cast %get3A_2 : vector<1x4096x64xbf16> to vector<4096x64xbf16>
    %mul3A = arith.constant 256 : i32
    %mul3A_4 = arith.muli %arg1, %mul3A : i32
    %get3A_5 = arith.constant 0 : index
    %get3A_6 = arith.index_cast %mul3A_4 : i32 to index
    %get3A_7 = arith.constant 0 : index
    %get3A_8 = vector.load %arg3[%get3A_5, %get3A_6, %get3A_7] : memref<1x4096x64xbf16, #tpu.memory_space<vmem>>, vector<1x256x32xbf16>
    %get3A_9 = vector.shape_cast %get3A_8 : vector<1x256x32xbf16> to vector<256x32xbf16>
    %convert_element_type3A = arith.extf %get3A_9 : vector<256x32xbf16> to vector<256x32xf32>
    %mul3A_10 = arith.constant 0.176776692 : f32
    %mul3A_11 = vector.broadcast %mul3A_10 : f32 to vector<256x32xf32>
    %mul3A_12 = arith.mulf %convert_element_type3A, %mul3A_11 : vector<256x32xf32>
    %convert_element_type3A_13 = arith.truncf %mul3A_12 : vector<256x32xf32> to vector<256x32xbf16>
    %get3A_14 = arith.constant 0 : index
    %get3A_15 = arith.constant 0 : index
    %get3A_16 = arith.constant 0 : index
    %get3A_17 = vector.load %arg2[%get3A_14, %get3A_15, %get3A_16] : memref<1x256x32xbf16, #tpu.memory_space<vmem>>, vector<1x256x32xbf16>
    %get3A_18 = vector.shape_cast %get3A_17 : vector<1x256x32xbf16> to vector<256x32xbf16>
    %concatenate3A = tpu.concatenate %convert_element_type3A_13, %get3A_18 in 1 : vector<256x32xbf16>, vector<256x32xbf16> -> vector<256x64xbf16>
    %dot_general3A = arith.constant dense<0.000000e+00> : vector<256x4096xf32>
    %dot_general3A_19 = tpu.matmul %concatenate3A, %get3A_3, %dot_general3A {dimension_numbers = #tpu.dot_dimension_numbers<[1], [1], [0], [0], [0, 0, 1, 0], [], []>, transpose_lhs_hint = false} : vector<256x64xbf16>, vector<4096x64xbf16>, vector<256x4096xf32> -> vector<256x4096xf32>
    %exp3A = math.exp %dot_general3A_19 : vector<256x4096xf32>
    %convert_element_type3A_20 = arith.truncf %exp3A : vector<256x4096xf32> to vector<256x4096xbf16>
    %dot_general3A_21 = arith.constant dense<0.000000e+00> : vector<256x64xf32>
    %dot_general3A_22 = tpu.matmul %convert_element_type3A_20, %get3A_3, %dot_general3A_21 {dimension_numbers = #tpu.dot_dimension_numbers<[1], [0], [0], [1], [0, 0, 1, 1], [], []>, transpose_lhs_hint = false} : vector<256x4096xbf16>, vector<4096x64xbf16>, vector<256x64xf32> -> vector<256x64xf32>
    %slice3A = vector.extract_strided_slice %dot_general3A_22 {offsets = [0, 32], sizes = [256, 32], strides = [1, 1]} : vector<256x64xf32> to vector<256x32xf32>
    %reduce_sum3A = arith.constant dense<0.000000e+00> : vector<256xf32>
    %reduce_sum3A_23 = vector.multi_reduction <add>, %slice3A, %reduce_sum3A [1] : vector<256x32xf32> to vector<256xf32>
    %broadcast_in_dim3A = vector.shape_cast %reduce_sum3A_23 : vector<256xf32> to vector<256x1xf32>
    %slice3A_24 = vector.extract_strided_slice %dot_general3A_22 {offsets = [0, 0], sizes = [256, 32], strides = [1, 1]} : vector<256x64xf32> to vector<256x32xf32>
    %div3A = vector.broadcast %broadcast_in_dim3A : vector<256x1xf32> to vector<256x32xf32>
    %div3A_25 = arith.divf %slice3A_24, %div3A : vector<256x32xf32>
    %swap3A = arith.constant 0 : index
    %swap3A_26 = arith.constant 0 : index
    %swap3A_27 = arith.constant 0 : index
    %swap3A_28 = vector.load %arg4[%swap3A, %swap3A_26, %swap3A_27] : memref<1x256x32xf32, #tpu.memory_space<vmem>>, vector<1x256x32xf32>
    %swap3A_29 = vector.shape_cast %swap3A_28 : vector<1x256x32xf32> to vector<256x32xf32>
    %swap3A_30 = vector.shape_cast %div3A_25 : vector<256x32xf32> to vector<1x256x32xf32>
    tpu.vector_store %arg4[%swap3A, %swap3A_26, %swap3A_27], %swap3A_30 {strides = array<i32>} : memref<1x256x32xf32, #tpu.memory_space<vmem>>, vector<1x256x32xf32>,
    return
  }
  func.func @transform_0(%arg0: i32, %arg1: i32) -> (i32, i32, i32) {
    %c0_i32 = arith.constant 0 : i32
    %c0_i32_0 = arith.constant 0 : i32
    return %arg0, %arg1, %c0_i32 : i32, i32, i32
  }
  func.func @transform_1(%arg0: i32, %arg1: i32) -> (i32, i32, i32) {
    %c0_i32 = arith.constant 0 : i32
    %c0_i32_0 = arith.constant 0 : i32
    %c0_i32_1 = arith.constant 0 : i32
    return %arg0, %c0_i32, %c0_i32_0 : i32, i32, i32
  }
  func.func @transform_2(%arg0: i32, %arg1: i32) -> (i32, i32, i32) {
    %c0_i32 = arith.constant 0 : i32
    %c0_i32_0 = arith.constant 0 : i32
    return %arg0, %arg1, %c0_i32 : i32, i32, i32
  }
}

module attributes {stable_mosaic.version = 14 : i64} {
  func.func @_proj_kernel(%arg0: i32, %arg1: memref<8x512x32xf32, #tpu.memory_space<vmem>>, %arg2: memref<8x32x256xbf16, #tpu.memory_space<vmem>>, %arg3: memref<1x256xf32, #tpu.memory_space<vmem>>, %arg4: memref<512x256xf32, #tpu.memory_space<vmem>>) attributes {dimension_semantics = [#tpu.dimension_semantics<arbitrary>], iteration_bounds = array<i64: 8>, scalar_prefetch = 0 : i64, scratch_operands = 0 : i64, tpu.core_type = #tpu.core_type<tc>, window_params = [{transform_indices = @transform_0, window_bounds = array<i64: 8, 512, 32>}, {pipeline_mode = #tpu.pipeline_mode<synchronous>, transform_indices = @transform_1, window_bounds = array<i64: 8, 32, 256>}, {pipeline_mode = #tpu.pipeline_mode<synchronous>, transform_indices = @transform_2, window_bounds = array<i64: 1, 256>}, {transform_indices = @transform_3, window_bounds = array<i64: 512, 256>}]} {
    %broadcast_in_dim3A = arith.constant 0.000000e+00 : f32
    %broadcast_in_dim3A_0 = vector.broadcast %broadcast_in_dim3A : f32 to vector<512x256xf32>
    %get3A = arith.constant 0 : index
    %get3A_1 = arith.constant 0 : index
    %get3A_2 = vector.load %arg3[%get3A, %get3A_1] : memref<1x256xf32, #tpu.memory_space<vmem>>, vector<1x256xf32>
    %add3A = vector.broadcast %get3A_2 : vector<1x256xf32> to vector<512x256xf32>
    %add3A_3 = arith.addf %broadcast_in_dim3A_0, %add3A : vector<512x256xf32>
    %get3A_4 = arith.constant 0 : index
    %get3A_5 = arith.constant 0 : index
    %get3A_6 = arith.constant 0 : index
    %get3A_7 = vector.load %arg1[%get3A_4, %get3A_5, %get3A_6] : memref<8x512x32xf32, #tpu.memory_space<vmem>>, vector<1x512x32xf32>
    %get3A_8 = vector.shape_cast %get3A_7 : vector<1x512x32xf32> to vector<512x32xf32>
    %convert_element_type3A = arith.truncf %get3A_8 : vector<512x32xf32> to vector<512x32xbf16>
    %get3A_9 = arith.constant 0 : index
    %get3A_10 = arith.constant 0 : index
    %get3A_11 = arith.constant 0 : index
    %get3A_12 = vector.load %arg2[%get3A_9, %get3A_10, %get3A_11] : memref<8x32x256xbf16, #tpu.memory_space<vmem>>, vector<1x32x256xbf16>
    %get3A_13 = vector.shape_cast %get3A_12 : vector<1x32x256xbf16> to vector<32x256xbf16>
    %dot_general3A = arith.constant dense<0.000000e+00> : vector<512x256xf32>
    %dot_general3A_14 = tpu.matmul %convert_element_type3A, %get3A_13, %dot_general3A {dimension_numbers = #tpu.dot_dimension_numbers<[1], [0], [0], [1], [0, 0, 1, 1], [], []>, transpose_lhs_hint = false} : vector<512x32xbf16>, vector<32x256xbf16>, vector<512x256xf32> -> vector<512x256xf32>
    %add3A_15 = arith.addf %add3A_3, %dot_general3A_14 : vector<512x256xf32>
    %get3A_16 = arith.constant 1 : index
    %get3A_17 = arith.constant 0 : index
    %get3A_18 = arith.constant 0 : index
    %get3A_19 = vector.load %arg1[%get3A_16, %get3A_17, %get3A_18] : memref<8x512x32xf32, #tpu.memory_space<vmem>>, vector<1x512x32xf32>
    %get3A_20 = vector.shape_cast %get3A_19 : vector<1x512x32xf32> to vector<512x32xf32>
    %convert_element_type3A_21 = arith.truncf %get3A_20 : vector<512x32xf32> to vector<512x32xbf16>
    %get3A_22 = arith.constant 1 : index
    %get3A_23 = arith.constant 0 : index
    %get3A_24 = arith.constant 0 : index
    %get3A_25 = vector.load %arg2[%get3A_22, %get3A_23, %get3A_24] : memref<8x32x256xbf16, #tpu.memory_space<vmem>>, vector<1x32x256xbf16>
    %get3A_26 = vector.shape_cast %get3A_25 : vector<1x32x256xbf16> to vector<32x256xbf16>
    %dot_general3A_27 = arith.constant dense<0.000000e+00> : vector<512x256xf32>
    %dot_general3A_28 = tpu.matmul %convert_element_type3A_21, %get3A_26, %dot_general3A_27 {dimension_numbers = #tpu.dot_dimension_numbers<[1], [0], [0], [1], [0, 0, 1, 1], [], []>, transpose_lhs_hint = false} : vector<512x32xbf16>, vector<32x256xbf16>, vector<512x256xf32> -> vector<512x256xf32>
    %add3A_29 = arith.addf %add3A_15, %dot_general3A_28 : vector<512x256xf32>
    %get3A_30 = arith.constant 2 : index
    %get3A_31 = arith.constant 0 : index
    %get3A_32 = arith.constant 0 : index
    %get3A_33 = vector.load %arg1[%get3A_30, %get3A_31, %get3A_32] : memref<8x512x32xf32, #tpu.memory_space<vmem>>, vector<1x512x32xf32>
    %get3A_34 = vector.shape_cast %get3A_33 : vector<1x512x32xf32> to vector<512x32xf32>
    %convert_element_type3A_35 = arith.truncf %get3A_34 : vector<512x32xf32> to vector<512x32xbf16>
    %get3A_36 = arith.constant 2 : index
    %get3A_37 = arith.constant 0 : index
    %get3A_38 = arith.constant 0 : index
    %get3A_39 = vector.load %arg2[%get3A_36, %get3A_37, %get3A_38] : memref<8x32x256xbf16, #tpu.memory_space<vmem>>, vector<1x32x256xbf16>
    %get3A_40 = vector.shape_cast %get3A_39 : vector<1x32x256xbf16> to vector<32x256xbf16>
    %dot_general3A_41 = arith.constant dense<0.000000e+00> : vector<512x256xf32>
    %dot_general3A_42 = tpu.matmul %convert_element_type3A_35, %get3A_40, %dot_general3A_41 {dimension_numbers = #tpu.dot_dimension_numbers<[1], [0], [0], [1], [0, 0, 1, 1], [], []>, transpose_lhs_hint = false} : vector<512x32xbf16>, vector<32x256xbf16>, vector<512x256xf32> -> vector<512x256xf32>
    %add3A_43 = arith.addf %add3A_29, %dot_general3A_42 : vector<512x256xf32>
    %get3A_44 = arith.constant 3 : index
    %get3A_45 = arith.constant 0 : index
    %get3A_46 = arith.constant 0 : index
    %get3A_47 = vector.load %arg1[%get3A_44, %get3A_45, %get3A_46] : memref<8x512x32xf32, #tpu.memory_space<vmem>>, vector<1x512x32xf32>
    %get3A_48 = vector.shape_cast %get3A_47 : vector<1x512x32xf32> to vector<512x32xf32>
    %convert_element_type3A_49 = arith.truncf %get3A_48 : vector<512x32xf32> to vector<512x32xbf16>
    %get3A_50 = arith.constant 3 : index
    %get3A_51 = arith.constant 0 : index
    %get3A_52 = arith.constant 0 : index
    %get3A_53 = vector.load %arg2[%get3A_50, %get3A_51, %get3A_52] : memref<8x32x256xbf16, #tpu.memory_space<vmem>>, vector<1x32x256xbf16>
    %get3A_54 = vector.shape_cast %get3A_53 : vector<1x32x256xbf16> to vector<32x256xbf16>
    %dot_general3A_55 = arith.constant dense<0.000000e+00> : vector<512x256xf32>
    %dot_general3A_56 = tpu.matmul %convert_element_type3A_49, %get3A_54, %dot_general3A_55 {dimension_numbers = #tpu.dot_dimension_numbers<[1], [0], [0], [1], [0, 0, 1, 1], [], []>, transpose_lhs_hint = false} : vector<512x32xbf16>, vector<32x256xbf16>, vector<512x256xf32> -> vector<512x256xf32>
    %add3A_57 = arith.addf %add3A_43, %dot_general3A_56 : vector<512x256xf32>
    %get3A_58 = arith.constant 4 : index
    %get3A_59 = arith.constant 0 : index
    %get3A_60 = arith.constant 0 : index
    %get3A_61 = vector.load %arg1[%get3A_58, %get3A_59, %get3A_60] : memref<8x512x32xf32, #tpu.memory_space<vmem>>, vector<1x512x32xf32>
    %get3A_62 = vector.shape_cast %get3A_61 : vector<1x512x32xf32> to vector<512x32xf32>
    %convert_element_type3A_63 = arith.truncf %get3A_62 : vector<512x32xf32> to vector<512x32xbf16>
    %get3A_64 = arith.constant 4 : index
    %get3A_65 = arith.constant 0 : index
    %get3A_66 = arith.constant 0 : index
    %get3A_67 = vector.load %arg2[%get3A_64, %get3A_65, %get3A_66] : memref<8x32x256xbf16, #tpu.memory_space<vmem>>, vector<1x32x256xbf16>
    %get3A_68 = vector.shape_cast %get3A_67 : vector<1x32x256xbf16> to vector<32x256xbf16>
    %dot_general3A_69 = arith.constant dense<0.000000e+00> : vector<512x256xf32>
    %dot_general3A_70 = tpu.matmul %convert_element_type3A_63, %get3A_68, %dot_general3A_69 {dimension_numbers = #tpu.dot_dimension_numbers<[1], [0], [0], [1], [0, 0, 1, 1], [], []>, transpose_lhs_hint = false} : vector<512x32xbf16>, vector<32x256xbf16>, vector<512x256xf32> -> vector<512x256xf32>
    %add3A_71 = arith.addf %add3A_57, %dot_general3A_70 : vector<512x256xf32>
    %get3A_72 = arith.constant 5 : index
    %get3A_73 = arith.constant 0 : index
    %get3A_74 = arith.constant 0 : index
    %get3A_75 = vector.load %arg1[%get3A_72, %get3A_73, %get3A_74] : memref<8x512x32xf32, #tpu.memory_space<vmem>>, vector<1x512x32xf32>
    %get3A_76 = vector.shape_cast %get3A_75 : vector<1x512x32xf32> to vector<512x32xf32>
    %convert_element_type3A_77 = arith.truncf %get3A_76 : vector<512x32xf32> to vector<512x32xbf16>
    %get3A_78 = arith.constant 5 : index
    %get3A_79 = arith.constant 0 : index
    %get3A_80 = arith.constant 0 : index
    %get3A_81 = vector.load %arg2[%get3A_78, %get3A_79, %get3A_80] : memref<8x32x256xbf16, #tpu.memory_space<vmem>>, vector<1x32x256xbf16>
    %get3A_82 = vector.shape_cast %get3A_81 : vector<1x32x256xbf16> to vector<32x256xbf16>
    %dot_general3A_83 = arith.constant dense<0.000000e+00> : vector<512x256xf32>
    %dot_general3A_84 = tpu.matmul %convert_element_type3A_77, %get3A_82, %dot_general3A_83 {dimension_numbers = #tpu.dot_dimension_numbers<[1], [0], [0], [1], [0, 0, 1, 1], [], []>, transpose_lhs_hint = false} : vector<512x32xbf16>, vector<32x256xbf16>, vector<512x256xf32> -> vector<512x256xf32>
    %add3A_85 = arith.addf %add3A_71, %dot_general3A_84 : vector<512x256xf32>
    %get3A_86 = arith.constant 6 : index
    %get3A_87 = arith.constant 0 : index
    %get3A_88 = arith.constant 0 : index
    %get3A_89 = vector.load %arg1[%get3A_86, %get3A_87, %get3A_88] : memref<8x512x32xf32, #tpu.memory_space<vmem>>, vector<1x512x32xf32>
    %get3A_90 = vector.shape_cast %get3A_89 : vector<1x512x32xf32> to vector<512x32xf32>
    %convert_element_type3A_91 = arith.truncf %get3A_90 : vector<512x32xf32> to vector<512x32xbf16>
    %get3A_92 = arith.constant 6 : index
    %get3A_93 = arith.constant 0 : index
    %get3A_94 = arith.constant 0 : index
    %get3A_95 = vector.load %arg2[%get3A_92, %get3A_93, %get3A_94] : memref<8x32x256xbf16, #tpu.memory_space<vmem>>, vector<1x32x256xbf16>
    %get3A_96 = vector.shape_cast %get3A_95 : vector<1x32x256xbf16> to vector<32x256xbf16>
    %dot_general3A_97 = arith.constant dense<0.000000e+00> : vector<512x256xf32>
    %dot_general3A_98 = tpu.matmul %convert_element_type3A_91, %get3A_96, %dot_general3A_97 {dimension_numbers = #tpu.dot_dimension_numbers<[1], [0], [0], [1], [0, 0, 1, 1], [], []>, transpose_lhs_hint = false} : vector<512x32xbf16>, vector<32x256xbf16>, vector<512x256xf32> -> vector<512x256xf32>
    %add3A_99 = arith.addf %add3A_85, %dot_general3A_98 : vector<512x256xf32>
    %get3A_100 = arith.constant 7 : index
    %get3A_101 = arith.constant 0 : index
    %get3A_102 = arith.constant 0 : index
    %get3A_103 = vector.load %arg1[%get3A_100, %get3A_101, %get3A_102] : memref<8x512x32xf32, #tpu.memory_space<vmem>>, vector<1x512x32xf32>
    %get3A_104 = vector.shape_cast %get3A_103 : vector<1x512x32xf32> to vector<512x32xf32>
    %convert_element_type3A_105 = arith.truncf %get3A_104 : vector<512x32xf32> to vector<512x32xbf16>
    %get3A_106 = arith.constant 7 : index
    %get3A_107 = arith.constant 0 : index
    %get3A_108 = arith.constant 0 : index
    %get3A_109 = vector.load %arg2[%get3A_106, %get3A_107, %get3A_108] : memref<8x32x256xbf16, #tpu.memory_space<vmem>>, vector<1x32x256xbf16>
    %get3A_110 = vector.shape_cast %get3A_109 : vector<1x32x256xbf16> to vector<32x256xbf16>
    %dot_general3A_111 = arith.constant dense<0.000000e+00> : vector<512x256xf32>
    %dot_general3A_112 = tpu.matmul %convert_element_type3A_105, %get3A_110, %dot_general3A_111 {dimension_numbers = #tpu.dot_dimension_numbers<[1], [0], [0], [1], [0, 0, 1, 1], [], []>, transpose_lhs_hint = false} : vector<512x32xbf16>, vector<32x256xbf16>, vector<512x256xf32> -> vector<512x256xf32>
    %add3A_113 = arith.addf %add3A_99, %dot_general3A_112 : vector<512x256xf32>
    %swap3A = arith.constant 0 : index
    %swap3A_114 = arith.constant 0 : index
    %swap3A_115 = vector.load %arg4[%swap3A, %swap3A_114] : memref<512x256xf32, #tpu.memory_space<vmem>>, vector<512x256xf32>
    tpu.vector_store %arg4[%swap3A, %swap3A_114], %add3A_113 {strides = array<i32>} : memref<512x256xf32, #tpu.memory_space<vmem>>, vector<512x256xf32>,
    return
  }
  func.func @transform_0(%arg0: i32) -> (i32, i32, i32) {
    %c0_i32 = arith.constant 0 : i32
    %c0_i32_0 = arith.constant 0 : i32
    %c0_i32_1 = arith.constant 0 : i32
    return %c0_i32, %arg0, %c0_i32_0 : i32, i32, i32
  }
  func.func @transform_1(%arg0: i32) -> (i32, i32, i32) {
    %c0_i32 = arith.constant 0 : i32
    %c0_i32_0 = arith.constant 0 : i32
    %c0_i32_1 = arith.constant 0 : i32
    %c0_i32_2 = arith.constant 0 : i32
    return %c0_i32, %c0_i32_0, %c0_i32_1 : i32, i32, i32
  }
  func.func @transform_2(%arg0: i32) -> (i32, i32) {
    %c0_i32 = arith.constant 0 : i32
    %c0_i32_0 = arith.constant 0 : i32
    %c0_i32_1 = arith.constant 0 : i32
    return %c0_i32, %c0_i32_0 : i32, i32
  }
  func.func @transform_3(%arg0: i32) -> (i32, i32) {
    %c0_i32 = arith.constant 0 : i32
    %c0_i32_0 = arith.constant 0 : i32
    return %arg0, %c0_i32 : i32, i32
  }
}

</mosaic_0001>

<sc_bundles>
// kernel: kernel.7.cloned.1.call-start
scs
__scs_entry_jumppad:
0x0: {  	(pc) =	sbr.rel $0x88, $3  }
0x1: {  	(tag) =	ssettag $0x0;
	lr =	simm.s32 $0x1  }
0x2: {  	[smem:$0x3F99] =	sst lr;
	_ =	strace $0xD0000000  }
0x3: {  	_ = 	snop  }
0x4: {  	_ = 	snop  }
0x5: {  	_ = 	snop  }
0x6: {  	_ = 	snop  }
0x7: {  	_ = 	snop  }
__scs_overlays_trampoline_lowered:
0x8: {  	[smem:$0x3FA8] =	sst s0  }
0x9: {  	[smem:$0x3FA9] =	sst s1  }
0xa: {  	[smem:$0x3FAA] =	sst s2  }
0xb: {  	[smem:$0x3FAB] =	sst s3  }
0xc: {  	[smem:$0x3FAC] =	sst s4  }
0xd: {  	[smem:$0x3FAD] =	sst s5  }
0xe: {  	[smem:$0x3FAE] =	sst s6  }
0xf: {  	[smem:$0x3FAF] =	sst s7  }
0x10: {  	[smem:$0x3FB0] =	sst s8  }
0x11: {  	[smem:$0x3FB1] =	sst s9;
	s0 =	simm.s32 @!p0 $0x0  }
0x12: {  	s1 =	sld [smem:$0x3F97];
	s0 =	simm.s32 @p0 $0x1  }
0x13: {  	[smem:$0x3FB2] =	sst s0;
	s0 =	simm.s32 @!p1 $0x0  }
0x14: {  	s2 =	sld [smem:$0x3F96];
	s0 =	simm.s32 @p1 $0x1  }
0x15: {  	[smem:$0x3FB3] =	sst s0;
	s0 =	simm.s32 @!p2 $0x0  }
0x16: {  	s3 =	sld [smem:$0x3FDB];
	s0 =	simm.s32 @p2 $0x1  }
0x17: {  	s4 =	simm.s32 $0x1BF5;
	[smem:$0x3FB5] =	sst s0  }
0x18: {  	s0 =	sld [smem:$0x3F98];
	_ =	swait.ge [sflag:s4], $0x0  }
0x19: {  	s7 =	sld [smem:$0x3F99]  }
0x1a: {  	s8 =	sadd.s32 $0xFFFFE003, lr  }
0x1b: {  	s9 =	sadd.s32 $0xFFFFFEF7, lr;
	s5 =	simm.s32 $0xFFFFFFFF;
	p2 =	slt.u32 s8, $0xFFFFF086  }
0x1c: {  	p1 =	slt.u32 s9, $0xF7A;
	s5 =	simm.s32 @!p2 $0x0  }
0x1d: {  	s5 =	simm.s32 @p1 $0x1;
	p0 =	seq.s32 s7, s2  }
0x1e: {  	s7 =	smul.u32 @!p0 $0xF7A, s2;
	p2 =	seq.s32 @!p0 s5, $0x0  }
0x1f: {  	s9 =	smul.u32 $0xF7A, s1;
	s8 =	simm.s32 @!p0 $0x1BF5;
	p2 =	por !p2, p0  }
0x20: {  	[sflag:s8] =	ssyncset.s32 @!p0 $0xFFFFF086;
	s6 =	sadd.s32 @!p0 s3, s7;
	s7 =	simm.s32 @!p0 $0x108  }
0x21: {  	s3 =	sadd.s32 s3, s9;
	s6 =	sadd.s32 @!p0 $0x88, s6;
	s7 =	simm.s32 @p2 $0x1082  }
0x22: {  	[simem:s7], [sflag:s8] =	dma.local @!p0 [hbm:s6], $0xF7A  }
0x23: {  	s9 =	sor.u32 $0xD0000000, s2;
	s6 =	simm.s32 $0x108;
	_ =	swait.ge @!p0 [sflag:s8], $0x0  }
0x24: {  	s3 =	sadd.s32 $0x88, s3;
	s6 =	simm.s32 @!p1 $0x1082;
	[sflag:s4] =	ssyncset.s32 $0xFFFFF086  }
0x25: {  	[simem:s6], [sflag:s4] =	dma.local [hbm:s3], $0xF7A  }
0x26: {  	[smem:$0x3F99] =	sst s1;
	(tag) =	ssettag s2;
	_ =	strace s9  }
0x27: {  	s1 =	sld [smem:$0x3FA9]  }
0x28: {  	s2 =	sld [smem:$0x3FAA]  }
0x29: {  	s4 =	sld [smem:$0x3FAC]  }
0x2a: {  	p0 =	seq.s32 s5, $0x0;
	s5 =	sld [smem:$0x3FAD]  }
0x2b: {  	s6 =	sld [smem:$0x3FAE]  }
0x2c: {  	s7 =	sld [smem:$0x3FAF]  }
0x2d: {  	s3 =	simm.s32 $0x108;
	s8 =	sld [smem:$0x3FB0]  }
0x2e: {  	s3 =	simm.s32 @!p0 $0x1082;
	s9 =	sld [smem:$0x3FB1]  }
0x2f: {  	lr =	sadd.s32 s0, s3;
	s0 =	sld [smem:$0x3FA8]  }
0x30: {  	s3 =	sld [smem:$0x3FAB]  }
0x31: {  	[smem:$0x3FB4] =	sst s10  }
0x32: {  	s10 =	sld [smem:$0x3FB2];
	_ =	sdelay $0x3  }
0x33: {  	p0 =	seq.s32 s10, $0x1;
	s10 =	sld [smem:$0x3FB4];
	_ =	sdelay $0x3  }
0x34: {  	[smem:$0x3FB4] =	sst s10  }
0x35: {  	s10 =	sld [smem:$0x3FB3];
	_ =	sdelay $0x3  }
0x36: {  	p1 =	seq.s32 s10, $0x1;
	s10 =	sld [smem:$0x3FB4];
	_ =	sdelay $0x3  }
0x37: {  	[smem:$0x3FB4] =	sst s10  }
0x38: {  	s10 =	sld [smem:$0x3FB5]  }
0x39: {  	_ = 	snop;
	(pc) =	sbr.ind lr, $3  }
0x3a: {  	_ = 	snop  }
0x3b: {  	_ = 	snop  }
0x3c: {  	p2 =	seq.s32 s10, $0x1;
	s10 =	sld [smem:$0x3FB4]  }
0x3d: {  	_ =	shalt  }
0x3e: {  	_ =	shalt  }
0x3f: {  	_ =	shalt  }
0x40: {  	_ =	shalt  }
0x41: {  	_ =	shalt  }
0x42: {  	_ =	shalt  }
0x43: {  	_ =	shalt  }
0x44: {  	_ =	shalt  }
0x45: {  	_ =	shalt  }
0x46: {  	_ =	shalt  }
0x47: {  	_ =	shalt  }
0x48: {  	_ =	shalt  }
0x49: {  	_ =	shalt  }
0x4a: {  	_ =	shalt  }
0x4b: {  	_ =	shalt  }
0x4c: {  	_ =	shalt  }
0x4d: {  	_ =	shalt  }
0x4e: {  	_ =	shalt  }
0x4f: {  	_ =	shalt  }
0x50: {  	_ =	shalt  }
0x51: {  	_ =	shalt  }
0x52: {  	_ =	shalt  }
0x53: {  	_ =	shalt  }
0x54: {  	_ =	shalt  }
0x55: {  	_ =	shalt  }
0x56: {  	_ =	shalt  }
0x57: {  	_ =	shalt  }
0x58: {  	_ =	shalt  }
0x59: {  	_ =	shalt  }
0x5a: {  	_ =	shalt  }
0x5b: {  	_ =	shalt  }
0x5c: {  	_ =	shalt  }
0x5d: {  	_ =	shalt  }
0x5e: {  	_ =	shalt  }
0x5f: {  	_ =	shalt  }
0x60: {  	_ =	shalt  }
0x61: {  	_ =	shalt  }
0x62: {  	_ =	shalt  }
0x63: {  	_ =	shalt  }
0x64: {  	_ =	shalt  }
0x65: {  	_ =	shalt  }
0x66: {  	_ =	shalt  }
0x67: {  	_ =	shalt  }
0x68: {  	_ =	shalt  }
0x69: {  	_ =	shalt  }
0x6a: {  	_ =	shalt  }
0x6b: {  	_ =	shalt  }
0x6c: {  	_ =	shalt  }
0x6d: {  	_ =	shalt  }
0x6e: {  	_ =	shalt  }
0x6f: {  	_ =	shalt  }
0x70: {  	_ =	shalt  }
0x71: {  	_ =	shalt  }
0x72: {  	_ =	shalt  }
0x73: {  	_ =	shalt  }
0x74: {  	_ =	shalt  }
0x75: {  	_ =	shalt  }
0x76: {  	_ =	shalt  }
0x77: {  	_ =	shalt  }
0x78: {  	_ =	shalt  }
0x79: {  	_ =	shalt  }
0x7a: {  	_ =	shalt  }
0x7b: {  	_ =	shalt  }
0x7c: {  	_ =	shalt  }
0x7d: {  	_ =	shalt  }
0x7e: {  	_ =	shalt  }
0x7f: {  	_ =	shalt  }
0x80: {  	_ =	shalt  }
0x81: {  	_ =	shalt  }
0x82: {  	_ =	shalt  }
0x83: {  	_ =	shalt  }
0x84: {  	_ =	shalt  }
0x85: {  	_ =	shalt  }
0x86: {  	_ =	shalt  }
0x87: {  	_ =	shalt  }
.Lfunc_end0:
.L_simem_size_0:
called_computation_lowered:
.L_overlay_start_0:
0x88: {  	s2 =	sld [smem:$0x3FD9]  }
0x89: {  	s3 =	sld [smem:$0x3FFE];
	_ =	sdelay $0x1  }
0x8a: {  	s1 =	srdreg.scid  }
0x8b: {  	s0 =	sand.u32 $0x1, s1  }
0x8c: {  	s17 =	sshll.u32 s0, $0xA;
	s2 =	sadd.s32 s3, s2  }
0x8d: {  	s2 =	sadd.s32 s2, s17  }
0x8e: {  	[smem:$0x3FC0] =	sst s2  }
0x8f: {  	_ = 	snop  }
0x90: {  	s2 =	sld [smem:$0x3FD0];
	(tm) =	ssettm $0x1  }
0x91: {  	s18 =	sld [smem:$0x3FFB];
	_ =	sdelay $0x3  }
0x92: {  	_ =	strace s18  }
0x93: {  	s3 =	sld [smem:$0x3FFC];
	_ =	sdelay $0x3  }
0x94: {  	_ =	strace s3  }
0x95: {  	s3 =	sld [smem:$0x3FFD];
	_ =	sdelay $0x3  }
0x96: {  	_ =	strace s3  }
0x97: {  	_ =	strace $0x8FFFFFFF  }
0x98: {  	s19 =	sld [smem:$0x3FDB];
	_ =	sdelay $0x1  }
0x99: {  	s4 =	simm.s32 $_scs_section_size  }
0x9a: {  	s5 =	simm.s32 $_size__tile_overlayer_lowered;
	s6 =	simm.s32 $_tile_overlayer_lowered  }
0x9b: {  	s22 =	simm.s32 $0x1BFF;
	s21 =	sshll.u32 s6, $0x1;
	s3 =	sadd.s32 s4, s19  }
0x9c: {  	s7 =	simm.s32 $0x0;
	s20 =	sshll.u32 s5, $0x1;
	s5 =	sadd.s32 s21, s3  }
0x9d: {  	[timem:s7], [sflag:s22] =	dma.local [hbm:s5], s20  }
0x9e: {  	_ =	swait.ge [sflag:s22], s20  }
0x9f: {  	s4 =	ssub.s32 $0x0, s20;
	[sflag:s22] =	ssyncset.done $0x0  }
0xa0: {  	[sflag:s22] =	ssyncadd.s32 s4;
	_ =	sdelay $0x1  }
0xa1: {  	s23 =	simm.s32 $0x1B8B  }
0xa2: {  	_ =	swait.ge [sflag:s23], $0x1  }
0xa3: {  	[sflag:s23] =	ssyncset.done $0x0  }
0xa4: {  	s25 =	simm.s32 $0x1B8E;
	s24 =	sld [smem:$0x3FFE];
	[sflag:s23] =	ssyncadd.s32 $0xFFFFFFFF  }
0xa5: {  	s26 =	simm.s32 $execute0_lowered;
	[smem:$0x3FD2] =	sst s25  }
0xa6: {  	s5 =	sshll.u32 s26, $0x1;
	_ =	strace $0x80000046;
	[dreg:$0x1] =	wrdreg $0xFFFFFFFF  }
0xa7: {  	s28 =	simm.s32 $_size_execute0_lowered;
	s3 =	sadd.s32 s3, s5;
	[dreg:$0x0] =	wrdreg $0x0  }
0xa8: {  	s5 =	sshll.u32 s28, $0x1;
	[dreg:$0x2] =	wrdreg s3  }
0xa9: {  	[dreg:$0x3] =	wrdreg s5  }
0xaa: {  	[dreg:$0x4] =	wrdreg $0xC0  }
0xab: {  	_ =	task [dreg:s7], $0x5FFFF  }
0xac: {  	[dreg:$0x1] =	wrdreg $0xFFFFFFFF  }
0xad: {  	[dreg:$0x0] =	wrdreg $0x60  }
0xae: {  	[dreg:$0x2] =	wrdreg s2  }
0xaf: {  	[dreg:$0x3] =	wrdreg s24  }
0xb0: {  	[dreg:$0x4] =	wrdreg $0x9  }
0xb1: {  	_ =	task.clear_ibuf [dreg:s7], $0x5FFFF;
	_ =	strace $0x90000046  }
0xb2: {  	s29 =	simm.s32 $0x9;
	_ =	strace $0x80000048  }
0xb3: {  	_ =	swait.ge [sflag:s29], $0x1  }
0xb4: {  	[sflag:s29] =	ssyncadd.s32 $0xFFFFFFFF  }
0xb5: {  	_ =	strace $0x90000048  }
0xb6: {  	_ =	sfence  }
0xb7: {  	s30 =	sld [smem:$0x0];
	_ =	sdelay $0x2  }
0xb8: {  	s31 =	sshll.u32 s1, $0xD;
	s1 =	sshrl.u32 s1, $0x2  }
0xb9: {  	s3 =	sand.u32 $0x4000, s31;
	s1 =	sadd.s32 s1, s30  }
0xba: {  	s0 =	sor.u32 s3, s0;
	s1 =	sshll.u32 s1, $0x11  }
0xbb: {  	s0 =	sor.u32 s1, s0  }
0xbc: {  	s0 =	sadd.s32 $0x8F2B, s0  }
0xbd: {  	[sflag:s0] =	ssyncadd.remote.s32 $0x1  }
0xbe: {  	_ =	sfence.sel $0xFFFF  }
0xbf: {  	[dreg:$0x0] =	wrdreg $0xFFFFFFFF;
	(pc) =	sbr.abs _section_cstart, $3  }
0xc0: {  	[dreg:$0x1] =	wrdreg $0xFFFFFFFF  }
0xc1: {  	_ =	task.clear_ibuf [dreg:s7], $0x2FFFF;
	_ =	strace $0x9FFFFFFF  }
0xc2: {  	(tm) =	ssettm $0x7FFFFFFF  }
0xc3: {  	_ =	shalt  }
tec
execute0_lowered:
.L_overlay_start_1:
0x0: {  	(tag) =	ssettag $0x1  }
0x1: {  	s3 =	rddreg [dreg:$0x0]  }
0x2: {  	s4 =	rddreg [dreg:$0x1]  }
0x3: {  	s0 =	rddreg [dreg:$0x2];
	s5 =	srdreg.scid  }
0x4: {  	s2 =	simm.s32 $0x0;
	s1 =	stileid.u32;
	s8 =	simm.s32 $0x0  }
0x5: {  	s5 =	sand.u32 $0x1, s5;
	s6 =	sshll.u32 s1, $0xD;
	[smem:$0x7FF] =	sst s2  }
0x6: {  	s7 =	sshll.u32 s5, $0xC;
	s5 =	ssub.s32 $0x2, s5;
	_ =	strace $0x80000047  }
0x7: {  	s6 =	sor.u32 s7, s6;
	s31 =	sshrl.u32 s5, $0x1;
	s7 =	simm.s32 $0x8000  }
0x8: {  	s4 =	sadd.s32 s6, s4;
	s5 =	ssub.s32 s5, s31;
	s3 =	sadd.s32 s3, s6  }
0x9: {  	v0 =	vimm.f32 $0.0e+00;
	v1 =	vimm.f32 $-1.000000000e+05;
	s6 =	simm.s32 $0x1;
	s4 =	sadd.s32 $0xE00, s4;
	s5 =	smax.u32 s5, $0x1  }
.LBB2_1:
0xa: {  	[tilespmem:s2], [sflag:$0x1] =	stream.linear.gather [hbm4b:s3+s2], $0x8000, $0x38;
	[tilespmem:$0x10000] =	vst v63  }
0xb: {  	_ =	swait.ge [sflag:s6], $0x8000  }
0xc: {  	[sflag:s6] =	ssyncset.done $0x0  }
0xd: {  	s9 =	simm.s32 $0x0;
	s10 =	simm.s32 $0x0;
	[sflag:s6] =	ssyncadd.s32 $0xFFFF8000  }
.LBB2_2:
0xe: {  	s11 =	sand.u32 $0x70, s10;
	s12 =	sand.u32 $0x1C00, s9  }
0xf: {  	s11 =	sor.u32 s11, s12  }
0x10: {  	v7 =	vld [tilespmem:s11+$0x0]  }
0x11: {  	v6 =	vld [tilespmem:s11+$0x80]  }
0x12: {  	v4 =	vld [tilespmem:s11+$0x100];
	_ =	sdelay $0x1  }
0x13: {  	v3 =	vld [tilespmem:s11+$0x180];
	_ =	sdelay $0x1  }
0x14: {  	v2 =	vld [tilespmem:s11+$0x200];
	v5 =	vmin.f32 v7, $-Inf;
	v8 =	vmax.f32 v7, v6;
	v9 =	vmin.f32 v7, v6  }
0x15: {  	v10 =	vmax.f32 v5, v9;
	v9 =	vmin.f32 v5, v9;
	v11 =	vmin.f32 v8, v4  }
0x16: {  	v8 =	vmax.f32 v8, v4;
	v9 =	vmax.f32 v5, v9;
	v12 =	vmin.f32 v10, v11  }
0x17: {  	v10 =	vmax.f32 v10, v11;
	v13 =	vmin.f32 v8, v3;
	v8 =	vmax.f32 v8, v3  }
0x18: {  	v21 =	vmin.f32 v9, v12;
	v12 =	vmax.f32 v9, v12;
	v22 =	vmin.f32 v10, v13  }
0x19: {  	v5 =	vld [tilespmem:s11+$0x280];
	v10 =	vmax.f32 v10, v13;
	v14 =	vmin.f32 v8, v2;
	v15 =	vmax.f32 v8, v2  }
0x1a: {  	v9 =	vmax.f32 v9, v21;
	v23 =	vmin.f32 v12, v22;
	v11 =	vmax.f32 v12, v22  }
0x1b: {  	v8 =	vld [tilespmem:s11+$0x300];
	v25 =	vmin.f32 v10, v14;
	v10 =	vmax.f32 v10, v14;
	v24 =	vmin.f32 v9, v23  }
0x1c: {  	v13 =	vmax.f32 v9, v23;
	v26 =	vmin.f32 v11, v25;
	v11 =	vmax.f32 v11, v25  }
0x1d: {  	v9 =	vmax.f32 v9, v24;
	v27 =	vmin.f32 v13, v26;
	v13 =	vmax.f32 v13, v26  }
0x1e: {  	v16 =	vmin.f32 v15, v5;
	v28 =	vmin.f32 v9, v27;
	v12 =	vmax.f32 v9, v27  }
0x1f: {  	s15 =	sor.u32 s10, s9;
	v15 =	vmax.f32 v15, v5;
	v17 =	vmin.f32 v10, v16;
	v14 =	vmax.f32 v9, v28  }
0x20: {  	s31 =	sor.u32 $0x380, s15;
	v10 =	vmax.f32 v10, v16;
	v32 =	vmin.f32 v15, v8;
	v15 =	vmax.f32 v15, v8  }
0x21: {  	v9 =	vld [tilespmem:s31+$0x0];
	v18 =	vmin.f32 v11, v17;
	v11 =	vmax.f32 v11, v17;
	v33 =	vmin.f32 v10, v32  }
0x22: {  	v29 =	vmin.f32 v13, v18;
	v13 =	vmax.f32 v13, v18;
	v18 =	vmax.f32 v10, v32  }
0x23: {  	v34 =	vmin.f32 v11, v33;
	v11 =	vmax.f32 v11, v33;
	v30 =	vmin.f32 v12, v29  }
0x24: {  	v12 =	vmax.f32 v12, v29;
	v35 =	vmax.f32 v13, v34;
	v10 =	vmin.f32 v13, v34  }
0x25: {  	v31 =	vmin.f32 v14, v30;
	v17 =	vmax.f32 v14, v30;
	v13 =	vmax.f32 v12, v10  }
0x26: {  	v12 =	vmin.f32 v12, v10;
	v10 =	vld [tilespmem:s11+$0x2000];
	v14 =	vmax.f32 v14, v31;
	v19 =	vmin.f32 v15, v9  }
0x27: {  	v20 =	vmax.f32 v17, v12;
	v12 =	vmin.f32 v17, v12;
	v37 =	vmax.f32 v15, v9  }
0x28: {  	v36 =	vmin.f32 v18, v19;
	v21 =	vmax.f32 v14, v12;
	v12 =	vmin.f32 v14, v12  }
0x29: {  	v18 =	vmax.f32 v18, v19;
	v22 =	vmin.f32 v11, v36;
	v12 =	vmax.f32 v14, v12  }
0x2a: {  	v17 =	vmax.f32 v11, v36;
	v38 =	vmin.f32 v35, v22;
	v16 =	vmax.f32 v35, v22  }
0x2b: {  	v11 =	vld [tilespmem:s11+$0x2080];
	v39 =	vmin.f32 v13, v38;
	v13 =	vmax.f32 v13, v38;
	v42 =	vmin.f32 v37, v10  }
0x2c: {  	v14 =	vmax.f32 v37, v10;
	v40 =	vmin.f32 v20, v39;
	v19 =	vmax.f32 v20, v39  }
0x2d: {  	v43 =	vmin.f32 v18, v42;
	v18 =	vmax.f32 v18, v42;
	v41 =	vmin.f32 v21, v40  }
0x2e: {  	v15 =	vmax.f32 v21, v40;
	v44 =	vmin.f32 v17, v43;
	v17 =	vmax.f32 v17, v43  }
0x2f: {  	v20 =	vmax.f32 v12, v41;
	v45 =	vmax.f32 v16, v44;
	v46 =	vmin.f32 v16, v44  }
0x30: {  	v47 =	vmin.f32 v14, v11;
	v14 =	vmax.f32 v14, v11;
	v16 =	vmax.f32 v13, v46  }
0x31: {  	v12 =	vld [tilespmem:s11+$0x2100];
	v13 =	vmin.f32 v13, v46;
	v48 =	vmin.f32 v18, v47;
	v18 =	vmax.f32 v18, v47  }
0x32: {  	v23 =	vmax.f32 v19, v13;
	v13 =	vmin.f32 v19, v13;
	v49 =	vmin.f32 v17, v48  }
0x33: {  	v17 =	vmax.f32 v17, v48;
	v24 =	vmax.f32 v15, v13;
	v25 =	vmin.f32 v45, v49  }
0x34: {  	v13 =	vmin.f32 v15, v13;
	v15 =	vmax.f32 v45, v49;
	v50 =	vmin.f32 v16, v25  }
0x35: {  	v20 =	vmax.f32 v20, v13;
	v13 =	vld [tilespmem:s11+$0x2180];
	v16 =	vmax.f32 v16, v25;
	v51 =	vmin.f32 v23, v50  }
0x36: {  	v19 =	vmax.f32 v23, v50;
	v53 =	vmin.f32 v14, v12;
	v55 =	vmax.f32 v14, v12  }
0x37: {  	v52 =	vmin.f32 v24, v51;
	v21 =	vmax.f32 v24, v51;
	v54 =	vmin.f32 v18, v53  }
0x38: {  	v18 =	vmax.f32 v18, v53;
	v20 =	vmax.f32 v20, v52;
	v56 =	vmin.f32 v17, v54  }
0x39: {  	v17 =	vmax.f32 v17, v54;
	v57 =	vmax.f32 v15, v56;
	v14 =	vmin.f32 v15, v56  }
0x3a: {  	v58 =	vmax.f32 v16, v14;
	v15 =	vmin.f32 v16, v14;
	v59 =	vmin.f32 v55, v13  }
0x3b: {  	v14 =	vld [tilespmem:s11+$0x2200];
	v24 =	vmax.f32 v55, v13;
	v60 =	vmax.f32 v19, v15;
	v61 =	vmin.f32 v18, v59  }
0x3c: {  	v15 =	vmin.f32 v19, v15;
	v16 =	vmax.f32 v18, v59;
	v62 =	vmin.f32 v17, v61  }
0x3d: {  	v26 =	vmax.f32 v21, v15;
	v15 =	vmin.f32 v21, v15;
	v27 =	vmin.f32 v57, v62  }
0x3e: {  	v17 =	vmax.f32 v17, v61;
	v20 =	vmax.f32 v20, v15;
	v63 =	vmin.f32 v58, v27  }
0x3f: {  	v15 =	vld [tilespmem:s11+$0x2280];
	v28 =	vmax.f32 v57, v62;
	v29 =	vmax.f32 v58, v27;
	v30 =	vmin.f32 v60, v63  }
0x40: {  	v18 =	vmax.f32 v60, v63;
	v32 =	vmin.f32 v24, v14;
	v24 =	vmax.f32 v24, v14  }
0x41: {  	v31 =	vmin.f32 v26, v30;
	v22 =	vmax.f32 v26, v30;
	v33 =	vmin.f32 v16, v32  }
0x42: {  	v25 =	vmax.f32 v16, v32;
	v20 =	vmax.f32 v20, v31;
	v34 =	vmin.f32 v17, v33  }
0x43: {  	v17 =	vmax.f32 v17, v33;
	v35 =	vmax.f32 v28, v34;
	v16 =	vmin.f32 v28, v34  }
0x44: {  	v36 =	vmin.f32 v24, v15;
	v40 =	vmax.f32 v24, v15;
	v19 =	vmax.f32 v29, v16  }
0x45: {  	v21 =	vmin.f32 v29, v16;
	v16 =	vld [tilespmem:s11+$0x2300];
	v38 =	vmin.f32 v25, v36;
	v25 =	vmax.f32 v25, v36  }
0x46: {  	s13 =	sor.u32 $0x2380, s15;
	v37 =	vmax.f32 v18, v21;
	v18 =	vmin.f32 v18, v21;
	v39 =	vmin.f32 v17, v38  }
0x47: {  	v21 =	vmax.f32 v17, v38;
	v17 =	vld [tilespmem:s13+$0x0];
	v28 =	vmax.f32 v22, v18;
	v41 =	vmin.f32 v35, v39  }
0x48: {  	v18 =	vmin.f32 v22, v18;
	v22 =	vmax.f32 v35, v39;
	v42 =	vmin.f32 v19, v41  }
0x49: {  	v18 =	vmax.f32 v20, v18;
	v19 =	vmax.f32 v19, v41;
	v43 =	vmin.f32 v37, v42  }
0x4a: {  	v44 =	vmax.f32 v37, v42;
	v45 =	vmin.f32 v28, v43;
	v46 =	vmin.f32 v40, v16  }
0x4b: {  	v23 =	vmax.f32 v28, v43;
	v20 =	vmax.f32 v40, v16;
	v26 =	vmax.f32 v18, v45  }
0x4c: {  	v47 =	vmin.f32 v25, v46;
	v25 =	vmax.f32 v25, v46;
	v51 =	vmin.f32 v20, v17  }
0x4d: {  	v20 =	vmax.f32 v20, v17;
	v48 =	vmin.f32 v21, v47;
	v21 =	vmax.f32 v21, v47  }
0x4e: {  	v18 =	vld [tilespmem:s11+$0x4000];
	v52 =	vmin.f32 v25, v51;
	v25 =	vmax.f32 v25, v51;
	v49 =	vmax.f32 v22, v48  }
0x4f: {  	v50 =	vmin.f32 v22, v48;
	v53 =	vmin.f32 v21, v52;
	v21 =	vmax.f32 v21, v52  }
0x50: {  	v22 =	vmax.f32 v19, v50;
	v19 =	vmin.f32 v19, v50;
	v31 =	vmin.f32 v49, v53  }
0x51: {  	v29 =	vmax.f32 v44, v19;
	v19 =	vmin.f32 v44, v19;
	v54 =	vmin.f32 v22, v31  }
0x52: {  	v22 =	vmax.f32 v22, v31;
	v30 =	vmax.f32 v23, v19;
	v19 =	vmin.f32 v23, v19  }
0x53: {  	v23 =	vmax.f32 v49, v53;
	v55 =	vmin.f32 v29, v54;
	v57 =	vmin.f32 v20, v18  }
0x54: {  	v24 =	vmax.f32 v29, v54;
	v26 =	vmax.f32 v26, v19;
	v19 =	vld [tilespmem:s11+$0x4080];
	v58 =	vmin.f32 v25, v57  }
0x55: {  	v59 =	vmax.f32 v20, v18;
	v56 =	vmin.f32 v30, v55;
	v60 =	vmin.f32 v21, v58  }
0x56: {  	v27 =	vmax.f32 v30, v55;
	v25 =	vmax.f32 v25, v57;
	v20 =	vmin.f32 v23, v60  }
0x57: {  	v61 =	vmax.f32 v23, v60;
	v23 =	vmax.f32 v22, v20;
	v22 =	vmin.f32 v22, v20  }
0x58: {  	v26 =	vmax.f32 v26, v56;
	v20 =	vld [tilespmem:s11+$0x4100];
	v63 =	vmax.f32 v24, v22;
	v22 =	vmin.f32 v24, v22  }
0x59: {  	v21 =	vmax.f32 v21, v58;
	v62 =	vmin.f32 v59, v19;
	v32 =	vmax.f32 v27, v22  }
0x5a: {  	v22 =	vmin.f32 v27, v22;
	v38 =	vmax.f32 v59, v19;
	v36 =	vmin.f32 v25, v62  }
0x5b: {  	v22 =	vmax.f32 v26, v22;
	v25 =	vmax.f32 v25, v62;
	v37 =	vmin.f32 v21, v36  }
0x5c: {  	v24 =	vmax.f32 v21, v36;
	v39 =	vmin.f32 v61, v37;
	v27 =	vmax.f32 v61, v37  }
0x5d: {  	v21 =	vld [tilespmem:s11+$0x4180];
	v43 =	vmin.f32 v38, v20;
	v26 =	vmax.f32 v38, v20;
	v40 =	vmin.f32 v23, v39  }
0x5e: {  	v23 =	vmax.f32 v23, v39;
	v44 =	vmin.f32 v25, v43;
	v25 =	vmax.f32 v25, v43  }
0x5f: {  	v41 =	vmin.f32 v63, v40;
	v29 =	vmax.f32 v63, v40;
	v45 =	vmin.f32 v24, v44  }
0x60: {  	v24 =	vmax.f32 v24, v44;
	v42 =	vmin.f32 v32, v41;
	v28 =	vmax.f32 v32, v41  }
0x61: {  	v46 =	vmax.f32 v27, v45;
	v47 =	vmin.f32 v27, v45;
	v30 =	vmax.f32 v22, v42  }
0x62: {  	v27 =	vmax.f32 v23, v47;
	v23 =	vmin.f32 v23, v47;
	v48 =	vmin.f32 v26, v21  }
0x63: {  	v22 =	vld [tilespmem:s11+$0x4200];
	v26 =	vmax.f32 v26, v21;
	v33 =	vmax.f32 v29, v23;
	v49 =	vmin.f32 v25, v48  }
0x64: {  	v23 =	vmin.f32 v29, v23;
	v25 =	vmax.f32 v25, v48;
	v50 =	vmin.f32 v24, v49  }
0x65: {  	v34 =	vmax.f32 v28, v23;
	v23 =	vmin.f32 v28, v23;
	v35 =	vmin.f32 v46, v50  }
0x66: {  	v24 =	vmax.f32 v24, v49;
	v30 =	vmax.f32 v30, v23;
	v51 =	vmin.f32 v27, v35  }
0x67: {  	v23 =	vld [tilespmem:s11+$0x4280];
	v28 =	vmax.f32 v46, v50;
	v27 =	vmax.f32 v27, v35;
	v52 =	vmin.f32 v33, v51  }
0x68: {  	v29 =	vmax.f32 v33, v51;
	v54 =	vmin.f32 v26, v22;
	v26 =	vmax.f32 v26, v22  }
0x69: {  	v53 =	vmin.f32 v34, v52;
	v31 =	vmax.f32 v34, v52;
	v55 =	vmin.f32 v25, v54  }
0x6a: {  	v25 =	vmax.f32 v25, v54;
	v30 =	vmax.f32 v30, v53;
	v56 =	vmin.f32 v24, v55  }
0x6b: {  	v32 =	vmax.f32 v24, v55;
	v57 =	vmax.f32 v28, v56;
	v58 =	vmin.f32 v28, v56  }
0x6c: {  	v24 =	vld [tilespmem:s11+$0x4300];
	v59 =	vmin.f32 v26, v23;
	v63 =	vmax.f32 v26, v23;
	v28 =	vmax.f32 v27, v58  }
0x6d: {  	s14 =	sor.u32 $0x4380, s15;
	v27 =	vmin.f32 v27, v58;
	v61 =	vmin.f32 v25, v59;
	v25 =	vmax.f32 v25, v59  }
0x6e: {  	v26 =	vld [tilespmem:s14+$0x0];
	v60 =	vmax.f32 v29, v27;
	v27 =	vmin.f32 v29, v27;
	v62 =	vmin.f32 v32, v61  }
0x6f: {  	v29 =	vmax.f32 v32, v61;
	v36 =	vmax.f32 v31, v27;
	v27 =	vmin.f32 v31, v27  }
0x70: {  	v37 =	vmin.f32 v57, v62;
	v31 =	vmax.f32 v57, v62;
	v27 =	vmax.f32 v30, v27  }
0x71: {  	v39 =	vmin.f32 v28, v37;
	v28 =	vmax.f32 v28, v37;
	v42 =	vmin.f32 v63, v24  }
0x72: {  	v30 =	vmax.f32 v63, v24;
	v40 =	vmin.f32 v60, v39;
	v32 =	vmax.f32 v60, v39  }
0x73: {  	v43 =	vmin.f32 v25, v42;
	v25 =	vmax.f32 v25, v42;
	v46 =	vmin.f32 v30, v26  }
0x74: {  	v49 =	vmax.f32 v30, v26;
	v41 =	vmin.f32 v36, v40;
	v33 =	vmax.f32 v36, v40  }
0x75: {  	v44 =	vmin.f32 v29, v43;
	v29 =	vmax.f32 v29, v43;
	v48 =	vmin.f32 v25, v46  }
0x76: {  	v25 =	vmax.f32 v25, v46;
	v45 =	vmax.f32 v31, v44;
	v31 =	vmin.f32 v31, v44  }
0x77: {  	v39 =	vmin.f32 v29, v48;
	v35 =	vmax.f32 v28, v31;
	v28 =	vmin.f32 v28, v31;
	v31 =	vld [tilespmem:s11+$0x6000]  }
0x78: {  	v27 =	vmax.f32 v27, v41;
	v29 =	vmax.f32 v29, v48;
	v50 =	vmin.f32 v45, v39  }
0x79: {  	v34 =	vmax.f32 v45, v39;
	v47 =	vmax.f32 v32, v28;
	v28 =	vmin.f32 v32, v28  }
0x7a: {  	v51 =	vmin.f32 v35, v50;
	v38 =	vmax.f32 v33, v28;
	v28 =	vmin.f32 v33, v28;
	v33 =	vld [tilespmem:s11+$0x6080]  }
0x7b: {  	v30 =	vmax.f32 v35, v50;
	v52 =	vmin.f32 v47, v51;
	v53 =	vmax.f32 v47, v51  }
0x7c: {  	v32 =	vld [tilespmem:s11+$0x6100];
	v27 =	vmax.f32 v27, v28;
	v54 =	vmin.f32 v38, v52;
	v55 =	vmin.f32 v49, v31  }
0x7d: {  	v35 =	vmax.f32 v38, v52;
	v27 =	vmax.f32 v27, v54;
	v56 =	vmin.f32 v25, v55  }
0x7e: {  	v28 =	vmax.f32 v49, v31;
	v25 =	vmax.f32 v25, v55;
	v57 =	vmin.f32 v29, v56  }
0x7f: {  	v29 =	vmax.f32 v29, v56;
	v60 =	vmin.f32 v28, v33;
	v28 =	vmax.f32 v28, v33  }
0x80: {  	v58 =	vmax.f32 v34, v57;
	v59 =	vmin.f32 v34, v57;
	v62 =	vmin.f32 v25, v60  }
0x81: {  	v25 =	vmax.f32 v25, v60;
	v46 =	vmin.f32 v28, v32;
	v28 =	vmax.f32 v28, v32  }
0x82: {  	v34 =	vmax.f32 v30, v59;
	v30 =	vmin.f32 v30, v59;
	v63 =	vmin.f32 v29, v62  }
0x83: {  	v29 =	vmax.f32 v29, v62;
	v47 =	vmin.f32 v25, v46;
	v25 =	vmax.f32 v25, v46  }
0x84: {  	v61 =	vmax.f32 v53, v30;
	v30 =	vmin.f32 v53, v30;
	v41 =	vmin.f32 v58, v63  }
0x85: {  	v48 =	vmin.f32 v29, v47;
	v38 =	vmax.f32 v29, v47;
	v40 =	vmax.f32 v35, v30  }
0x86: {  	v30 =	vmin.f32 v35, v30;
	v43 =	vmin.f32 v34, v41;
	v35 =	vmax.f32 v58, v63  }
0x87: {  	v34 =	vmax.f32 v34, v41;
	v27 =	vmax.f32 v27, v30;
	v30 =	vld [tilespmem:s11+$0x6180];
	v44 =	vmin.f32 v61, v43  }
0x88: {  	v29 =	vld [tilespmem:s11+$0x6200];
	v36 =	vmax.f32 v61, v43;
	v49 =	vmax.f32 v35, v48;
	v50 =	vmin.f32 v35, v48  }
0x89: {  	v45 =	vmin.f32 v40, v44;
	v35 =	vmax.f32 v34, v50;
	v34 =	vmin.f32 v34, v50  }
0x8a: {  	v37 =	vmax.f32 v40, v44;
	v52 =	vmax.f32 v36, v34;
	v34 =	vmin.f32 v36, v34  }
0x8b: {  	v27 =	vmax.f32 v27, v45;
	v42 =	vmax.f32 v37, v34;
	v34 =	vmin.f32 v37, v34  }
0x8c: {  	v34 =	vmax.f32 v27, v34;
	v51 =	vmin.f32 v28, v30;
	v28 =	vmax.f32 v28, v30  }
0x8d: {  	v27 =	vld [tilespmem:s11+$0x6280];
	v53 =	vmin.f32 v25, v51;
	v25 =	vmax.f32 v25, v51;
	v58 =	vmin.f32 v28, v29  }
0x8e: {  	v60 =	vmax.f32 v28, v29;
	v54 =	vmin.f32 v38, v53;
	v36 =	vmax.f32 v38, v53  }
0x8f: {  	v59 =	vmin.f32 v25, v58;
	v41 =	vmax.f32 v25, v58;
	v43 =	vmin.f32 v49, v54  }
0x90: {  	v37 =	vmax.f32 v49, v54;
	v61 =	vmin.f32 v36, v59;
	v36 =	vmax.f32 v36, v59  }
0x91: {  	v55 =	vmin.f32 v35, v43;
	v35 =	vmax.f32 v35, v43;
	v62 =	vmax.f32 v37, v61  }
0x92: {  	v25 =	vmin.f32 v37, v61;
	v63 =	vmin.f32 v60, v27;
	v54 =	vmax.f32 v60, v27  }
0x93: {  	v28 =	vld [tilespmem:s11+$0x6300];
	v56 =	vmin.f32 v52, v55;
	v38 =	vmax.f32 v52, v55;
	v37 =	vmax.f32 v35, v25  }
0x94: {  	v25 =	vmin.f32 v35, v25;
	v49 =	vmin.f32 v41, v63;
	v57 =	vmin.f32 v42, v56  }
0x95: {  	v39 =	vmax.f32 v42, v56;
	v48 =	vmax.f32 v38, v25;
	v25 =	vmin.f32 v38, v25  }
0x96: {  	s15 =	sor.u32 $0x6380, s15;
	v34 =	vmax.f32 v34, v57;
	v44 =	vmax.f32 v39, v25;
	v25 =	vmin.f32 v39, v25  }
0x97: {  	v35 =	vmax.f32 v41, v63;
	v50 =	vmin.f32 v36, v49;
	v34 =	vmax.f32 v34, v25;
	v25 =	vld [tilespmem:s15+$0x0]  }
0x98: {  	v36 =	vmax.f32 v36, v49;
	v40 =	vmin.f32 v54, v28;
	v51 =	vmin.f32 v62, v50  }
0x99: {  	v52 =	vmax.f32 v62, v50;
	v57 =	vmax.f32 v54, v28;
	v58 =	vmax.f32 v35, v40  }
0x9a: {  	v35 =	vmin.f32 v35, v40;
	v53 =	vmin.f32 v37, v51;
	v37 =	vmax.f32 v37, v51  }
0x9b: {  	v60 =	vmax.f32 v36, v35;
	v35 =	vmin.f32 v36, v35;
	v55 =	vmin.f32 v48, v53  }
0x9c: {  	v39 =	vmax.f32 v48, v53;
	v62 =	vmax.f32 v52, v35;
	v59 =	vmin.f32 v57, v25  }
0x9d: {  	v35 =	vmin.f32 v52, v35;
	v56 =	vmax.f32 v44, v55;
	v61 =	vmin.f32 v58, v59  }
0x9e: {  	v41 =	vmin.f32 v44, v55;
	v38 =	vmax.f32 v37, v35;
	v36 =	vmin.f32 v60, v61  }
0x9f: {  	v35 =	vmin.f32 v37, v35;
	v34 =	vmax.f32 v34, v41;
	v36 =	vmin.f32 v62, v36  }
0xa0: {  	v37 =	vmax.f32 v39, v35;
	v35 =	vmin.f32 v39, v35;
	v36 =	vmin.f32 v38, v36  }
0xa1: {  	v63 =	vmax.f32 v56, v35;
	v35 =	vmin.f32 v56, v35;
	v36 =	vmin.f32 v37, v36  }
0xa2: {  	v34 =	vmax.f32 v34, v35;
	v39 =	vmin.f32 v63, v36  }
0xa3: {  	v34 =	vmax.f32 v34, v39  }
0xa4: {  	v40 =	vimm.s32 $0x0;
	vm1 =	vgt.f32 v7, v34  }
0xa5: {  	v41 =	vimm.s32 $0x0;
	vm0 =	vgt.f32 v6, v34;
	v35 =	vsel vm1, $0xFFFFFFFF, v40  }
0xa6: {  	v42 =	vsel vm1, $0x3F800000, v0;
	v43 =	vsel vm0, $0x3F800000, v0;
	[tilespmem:$0x1FD50] =	vst v35;
	v35 =	vsel vm0, $0xFFFFFFFF, v41  }
0xa7: {  	vm5 =	vgt.f32 v4, v34;
	[tilespmem:$0x1FD70] =	vst v35;
	v35 =	vadd.f32 v43, v42  }
0xa8: {  	v45 =	vsel vm5, $0x3F800000, v0  }
0xa9: {  	vm6 =	vgt.f32 v3, v34;
	v35 =	vadd.f32 v35, v45  }
0xaa: {  	v47 =	vsel vm6, $0x3F800000, v0  }
0xab: {  	vm7 =	vgt.f32 v2, v34;
	v35 =	vadd.f32 v35, v47  }
0xac: {  	v49 =	vsel vm7, $0x3F800000, v0  }
0xad: {  	vm8 =	vgt.f32 v5, v34;
	v35 =	vadd.f32 v35, v49  }
0xae: {  	v51 =	vsel vm8, $0x3F800000, v0  }
0xaf: {  	vm9 =	vgt.f32 v8, v34;
	v35 =	vadd.f32 v35, v51  }
0xb0: {  	v53 =	vsel vm9, $0x3F800000, v0  }
0xb1: {  	vm10 =	vgt.f32 v9, v34;
	v35 =	vadd.f32 v35, v53  }
0xb2: {  	v55 =	vsel vm10, $0x3F800000, v0  }
0xb3: {  	vm11 =	vgt.f32 v10, v34;
	v35 =	vadd.f32 v35, v55  }
0xb4: {  	v57 =	vsel vm11, $0x3F800000, v0  }
0xb5: {  	vm12 =	vgt.f32 v11, v34;
	v35 =	vadd.f32 v35, v57  }
0xb6: {  	v59 =	vsel vm12, $0x3F800000, v0  }
0xb7: {  	vm13 =	vgt.f32 v12, v34;
	v35 =	vadd.f32 v35, v59  }
0xb8: {  	v61 =	vsel vm13, $0x3F800000, v0  }
0xb9: {  	vm14 =	vgt.f32 v13, v34;
	v35 =	vadd.f32 v35, v61  }
0xba: {  	v63 =	vsel vm14, $0x3F800000, v0  }
0xbb: {  	vm15 =	vgt.f32 v14, v34;
	v35 =	vadd.f32 v35, v63  }
0xbc: {  	v41 =	vsel vm15, $0x3F800000, v0  }
0xbd: {  	vm4 =	vgt.f32 v15, v34;
	v35 =	vadd.f32 v35, v41  }
0xbe: {  	v44 =	vimm.s32 $0x0;
	v43 =	vsel vm4, $0x3F800000, v0  }
0xbf: {  	v36 =	vsel vm5, $0xFFFFFFFF, v44;
	vm5 =	vgt.f32 v16, v34;
	v35 =	vadd.f32 v35, v43  }
0xc0: {  	v46 =	vimm.s32 $0x0;
	v45 =	vsel vm5, $0x3F800000, v0  }
0xc1: {  	[tilespmem:$0x1FD80] =	vst v36;
	v36 =	vsel vm6, $0xFFFFFFFF, v46;
	vm6 =	vgt.f32 v17, v34;
	v35 =	vadd.f32 v35, v45  }
0xc2: {  	v48 =	vimm.s32 $0x0;
	v47 =	vsel vm6, $0x3F800000, v0  }
0xc3: {  	[tilespmem:$0x1FD90] =	vst v36;
	v36 =	vsel vm7, $0xFFFFFFFF, v48;
	vm7 =	vgt.f32 v18, v34;
	v35 =	vadd.f32 v35, v47  }
0xc4: {  	v50 =	vimm.s32 $0x0;
	v49 =	vsel vm7, $0x3F800000, v0  }
0xc5: {  	[tilespmem:$0x1FDA0] =	vst v36;
	v36 =	vsel vm8, $0xFFFFFFFF, v50;
	vm8 =	vgt.f32 v19, v34;
	v35 =	vadd.f32 v35, v49  }
0xc6: {  	v52 =	vimm.s32 $0x0;
	v51 =	vsel vm8, $0x3F800000, v0  }
0xc7: {  	[tilespmem:$0x1FDC0] =	vst v36;
	v36 =	vsel vm9, $0xFFFFFFFF, v52;
	vm9 =	vgt.f32 v20, v34;
	v35 =	vadd.f32 v35, v51  }
0xc8: {  	v54 =	vimm.s32 $0x0;
	v53 =	vsel vm9, $0x3F800000, v0  }
0xc9: {  	[tilespmem:$0x1FDE0] =	vst v36;
	v36 =	vsel vm10, $0xFFFFFFFF, v54;
	vm10 =	vgt.f32 v21, v34;
	v35 =	vadd.f32 v35, v53  }
0xca: {  	v56 =	vimm.s32 $0x0;
	v55 =	vsel vm10, $0x3F800000, v0  }
0xcb: {  	[tilespmem:$0x1FE00] =	vst v36;
	v36 =	vsel vm11, $0xFFFFFFFF, v56;
	vm11 =	vgt.f32 v22, v34;
	v35 =	vadd.f32 v35, v55  }
0xcc: {  	v58 =	vimm.s32 $0x0;
	v57 =	vsel vm11, $0x3F800000, v0  }
0xcd: {  	[tilespmem:$0x1FE20] =	vst v36;
	v36 =	vsel vm12, $0xFFFFFFFF, v58;
	vm12 =	vgt.f32 v23, v34;
	v35 =	vadd.f32 v35, v57  }
0xce: {  	v60 =	vimm.s32 $0x0;
	v59 =	vsel vm12, $0x3F800000, v0  }
0xcf: {  	[tilespmem:$0x1FE30] =	vst v36;
	v36 =	vsel vm13, $0xFFFFFFFF, v60;
	vm13 =	vgt.f32 v24, v34;
	v35 =	vadd.f32 v35, v59  }
0xd0: {  	v62 =	vimm.s32 $0x0;
	v61 =	vsel vm13, $0x3F800000, v0  }
0xd1: {  	[tilespmem:$0x1FE50] =	vst v36;
	v36 =	vsel vm14, $0xFFFFFFFF, v62;
	vm14 =	vgt.f32 v26, v34;
	v35 =	vadd.f32 v35, v61  }
0xd2: {  	v40 =	vimm.s32 $0x0;
	v63 =	vsel vm14, $0x3F800000, v0  }
0xd3: {  	[tilespmem:$0x1FE70] =	vst v36;
	v36 =	vsel vm15, $0xFFFFFFFF, v40;
	vm15 =	vgt.f32 v31, v34;
	v35 =	vadd.f32 v35, v63  }
0xd4: {  	v42 =	vimm.s32 $0x0;
	v41 =	vsel vm15, $0x3F800000, v0  }
0xd5: {  	[tilespmem:$0x1FE90] =	vst v36;
	v36 =	vsel vm4, $0xFFFFFFFF, v42;
	vm4 =	vgt.f32 v33, v34;
	v35 =	vadd.f32 v35, v41  }
0xd6: {  	v44 =	vimm.s32 $0x0;
	v43 =	vsel vm4, $0x3F800000, v0  }
0xd7: {  	[tilespmem:$0x1FEB0] =	vst v36;
	v36 =	vsel vm5, $0xFFFFFFFF, v44;
	vm5 =	vgt.f32 v32, v34;
	v35 =	vadd.f32 v35, v43  }
0xd8: {  	v46 =	vimm.s32 $0x0;
	v45 =	vsel vm5, $0x3F800000, v0  }
0xd9: {  	[tilespmem:$0x1FEC0] =	vst v36;
	v36 =	vsel vm6, $0xFFFFFFFF, v46;
	vm6 =	vgt.f32 v30, v34;
	v35 =	vadd.f32 v35, v45  }
0xda: {  	v48 =	vimm.s32 $0x0;
	v47 =	vsel vm6, $0x3F800000, v0  }
0xdb: {  	[tilespmem:$0x1FEE0] =	vst v36;
	v36 =	vsel vm7, $0xFFFFFFFF, v48;
	vm7 =	vgt.f32 v29, v34;
	v35 =	vadd.f32 v35, v47  }
0xdc: {  	v50 =	vimm.s32 $0x0;
	v49 =	vsel vm7, $0x3F800000, v0  }
0xdd: {  	[tilespmem:$0x1FEF0] =	vst v36;
	v36 =	vsel vm8, $0xFFFFFFFF, v50;
	vm8 =	vgt.f32 v27, v34;
	v35 =	vadd.f32 v35, v49  }
0xde: {  	v52 =	vimm.s32 $0x0;
	v51 =	vsel vm8, $0x3F800000, v0  }
0xdf: {  	[tilespmem:$0x1FF00] =	vst v36;
	v36 =	vsel vm9, $0xFFFFFFFF, v52;
	vm9 =	vgt.f32 v28, v34;
	v35 =	vadd.f32 v35, v51  }
0xe0: {  	v54 =	vimm.s32 $0x0;
	v53 =	vsel vm9, $0x3F800000, v0  }
0xe1: {  	[tilespmem:$0x1FF20] =	vst v36;
	v36 =	vsel vm10, $0xFFFFFFFF, v54;
	vm10 =	vgt.f32 v25, v34;
	v35 =	vadd.f32 v35, v53  }
0xe2: {  	v55 =	vsel vm10, $0x3F800000, v0  }
0xe3: {  	v35 =	vadd.f32 v35, v55;
	_ =	sdelay $0x1  }
0xe4: {  	v56 =	vimm.s32 $0x0;
	v35 =	vsub.f32 $8.000000000e+00, v35  }
0xe5: {  	v58 =	vimm.s32 $0x0;
	[tilespmem:$0x1FF30] =	vst v36;
	v36 =	vsel vm11, $0xFFFFFFFF, v56  }
0xe6: {  	vm11 =	veq.f32 v7, v34;
	[tilespmem:$0x1FF40] =	vst v36;
	v36 =	vsel vm12, $0xFFFFFFFF, v58;
	vm12 =	vgt.f32 v35, $0.0e+00  }
0xe7: {  	v56 =	vimm.s32 $0x0;
	vm0 =	vmand vm11, vm12  }
0xe8: {  	v7 =	vsel vm0, $0xFFFFFFFF, v56;
	v57 =	vsel vm0, $0x3F800000, v0  }
0xe9: {  	v60 =	vimm.s32 $0x0;
	[tilespmem:$0x1FD60] =	vst v7;
	v7 =	vsub.f32 v35, v57  }
0xea: {  	v62 =	vimm.s32 $0x0;
	[tilespmem:$0x1FF50] =	vst v36;
	v36 =	vsel vm13, $0xFFFFFFFF, v60  }
0xeb: {  	vm13 =	veq.f32 v6, v34;
	[tilespmem:$0x1FF60] =	vst v36;
	v36 =	vsel vm14, $0xFFFFFFFF, v62;
	vm14 =	vgt.f32 v7, $0.0e+00  }
0xec: {  	vm2 =	vmand vm13, vm14  }
0xed: {  	v58 =	vsel vm2, $0x3F800000, v0  }
0xee: {  	v40 =	vimm.s32 $0x0;
	v6 =	vsub.f32 v7, v58  }
0xef: {  	v42 =	vimm.s32 $0x0;
	[tilespmem:$0x1FF70] =	vst v36;
	v36 =	vsel vm15, $0xFFFFFFFF, v40  }
0xf0: {  	[tilespmem:$0x1FF80] =	vst v36;
	v36 =	vsel vm4, $0xFFFFFFFF, v42;
	vm15 =	veq.f32 v4, v34;
	vm4 =	vgt.f32 v6, $0.0e+00  }
0xf1: {  	vm3 =	vmand vm15, vm4  }
0xf2: {  	v59 =	vsel vm3, $0x3F800000, v0  }
0xf3: {  	v44 =	vimm.s32 $0x0;
	v4 =	vsub.f32 v6, v59  }
0xf4: {  	v46 =	vimm.s32 $0x0;
	[tilespmem:$0x1FF90] =	vst v36;
	v36 =	vsel vm5, $0xFFFFFFFF, v44  }
0xf5: {  	[tilespmem:$0x1FFA0] =	vst v36;
	v36 =	vsel vm6, $0xFFFFFFFF, v46;
	vm5 =	veq.f32 v3, v34;
	vm6 =	vgt.f32 v4, $0.0e+00  }
0xf6: {  	vm5 =	vmand vm5, vm6  }
0xf7: {  	v3 =	vsel vm5, $0x3F800000, v0  }
0xf8: {  	v48 =	vimm.s32 $0x0;
	v3 =	vsub.f32 v4, v3  }
0xf9: {  	v50 =	vimm.s32 $0x0;
	[tilespmem:$0x1FFB0] =	vst v36;
	v36 =	vsel vm7, $0xFFFFFFFF, v48  }
0xfa: {  	[tilespmem:$0x1FFC0] =	vst v36;
	v36 =	vsel vm8, $0xFFFFFFFF, v50;
	vm7 =	veq.f32 v2, v34;
	vm8 =	vgt.f32 v3, $0.0e+00  }
0xfb: {  	v2 =	vimm.s32 $0x0;
	vm0 =	vmand vm7, vm8  }
0xfc: {  	v2 =	vsel vm0, $0xFFFFFFFF, v2  }
0xfd: {  	[tilespmem:$0x1FDB0] =	vst v2;
	v2 =	vsel vm0, $0x3F800000, v0  }
0xfe: {  	v52 =	vimm.s32 $0x0;
	v2 =	vsub.f32 v3, v2  }
0xff: {  	v54 =	vimm.s32 $0x0;
	[tilespmem:$0x1FFD0] =	vst v36;
	v36 =	vsel vm9, $0xFFFFFFFF, v52  }
0x100: {  	[tilespmem:$0x1FFE0] =	vst v36;
	v36 =	vsel vm10, $0xFFFFFFFF, v54;
	vm9 =	veq.f32 v5, v34;
	vm10 =	vgt.f32 v2, $0.0e+00  }
0x101: {  	v3 =	vimm.s32 $0x0;
	vm0 =	vmand vm9, vm10  }
0x102: {  	v3 =	vsel vm0, $0xFFFFFFFF, v3  }
0x103: {  	[tilespmem:$0x1FDD0] =	vst v3;
	v3 =	vsel vm0, $0x3F800000, v0  }
0x104: {  	v2 =	vsub.f32 v2, v3;
	_ =	sdelay $0x1  }
0x105: {  	vm11 =	veq.f32 v8, v34;
	vm12 =	vgt.f32 v2, $0.0e+00  }
0x106: {  	v3 =	vimm.s32 $0x0;
	vm0 =	vmand vm11, vm12  }
0x107: {  	v3 =	vsel vm0, $0xFFFFFFFF, v3  }
0x108: {  	[tilespmem:$0x1FDF0] =	vst v3;
	v3 =	vsel vm0, $0x3F800000, v0  }
0x109: {  	v2 =	vsub.f32 v2, v3;
	_ =	sdelay $0x1  }
0x10a: {  	vm13 =	veq.f32 v9, v34;
	vm14 =	vgt.f32 v2, $0.0e+00  }
0x10b: {  	v3 =	vimm.s32 $0x0;
	vm0 =	vmand vm13, vm14  }
0x10c: {  	v3 =	vsel vm0, $0xFFFFFFFF, v3  }
0x10d: {  	[tilespmem:$0x1FE10] =	vst v3;
	v3 =	vsel vm0, $0x3F800000, v0  }
0x10e: {  	v2 =	vsub.f32 v2, v3;
	_ =	sdelay $0x1  }
0x10f: {  	vm15 =	veq.f32 v10, v34;
	vm4 =	vgt.f32 v2, $0.0e+00  }
0x110: {  	vm4 =	vmand vm15, vm4  }
0x111: {  	v3 =	vsel vm4, $0x3F800000, v0  }
0x112: {  	v2 =	vsub.f32 v2, v3;
	_ =	sdelay $0x1  }
0x113: {  	vm6 =	veq.f32 v11, v34;
	vm7 =	vgt.f32 v2, $0.0e+00  }
0x114: {  	v3 =	vimm.s32 $0x0;
	vm0 =	vmand vm6, vm7  }
0x115: {  	v3 =	vsel vm0, $0xFFFFFFFF, v3  }
0x116: {  	[tilespmem:$0x1FE40] =	vst v3;
	v3 =	vsel vm0, $0x3F800000, v0  }
0x117: {  	v2 =	vsub.f32 v2, v3;
	_ =	sdelay $0x1  }
0x118: {  	vm8 =	veq.f32 v12, v34;
	vm9 =	vgt.f32 v2, $0.0e+00  }
0x119: {  	v3 =	vimm.s32 $0x0;
	vm0 =	vmand vm8, vm9  }
0x11a: {  	v3 =	vsel vm0, $0xFFFFFFFF, v3  }
0x11b: {  	[tilespmem:$0x1FE60] =	vst v3;
	v3 =	vsel vm0, $0x3F800000, v0  }
0x11c: {  	v2 =	vsub.f32 v2, v3;
	_ =	sdelay $0x1  }
0x11d: {  	vm10 =	veq.f32 v13, v34;
	vm11 =	vgt.f32 v2, $0.0e+00  }
0x11e: {  	v3 =	vimm.s32 $0x0;
	vm0 =	vmand vm10, vm11  }
0x11f: {  	v3 =	vsel vm0, $0xFFFFFFFF, v3  }
0x120: {  	[tilespmem:$0x1FE80] =	vst v3;
	v3 =	vsel vm0, $0x3F800000, v0  }
0x121: {  	v2 =	vsub.f32 v2, v3;
	_ =	sdelay $0x1  }
0x122: {  	vm12 =	veq.f32 v14, v34;
	vm13 =	vgt.f32 v2, $0.0e+00  }
0x123: {  	v3 =	vimm.s32 $0x0;
	vm0 =	vmand vm12, vm13  }
0x124: {  	v3 =	vsel vm0, $0xFFFFFFFF, v3  }
0x125: {  	[tilespmem:$0x1FEA0] =	vst v3;
	v3 =	vsel vm0, $0x3F800000, v0  }
0x126: {  	v2 =	vsub.f32 v2, v3;
	_ =	sdelay $0x1  }
0x127: {  	vm14 =	veq.f32 v15, v34;
	vm15 =	vgt.f32 v2, $0.0e+00  }
0x128: {  	vm12 =	vmand vm14, vm15  }
0x129: {  	v3 =	vsel vm12, $0x3F800000, v0  }
0x12a: {  	v2 =	vsub.f32 v2, v3;
	_ =	sdelay $0x1  }
0x12b: {  	vm6 =	veq.f32 v16, v34;
	vm7 =	vgt.f32 v2, $0.0e+00  }
0x12c: {  	v3 =	vimm.s32 $0x0;
	vm0 =	vmand vm6, vm7  }
0x12d: {  	v3 =	vsel vm0, $0xFFFFFFFF, v3  }
0x12e: {  	[tilespmem:$0x1FED0] =	vst v3;
	v3 =	vsel vm0, $0x3F800000, v0  }
0x12f: {  	v2 =	vsub.f32 v2, v3;
	_ =	sdelay $0x1  }
0x130: {  	vm8 =	veq.f32 v17, v34;
	vm9 =	vgt.f32 v2, $0.0e+00  }
0x131: {  	vm15 =	vmand vm8, vm9  }
0x132: {  	v3 =	vsel vm15, $0x3F800000, v0  }
0x133: {  	v2 =	vsub.f32 v2, v3;
	_ =	sdelay $0x1  }
0x134: {  	vm10 =	veq.f32 v18, v34;
	vm11 =	vgt.f32 v2, $0.0e+00  }
0x135: {  	vm14 =	vmand vm10, vm11  }
0x136: {  	v3 =	vsel vm14, $0x3F800000, v0  }
0x137: {  	v2 =	vsub.f32 v2, v3;
	_ =	sdelay $0x1  }
0x138: {  	vm13 =	veq.f32 v19, v34;
	vm6 =	vgt.f32 v2, $0.0e+00  }
0x139: {  	v3 =	vimm.s32 $0x0;
	vm0 =	vmand vm13, vm6  }
0x13a: {  	v3 =	vsel vm0, $0xFFFFFFFF, v3  }
0x13b: {  	[tilespmem:$0x1FF10] =	vst v3;
	v3 =	vsel vm0, $0x3F800000, v0  }
0x13c: {  	v2 =	vsub.f32 v2, v3;
	_ =	sdelay $0x1  }
0x13d: {  	vm7 =	veq.f32 v20, v34;
	vm8 =	vgt.f32 v2, $0.0e+00  }
0x13e: {  	vm7 =	vmand vm7, vm8  }
0x13f: {  	v3 =	vsel vm7, $0x3F800000, v0  }
0x140: {  	v2 =	vsub.f32 v2, v3;
	_ =	sdelay $0x1  }
0x141: {  	vm9 =	veq.f32 v21, v34;
	vm10 =	vgt.f32 v2, $0.0e+00  }
0x142: {  	vm13 =	vmand vm9, vm10  }
0x143: {  	v3 =	vsel vm13, $0x3F800000, v0  }
0x144: {  	v2 =	vsub.f32 v2, v3;
	_ =	sdelay $0x1  }
0x145: {  	vm11 =	veq.f32 v22, v34;
	vm6 =	vgt.f32 v2, $0.0e+00  }
0x146: {  	vm9 =	vmand vm11, vm6  }
0x147: {  	v3 =	vsel vm9, $0x3F800000, v0  }
0x148: {  	v2 =	vsub.f32 v2, v3;
	_ =	sdelay $0x1  }
0x149: {  	vm8 =	veq.f32 v23, v34;
	vm10 =	vgt.f32 v2, $0.0e+00  }
0x14a: {  	vm10 =	vmand vm8, vm10  }
0x14b: {  	v3 =	vsel vm10, $0x3F800000, v0  }
0x14c: {  	v2 =	vsub.f32 v2, v3;
	_ =	sdelay $0x1  }
0x14d: {  	vm11 =	veq.f32 v24, v34;
	vm6 =	vgt.f32 v2, $0.0e+00  }
0x14e: {  	vm11 =	vmand vm11, vm6  }
0x14f: {  	v3 =	vsel vm11, $0x3F800000, v0  }
0x150: {  	v2 =	vsub.f32 v2, v3;
	_ =	sdelay $0x1  }
0x151: {  	v60 =	vld [tilespmem:$0x1FD50];
	vm8 =	veq.f32 v26, v34;
	vm6 =	vgt.f32 v2, $0.0e+00  }
0x152: {  	v61 =	vld [tilespmem:$0x1FD60];
	vm6 =	vmand vm8, vm6  }
0x153: {  	v3 =	vsel vm6, $0x3F800000, v0  }
0x154: {  	v62 =	vld [tilespmem:$0x1FD70];
	v2 =	vsub.f32 v2, v3  }
0x155: {  	v8 =	vld [tilespmem:$0x1FD80]  }
0x156: {  	v9 =	vld [tilespmem:$0x1FD90];
	vm0 =	veq.f32 v31, v34;
	vm8 =	vgt.f32 v2, $0.0e+00  }
0x157: {  	vm1 =	vnez.u8 v61;
	v12 =	vld [tilespmem:$0x1FDA0];
	vm8 =	vmand vm0, vm8;
	vm0 =	vnez.u8 v60  }
0x158: {  	v13 =	vld [tilespmem:$0x1FDB0];
	v3 =	vsel vm8, $0x3F800000, v0;
	vm0 =	vmor vm0, vm1  }
0x159: {  	v2 =	vsub.f32 v2, v3;
	v3 =	vsel vm0, $0x0, v1;
	vm0 =	vnez.u8 v62  }
0x15a: {  	vm0 =	vmor vm0, vm2;
	vm2 =	vnez.u8 v8  }
0x15b: {  	v63 =	vsel vm0, $0x0, v1;
	vm2 =	vmor vm2, vm3;
	vm3 =	vnez.u8 v9  }
0x15c: {  	v14 =	vld [tilespmem:$0x1FDC0];
	vm0 =	veq.f32 v33, v34;
	vm1 =	vgt.f32 v2, $0.0e+00;
	vm3 =	vmor vm3, vm5  }
0x15d: {  	v15 =	vld [tilespmem:$0x1FDD0];
	vm5 =	vmand vm0, vm1;
	vm0 =	vnez.u8 v12;
	vm1 =	vnez.u8 v13  }
0x15e: {  	v17 =	vld [tilespmem:$0x1FDE0];
	[tilespmem:s11+$0x8000] =	vst v3;
	v3 =	vsel vm2, $0x0, v1;
	vm0 =	vmor vm0, vm1  }
0x15f: {  	v18 =	vld [tilespmem:$0x1FDF0];
	[tilespmem:s11+$0x8100] =	vst v3;
	v3 =	vsel vm0, $0x0, v1  }
0x160: {  	[tilespmem:s11+$0x8200] =	vst v3;
	v3 =	vld [tilespmem:$0x1FE00];
	_ =	sdelay $0x2  }
0x161: {  	vm2 =	vnez.u8 v15;
	vm1 =	vnez.u8 v14  }
0x162: {  	vm2 =	vmor vm1, vm2;
	vm0 =	vnez.u8 v17;
	vm1 =	vnez.u8 v18  }
0x163: {  	vm0 =	vmor vm0, vm1;
	vm1 =	vnez.u8 v3;
	v3 =	vld [tilespmem:$0x1FE10];
	_ =	sdelay $0x4  }
0x164: {  	v10 =	vsel vm3, $0x0, v1;
	vm3 =	vnez.u8 v3;
	v3 =	vld [tilespmem:$0x1FE20]  }
0x165: {  	v22 =	vld [tilespmem:$0x1FE30]  }
0x166: {  	v23 =	vld [tilespmem:$0x1FE40];
	v11 =	vsel vm5, $0x3F800000, v0  }
0x167: {  	v2 =	vsub.f32 v2, v11  }
0x168: {  	v16 =	vsel vm2, $0x0, v1;
	v19 =	vsel vm0, $0x0, v1;
	vm0 =	veq.f32 v32, v34  }
0x169: {  	[tilespmem:s11+$0x8080] =	vst v63;
	vm2 =	vgt.f32 v2, $0.0e+00;
	vm3 =	vmor vm1, vm3;
	vm1 =	vnez.u8 v3  }
0x16a: {  	v24 =	vld [tilespmem:$0x1FE50];
	[tilespmem:s11+$0x8180] =	vst v10;
	vm1 =	vmor vm1, vm4;
	vm4 =	vmand vm0, vm2  }
0x16b: {  	v26 =	vld [tilespmem:$0x1FE60];
	[tilespmem:s11+$0x8280] =	vst v16;
	vm0 =	vnez.u8 v22;
	v20 =	vsel vm1, $0x0, v1;
	vm1 =	vnez.u8 v23  }
0x16c: {  	v33 =	vld [tilespmem:$0x1FE80];
	[tilespmem:s11+$0x8300] =	vst v19;
	v3 =	vsel vm3, $0x0, v1;
	vm1 =	vmor vm0, vm1  }
0x16d: {  	v32 =	vld [tilespmem:$0x1FE70];
	[tilespmem:s31+$0x8000] =	vst v3;
	v3 =	vsel vm1, $0x0, v1  }
0x16e: {  	[tilespmem:s11+$0xA080] =	vst v3;
	v3 =	vld [tilespmem:$0x1FE90];
	_ =	sdelay $0x2  }
0x16f: {  	vm2 =	vnez.u8 v26;
	vm0 =	vnez.u8 v24  }
0x170: {  	vm2 =	vmor vm0, vm2;
	vm0 =	vnez.u8 v32;
	vm1 =	vnez.u8 v33  }
0x171: {  	vm1 =	vmor vm0, vm1;
	vm0 =	vnez.u8 v3;
	v3 =	vld [tilespmem:$0x1FEA0];
	_ =	sdelay $0x4  }
0x172: {  	vm3 =	vnez.u8 v3;
	v3 =	vld [tilespmem:$0x1FEB0]  }
0x173: {  	v38 =	vld [tilespmem:$0x1FEC0];
	v21 =	vsel vm4, $0x3F800000, v0  }
0x174: {  	v39 =	vld [tilespmem:$0x1FED0];
	v2 =	vsub.f32 v2, v21;
	_ =	sdelay $0x1  }
0x175: {  	v31 =	vsel vm2, $0x0, v1;
	vm2 =	vgt.f32 v2, $0.0e+00;
	v35 =	vsel vm1, $0x0, v1  }
0x176: {  	vm1 =	veq.f32 v30, v34;
	vm3 =	vmor vm0, vm3;
	vm0 =	vnez.u8 v3  }
0x177: {  	vm0 =	vmor vm0, vm12;
	vm12 =	vmand vm1, vm2  }
0x178: {  	[tilespmem:$0x1FFF0] =	vst v36;
	vm1 =	vnez.u8 v39;
	v36 =	vsel vm0, $0x0, v1;
	vm0 =	vnez.u8 v38  }
0x179: {  	v40 =	vld [tilespmem:$0x1FEE0];
	v3 =	vsel vm3, $0x0, v1;
	vm0 =	vmor vm0, vm1  }
0x17a: {  	v42 =	vld [tilespmem:$0x1FEF0];
	[tilespmem:s11+$0xA200] =	vst v3;
	v3 =	vsel vm0, $0x0, v1  }
0x17b: {  	[tilespmem:s11+$0xA300] =	vst v3;
	v3 =	vld [tilespmem:$0x1FF00];
	_ =	sdelay $0x2  }
0x17c: {  	vm1 =	vnez.u8 v40  }
0x17d: {  	vm1 =	vmor vm1, vm15;
	vm15 =	vnez.u8 v42  }
0x17e: {  	vm0 =	vmor vm15, vm14;
	vm15 =	vnez.u8 v3;
	v3 =	vld [tilespmem:$0x1FF10];
	_ =	sdelay $0x3  }
0x17f: {  	v46 =	vld [tilespmem:$0x1FF30]  }
0x180: {  	v37 =	vsel vm12, $0x3F800000, v0;
	vm14 =	vnez.u8 v3;
	v3 =	vld [tilespmem:$0x1FF20]  }
0x181: {  	v2 =	vsub.f32 v2, v37  }
0x182: {  	[tilespmem:s11+$0xA000] =	vst v20  }
0x183: {  	[tilespmem:s11+$0xA100] =	vst v31;
	v41 =	vsel vm1, $0x0, v1;
	vm1 =	vgt.f32 v2, $0.0e+00  }
0x184: {  	[tilespmem:s11+$0xA180] =	vst v35;
	v43 =	vsel vm0, $0x0, v1;
	vm0 =	veq.f32 v29, v34;
	vm2 =	vmor vm15, vm14  }
0x185: {  	v47 =	vld [tilespmem:$0x1FF40];
	[tilespmem:s11+$0xA280] =	vst v36;
	vm14 =	vnez.u8 v46;
	vm15 =	vnez.u8 v3;
	v3 =	vsel vm2, $0x0, v1  }
0x186: {  	v49 =	vld [tilespmem:$0x1FF50];
	[tilespmem:s13+$0x8000] =	vst v41;
	vm3 =	vmor vm15, vm7;
	vm7 =	vmand vm0, vm1;
	vm0 =	vmor vm14, vm13  }
0x187: {  	v53 =	vld [tilespmem:$0x1FF80];
	[tilespmem:s11+$0xC080] =	vst v3;
	v3 =	vsel vm0, $0x0, v1  }
0x188: {  	[tilespmem:s11+$0xC180] =	vst v3;
	v3 =	vld [tilespmem:$0x1FF60]  }
0x189: {  	v56 =	vld [tilespmem:$0x1FFA0]  }
0x18a: {  	v57 =	vld [tilespmem:$0x1FFB0]  }
0x18b: {  	v61 =	vld [tilespmem:$0x1FFD0];
	vm15 =	vnez.u8 v47;
	vm13 =	veq.f32 v27, v34;
	v44 =	vsel vm3, $0x0, v1  }
0x18c: {  	v45 =	vsel vm7, $0x3F800000, v0;
	vm1 =	vmor vm15, vm9;
	vm9 =	vnez.u8 v49  }
0x18d: {  	v2 =	vsub.f32 v2, v45;
	vm0 =	vmor vm9, vm10;
	vm15 =	vnez.u8 v3;
	v3 =	vld [tilespmem:$0x1FF70]  }
0x18e: {  	v54 =	vld [tilespmem:$0x1FF90];
	v48 =	vsel vm1, $0x0, v1;
	vm10 =	vnez.u8 v53;
	v50 =	vsel vm0, $0x0, v1  }
0x18f: {  	vm1 =	vmor vm10, vm8;
	vm8 =	vnez.u8 v57;
	vm14 =	vgt.f32 v2, $0.0e+00  }
0x190: {  	[tilespmem:s11+$0xC000] =	vst v43;
	vm10 =	vnez.u8 v61;
	vm0 =	vmand vm13, vm14;
	vm13 =	vnez.u8 v56  }
0x191: {  	v58 =	vld [tilespmem:$0x1FFC0];
	[tilespmem:s11+$0xC100] =	vst v44;
	vm14 =	veq.f32 v28, v34;
	v52 =	vsel vm0, $0x3F800000, v0;
	vm0 =	vmor vm10, vm0  }
0x192: {  	[tilespmem:s11+$0xC200] =	vst v48;
	v2 =	vsub.f32 v2, v52;
	vm2 =	vmor vm15, vm11;
	vm9 =	vnez.u8 v3  }
0x193: {  	v62 =	vld [tilespmem:$0x1FFE0];
	[tilespmem:s11+$0xC280] =	vst v50;
	vm11 =	vnez.u8 v54;
	v3 =	vsel vm2, $0x0, v1;
	vm3 =	vmor vm9, vm6  }
0x194: {  	v63 =	vld [tilespmem:$0x1FFF0];
	vm15 =	vgt.f32 v2, $0.0e+00;
	vm2 =	vmor vm11, vm5;
	[tilespmem:s11+$0xC300] =	vst v3;
	v51 =	vsel vm3, $0x0, v1  }
0x195: {  	vm11 =	veq.f32 v25, v34;
	v3 =	vsel vm1, $0x0, v1;
	v55 =	vsel vm2, $0x0, v1;
	[tilespmem:s14+$0x8000] =	vst v51  }
0x196: {  	vm1 =	vmor vm13, vm4;
	vm9 =	vnez.u8 v58;
	vm3 =	vmor vm8, vm12;
	[tilespmem:s11+$0xE000] =	vst v3  }
0x197: {  	v59 =	vsel vm3, $0x0, v1;
	v3 =	vsel vm1, $0x0, v1;
	vm1 =	vmand vm14, vm15;
	[tilespmem:s11+$0xE080] =	vst v55  }
0x198: {  	p0 =	sne.s32 s10, $0x3F0;
	vm13 =	vnez.u8 v62;
	vm4 =	vmor vm9, vm7;
	[tilespmem:s11+$0xE180] =	vst v59;
	v60 =	vsel vm1, $0x3F800000, v0  }
.Ltmp0:
0x199: {  	vm15 =	vnez.u8 v63;
	[tilespmem:s11+$0xE100] =	vst v3;
	v3 =	vsel vm4, $0x0, v1;
	vm12 =	vgt.f32 v2, v60;
	(pc) =	sbr.rel @p0 .LBB2_2-.Ltmp0, $4  }
0x19a: {  	v2 =	vsel vm0, $0x0, v1;
	vm0 =	vmor vm13, vm1;
	[tilespmem:s11+$0xE200] =	vst v3;
	vm14 =	vmand vm11, vm12  }
0x19b: {  	v3 =	vsel vm0, $0x0, v1;
	[tilespmem:s11+$0xE280] =	vst v2;
	vm0 =	vmor vm15, vm14  }
0x19c: {  	[tilespmem:s11+$0xE300] =	vst v3;
	v2 =	vsel vm0, $0x0, v1  }
0x19d: {  	s9 =	sadd.s32 $0x80, s9;
	s10 =	sadd.s32 $0x10, s10;
	[tilespmem:s15+$0x8000] =	vst v2  }
0x19e: {  	s8 =	sadd.s32 $0x1, s8  }
0x19f: {  	p0 =	sne.s32 s8, s5  }
.Ltmp1:
0x1a0: {  	_ = 	snop;
	(pc) =	sbr.rel @p0 .LBB2_1-.Ltmp1, $4  }
0x1a1: {  	[hbm4b:s4+s2] =	stream.linear.scatter [tilespmem:s7], [sflag:$0x1], $0x8000, $0x38;
	[tilespmem:$0x10000] =	vst v63  }
0x1a2: {  	_ =	swait.ge [sflag:s6], $0x8000  }
0x1a3: {  	[sflag:s6] =	ssyncset.done $0x0  }
0x1a4: {  	[sflag:s6] =	ssyncadd.s32 $0xFFFF8000  }
0x1a5: {  	_ =	sfence.sel $0x180000  }
0x1a6: {  	[bflag:$0x0] =	sbarrier.arrive $0xFFFF  }
0x1a7: {  	p0 =	sne.s32 s1, $0x0;
	_ =	strace $0x90000047  }
0x1a8: {  	s0 =	sadd.s32 @!p0 $0x100000, s0;
	[bflag:$0x2] =	sbarrier.arrive $0xFFFF  }
0x1a9: {  	[sflag:s0] =	ssyncadd.tile.s32 @!p0 $0x1;
	_ =	shalt  }
.Lfunc_end2:
_tile_overlayer_lowered:
.L_overlay_start_2:
0x1aa: {  	(tag) =	ssettag $0x2  }
0x1ab: {  	s0 =	rddreg [dreg:$0x0];
	s2 =	stileid.u32  }
0x1ac: {  	s1 =	rddreg [dreg:$0x1];
	p0 =	sne.s32 s2, $0x0  }
0x1ad: {  	s3 =	rddreg [dreg:$0x2];
	[bflag:$0x3] =	sbarrier.arrive $0xFFFF;
	s2 =	simm.s32 @!p0 $0x1C01  }
0x1ae: {  	[timem:s3], [sflag:s2] =	dma.local @!p0 [hbm:s0], s1  }
0x1af: {  	s0 =	simm.s32 @!p0 $0x1  }
0x1b0: {  	_ =	swait.ge @!p0 [sflag:s0], s1  }
0x1b1: {  	s1 =	ssub.s32 @!p0 $0x0, s1;
	[sflag:s0] =	ssyncset.done @!p0 $0x0  }
0x1b2: {  	[sflag:s0] =	ssyncadd.s32 @!p0 s1  }
0x1b3: {  	[bflag:$0x3] =	sbarrier.arrive $0xFFFF  }
0x1b4: {  	_ =	shalt  }

</sc_bundles>
